<compile_context>
chip_gen: v7x
topology: tpu7x:2x2x1
jax: 0.10.2.dev20260603
libtpu: 0.0.44.dev20260713+nightly
codegen_flags: <defaults>
</compile_context>

<pallas_src>
import functools

import jax
import jax.numpy as jnp
from jax import lax
from jax.experimental import pallas as pl
from jax.experimental.pallas import tpu as pltpu
from jax.experimental.pallas import tpu_sc as plsc

_EPS = 1e-5
_NC = 2
_NS = 16


def _make_deg_kernel(E, n_pad):
    per_tile = E // (_NC * _NS)
    n_per_tile = n_pad // _NS
    full_iters = per_tile // 16
    tail = per_tile - full_iters * 16
    n_iters = full_iters + (1 if tail else 0)
    buf_len = n_iters * 16

    mesh = plsc.VectorSubcoreMesh(core_axis_name="c", subcore_axis_name="s")

    @functools.partial(
        pl.kernel,
        mesh=mesh,
        out_type=jax.ShapeDtypeStruct((_NC, n_pad), jnp.float32),
        scratch_types=[
            pltpu.VMEM((buf_len,), jnp.int32),
            pltpu.VMEM((n_pad,), jnp.float32),
            pltpu.VMEM((_NS, n_per_tile), jnp.float32),
            pltpu.VMEM_SHARED((_NS, n_pad), jnp.float32),
        ],
        compiler_params=pltpu.CompilerParams(needs_layout_passes=False),
    )
    def deg_kernel(dst_hbm, out_hbm, dstbuf, hist, colbuf, shared):
        core = lax.axis_index("c")
        sub = lax.axis_index("s")
        base = core * (_NS * per_tile) + sub * per_tile
        pltpu.sync_copy(dst_hbm.at[pl.ds(base, per_tile)],
                        dstbuf.at[pl.ds(0, per_tile)])

        zeros16 = jnp.zeros((16,), jnp.float32)

        def zbody(i, _):
            hist[pl.ds(i * 16, 16)] = zeros16
            return 0

        lax.fori_loop(0, n_pad // 16, zbody, 0, unroll=8)

        ones16 = jnp.ones((16,), jnp.float32)
        iota16 = lax.iota(jnp.int32, 16)

        def hbody(i, _):
            idx = dstbuf[pl.ds(i * 16, 16)]
            lim = jnp.where(i < full_iters, 16, tail)
            plsc.addupdate_scatter(hist, [idx], ones16, mask=iota16 < lim)
            return 0

        lax.fori_loop(0, n_iters, hbody, 0)

        pltpu.sync_copy(hist, shared.at[sub])
        plsc.subcore_barrier()
        pltpu.sync_copy(shared.at[:, pl.ds(sub * n_per_tile, n_per_tile)], colbuf)

        def sbody(j, _):
            s = colbuf[0, pl.ds(j * 16, 16)]
            for r in range(1, _NS):
                s = s + colbuf[r, pl.ds(j * 16, 16)]
            colbuf[0, pl.ds(j * 16, 16)] = s
            return 0

        lax.fori_loop(0, n_per_tile // 16, sbody, 0)
        pltpu.sync_copy(colbuf.at[0],
                        out_hbm.at[core, pl.ds(sub * n_per_tile, n_per_tile)])

    return deg_kernel


def _make_agg_kernel(N, E, n_pad, half, n_batches, batch, ring=4):
    RING = ring
    IRING = 2 * ring
    n_per_tile = n_pad // _NS
    per_tile = E // _NS
    n_groups = (n_batches - 1) // IRING
    rest = list(range(n_groups * IRING + 1, n_batches))

    mesh = plsc.VectorSubcoreMesh(core_axis_name="c", subcore_axis_name="s")

    @functools.partial(
        pl.kernel,
        mesh=mesh,
        out_type=jax.ShapeDtypeStruct((_NC, n_pad, half), jnp.float32),
        scratch_types=(
            [pltpu.VMEM((batch,), jnp.int32)] * IRING
            + [pltpu.VMEM((batch,), jnp.int32)] * IRING
            + [pltpu.VMEM((batch, half), jnp.float32)] * RING
            + [pltpu.VMEM_SHARED((n_pad, half), jnp.float32)]
            + [pltpu.SemaphoreType.DMA] * (IRING + 2 * RING)
        ),
    )
    def agg_kernel(srcp_hbm, dstp_hbm, hs_hbm, out_hbm, *sc):
        sidx = sc[0:IRING]
        didx = sc[IRING:2 * IRING]
        rows = sc[2 * IRING:2 * IRING + RING]
        acc = sc[2 * IRING + RING]
        semi = sc[2 * IRING + RING + 1:2 * IRING + RING + 1 + IRING]
        semg = sc[3 * IRING + RING + 1:3 * IRING + 2 * RING + 1]
        sems = sc[3 * IRING + 2 * RING + 1:3 * IRING + 3 * RING + 1]
        core = lax.axis_index("c")
        sub = lax.axis_index("s")
        tbase = sub * per_tile

        pltpu.sync_copy(
            hs_hbm.at[pl.ds(core * n_pad + sub * n_per_tile, n_per_tile)],
            acc.at[pl.ds(sub * n_per_tile, n_per_tile)])

        def idx_start(j, q):
            off = tbase + j * batch
            pltpu.async_copy(srcp_hbm.at[pl.ds(core * E + off, batch)],
                             sidx[q], semi[q])
            pltpu.async_copy(dstp_hbm.at[pl.ds(off, batch)], didx[q], semi[q])

        def idx_wait(q):
            pltpu.make_async_copy(dstp_hbm.at[pl.ds(0, batch)], sidx[q],
                                  semi[q]).wait()
            pltpu.make_async_copy(dstp_hbm.at[pl.ds(0, batch)], didx[q],
                                  semi[q]).wait()

        def gather_start(b, q):
            pltpu.async_copy(hs_hbm.at[sidx[q]], rows[b], semg[b])

        def gather_wait(b):
            pltpu.make_async_copy(hs_hbm.at[sidx[0]], rows[b], semg[b]).wait()

        def scatter_start(b, q):
            pltpu.async_copy(rows[b], acc.at[didx[q]], sems[b], add=True)

        def scatter_wait(b):
            pltpu.make_async_copy(rows[b], acc.at[didx[0]], sems[b]).wait()

        plsc.subcore_barrier()

        for k in range(IRING - 1):
            idx_start(k, k)
        for k in range(RING - 1):
            idx_wait(k)
            gather_start(k, k)
        gather_wait(0)
        scatter_start(0, 0)
        idx_wait(RING - 1)
        gather_start(RING - 1, RING - 1)
        idx_start(IRING - 1, IRING - 1)

        def step(j, b, q):
            bp = (b + RING - 1) % RING
            gather_wait(b)
            scatter_start(b, q)

            @pl.when(j + RING - 1 < n_batches)
            def _():
                scatter_wait(bp)
                idx_wait((q + RING - 1) % IRING)
                gather_start(bp, (q + RING - 1) % IRING)

            @pl.when(j + IRING - 1 < n_batches)
            def _():
                idx_start(j + IRING - 1, (q + IRING - 1) % IRING)

        def group_body(g, _):
            for off in range(IRING):
                j = g * IRING + 1 + off
                step(j, (1 + off) % RING, (1 + off) % IRING)
            return 0

        lax.fori_loop(0, n_groups, group_body, 0)

        for j in rest:
            step(j, j % RING, j % IRING)

        for j in range(n_batches - RING, n_batches):
            scatter_wait(j % RING)

        plsc.subcore_barrier()
        pltpu.sync_copy(acc.at[pl.ds(sub * n_per_tile, n_per_tile)],
                        out_hbm.at[core, pl.ds(sub * n_per_tile, n_per_tile)])

    return agg_kernel


def _make_bn_kernel(N, C, n_pad):
    half = C // 2

    def body(x_ref, w_ref, b_ref, g_ref, be_ref, degc_ref, out_ref):
        X = x_ref[...]
        W = w_ref[...]
        H = lax.dot_general(X, W, (((1,), (1,)), ((), ())),
                            preferred_element_type=jnp.float32)
        H = H + b_ref[...]
        mean = jnp.mean(H, axis=0, keepdims=True)
        var = jnp.mean(H * H, axis=0, keepdims=True) - mean * mean
        Hn = g_ref[...] * (H - mean) * lax.rsqrt(var + _EPS) + be_ref[...]
        deg = degc_ref[pl.ds(0, N), 0:1] + degc_ref[pl.ds(0, N), 1:2] + 1.0
        dinv = lax.rsqrt(deg)
        Hs = Hn * dinv
        out_ref[pl.ds(0, N), :] = Hs[:, :half]
        out_ref[pl.ds(n_pad, N), :] = Hs[:, half:]

    return pl.pallas_call(
        body,
        out_shape=jax.ShapeDtypeStruct((2 * n_pad, half), jnp.float32),
    )


def _make_out_kernel(N, C, n_pad):
    half = C // 2

    blk = 2000

    def body(acc_ref, degc_ref, out_ref):
        deg = degc_ref[:, 0:1] + degc_ref[:, 1:2] + 1.0
        dinv = lax.rsqrt(deg)
        out_ref[:, 0:half] = jnp.maximum(acc_ref[0] * dinv, 0.0)
        out_ref[:, half:C] = jnp.maximum(acc_ref[1] * dinv, 0.0)

    return pl.pallas_call(
        body,
        grid=(N // blk,),
        in_specs=[
            pl.BlockSpec((_NC, blk, half), lambda i: (0, i, 0)),
            pl.BlockSpec((blk, 2), lambda i: (i, 0)),
        ],
        out_specs=pl.BlockSpec((blk, C), lambda i: (i, 0)),
        out_shape=jax.ShapeDtypeStruct((N, C), jnp.float32),
    )


def kernel(X, edge_index, W, b, gamma, beta):
    N, C = X.shape
    E = edge_index.shape[1]
    half = C // 2
    n_per_tile = -(-N // (_NS * 16)) * 16
    n_pad = n_per_tile * _NS

    src = edge_index[0]
    dst = edge_index[1]

    degp = _make_deg_kernel(E, n_pad)(dst)
    degc = jnp.transpose(degp)
    b2 = jnp.reshape(b, (1, C))
    g2 = jnp.reshape(gamma, (1, C))
    be2 = jnp.reshape(beta, (1, C))
    hs = _make_bn_kernel(N, C, n_pad)(X, W, b2, g2, be2, degc)

    per_tile = E // _NS
    batch = 40
    n_batches = per_tile // batch
    srcp = jnp.concatenate([src, src + n_pad])

    acc = _make_agg_kernel(N, E, n_pad, half, n_batches, batch, ring=6)(
        srcp, dst, hs)
    out = _make_out_kernel(N, C, n_pad)(acc, degc)
    return out

# --- scband reference (transcript-rebuilt; emitter-appended) ---
"""Pipeline reference for scband-hypergcn-graph-conv-13065290514690 (READ-ONLY COPY).

The authoritative reference and input builder live on the scoring server;
editing this copy changes nothing except your own understanding.
"""

import jax, jax.numpy as jnp
import numpy as np

N, E, C = 10000, 160000, 256
EPS = 1e-5

def setup_inputs(seed: int = 0) -> dict:
    key = jax.random.key(seed)
    k1, k2, k3 = jax.random.split(key, 3)
    X = jax.random.normal(k1, (N, C), dtype=jnp.float32)
    edge_index = jax.random.randint(k2, (2, E), 0, N, dtype=jnp.int32)
    W = jax.random.normal(k3, (C, C), dtype=jnp.float32) * (1.0 / np.sqrt(C))
    b = jnp.zeros((C,), dtype=jnp.float32)
    gamma = jnp.ones((C,), dtype=jnp.float32)
    beta = jnp.zeros((C,), dtype=jnp.float32)
    return {"X": X, "edge_index": edge_index, "W": W, "b": b, "gamma": gamma, "beta": beta}

def reference(X, edge_index, W, b, gamma, beta):
    n = X.shape[0]
    # theta: Linear
    H = X @ W.T + b
    # BatchNorm1d (training-mode batch statistics, biased variance)
    mean = H.mean(axis=0)
    var = H.var(axis=0)
    H = gamma * (H - mean) / jnp.sqrt(var + EPS) + beta
    # G.smoothing_with_GCN: D^-1/2 (A + I) D^-1/2 X
    src = edge_index[0]
    dst = edge_index[1]
    loop = jnp.arange(n, dtype=src.dtype)
    src_all = jnp.concatenate([src, loop])
    dst_all = jnp.concatenate([dst, loop])
    deg = jax.ops.segment_sum(jnp.ones_like(dst_all, dtype=H.dtype), dst_all, num_segments=n)
    dinv = jnp.where(deg > 0, 1.0 / jnp.sqrt(deg), 0.0)
    norm = dinv[src_all] * dinv[dst_all]
    out = jax.ops.segment_sum(H[src_all] * norm[:, None], dst_all, num_segments=n)
    # ReLU; dropout is identity in deterministic/eval reference
    out = jax.nn.relu(out)
    return out

if __name__ == "__main__":
    import jax
    _d = setup_inputs()
    print(jax.jit(kernel)(*tuple(_d.values())))

</pallas_src>

<mosaic_0001>
#map = affine_map<(d0, d1) -> (0)>
#map1 = affine_map<(d0, d1) -> (0, 0)>
#map2 = affine_map<(d0, d1) -> (0, 0, 0)>
module attributes {stable_mosaic.version = 14 : i64} {
  func.func @agg_kernel(%arg0: i32, %arg1: i32, %arg2: memref<320000xi32, #tpu.memory_space<hbm>>, %arg3: memref<160000xi32, #tpu.memory_space<hbm>>, %arg4: memref<20480x128xf32, #tpu.memory_space<hbm>>, %arg5: memref<2x10240x128xf32, #tpu.memory_space<hbm>>, %arg6: memref<40xi32, #tpu.memory_space<vmem>>, %arg7: memref<40xi32, #tpu.memory_space<vmem>>, %arg8: memref<40xi32, #tpu.memory_space<vmem>>, %arg9: memref<40xi32, #tpu.memory_space<vmem>>, %arg10: memref<40xi32, #tpu.memory_space<vmem>>, %arg11: memref<40xi32, #tpu.memory_space<vmem>>, %arg12: memref<40xi32, #tpu.memory_space<vmem>>, %arg13: memref<40xi32, #tpu.memory_space<vmem>>, %arg14: memref<40xi32, #tpu.memory_space<vmem>>, %arg15: memref<40xi32, #tpu.memory_space<vmem>>, %arg16: memref<40xi32, #tpu.memory_space<vmem>>, %arg17: memref<40xi32, #tpu.memory_space<vmem>>, %arg18: memref<40xi32, #tpu.memory_space<vmem>>, %arg19: memref<40xi32, #tpu.memory_space<vmem>>, %arg20: memref<40xi32, #tpu.memory_space<vmem>>, %arg21: memref<40xi32, #tpu.memory_space<vmem>>, %arg22: memref<40xi32, #tpu.memory_space<vmem>>, %arg23: memref<40xi32, #tpu.memory_space<vmem>>, %arg24: memref<40xi32, #tpu.memory_space<vmem>>, %arg25: memref<40xi32, #tpu.memory_space<vmem>>, %arg26: memref<40xi32, #tpu.memory_space<vmem>>, %arg27: memref<40xi32, #tpu.memory_space<vmem>>, %arg28: memref<40xi32, #tpu.memory_space<vmem>>, %arg29: memref<40xi32, #tpu.memory_space<vmem>>, %arg30: memref<40x128xf32, #tpu.memory_space<vmem>>, %arg31: memref<40x128xf32, #tpu.memory_space<vmem>>, %arg32: memref<40x128xf32, #tpu.memory_space<vmem>>, %arg33: memref<40x128xf32, #tpu.memory_space<vmem>>, %arg34: memref<40x128xf32, #tpu.memory_space<vmem>>, %arg35: memref<40x128xf32, #tpu.memory_space<vmem>>, %arg36: memref<10240x128xf32, #tpu.memory_space<vmem_shared>>, %arg37: memref<!tpu.dma_semaphore, #tpu.memory_space<semaphore_mem>>, %arg38: memref<!tpu.dma_semaphore, #tpu.memory_space<semaphore_mem>>, %arg39: memref<!tpu.dma_semaphore, #tpu.memory_space<semaphore_mem>>, %arg40: memref<!tpu.dma_semaphore, #tpu.memory_space<semaphore_mem>>, %arg41: memref<!tpu.dma_semaphore, #tpu.memory_space<semaphore_mem>>, %arg42: memref<!tpu.dma_semaphore, #tpu.memory_space<semaphore_mem>>, %arg43: memref<!tpu.dma_semaphore, #tpu.memory_space<semaphore_mem>>, %arg44: memref<!tpu.dma_semaphore, #tpu.memory_space<semaphore_mem>>, %arg45: memref<!tpu.dma_semaphore, #tpu.memory_space<semaphore_mem>>, %arg46: memref<!tpu.dma_semaphore, #tpu.memory_space<semaphore_mem>>, %arg47: memref<!tpu.dma_semaphore, #tpu.memory_space<semaphore_mem>>, %arg48: memref<!tpu.dma_semaphore, #tpu.memory_space<semaphore_mem>>, %arg49: memref<!tpu.dma_semaphore, #tpu.memory_space<semaphore_mem>>, %arg50: memref<!tpu.dma_semaphore, #tpu.memory_space<semaphore_mem>>, %arg51: memref<!tpu.dma_semaphore, #tpu.memory_space<semaphore_mem>>, %arg52: memref<!tpu.dma_semaphore, #tpu.memory_space<semaphore_mem>>, %arg53: memref<!tpu.dma_semaphore, #tpu.memory_space<semaphore_mem>>, %arg54: memref<!tpu.dma_semaphore, #tpu.memory_space<semaphore_mem>>, %arg55: memref<!tpu.dma_semaphore, #tpu.memory_space<semaphore_mem>>, %arg56: memref<!tpu.dma_semaphore, #tpu.memory_space<semaphore_mem>>, %arg57: memref<!tpu.dma_semaphore, #tpu.memory_space<semaphore_mem>>, %arg58: memref<!tpu.dma_semaphore, #tpu.memory_space<semaphore_mem>>, %arg59: memref<!tpu.dma_semaphore, #tpu.memory_space<semaphore_mem>>, %arg60: memref<!tpu.dma_semaphore, #tpu.memory_space<semaphore_mem>>) attributes {dimension_semantics = [#tpu.dimension_semantics<core_parallel>, #tpu.dimension_semantics<subcore_parallel>], iteration_bounds = array<i64: 2, 16>, scalar_prefetch = 0 : i64, scratch_operands = 55 : i64, tpu.core_type = #tpu.core_type<sc_vector_subcore>, window_params = [{transform_indices = #map}, {transform_indices = #map}, {transform_indices = #map1}, {transform_indices = #map2}]} {
    %mul3A = arith.constant 10000 : i32
    %mul3A_0 = arith.muli %arg1, %mul3A : i32
    %mul3A_1 = arith.constant 10240 : i32
    %mul3A_2 = arith.muli %arg0, %mul3A_1 : i32
    %mul3A_3 = arith.constant 640 : i32
    %mul3A_4 = arith.muli %arg1, %mul3A_3 : i32
    %add3A = arith.addi %mul3A_2, %mul3A_4 : i32
    %mul3A_5 = arith.constant 640 : i32
    %mul3A_6 = arith.muli %arg1, %mul3A_5 : i32
    "tpu.region"() ({
      %run_scoped3A = tpu.sem_alloc : memref<!tpu.dma_semaphore, #tpu.memory_space<semaphore_mem>>
      %dma_start3A_324 = arith.constant 0 : i32
      %dma_start3A_325 = tpu.memref_slice %arg36[%mul3A_6, %dma_start3A_324] : memref<10240x128xf32, #tpu.memory_space<vmem_shared>> -> memref<640x128xf32, #tpu.memory_space<vmem_shared>>
      %dma_start3A_326 = arith.constant 0 : i32
      %dma_start3A_327 = tpu.memref_slice %arg4[%add3A, %dma_start3A_326] : memref<20480x128xf32, #tpu.memory_space<hbm>> -> memref<640x128xf32, #tpu.memory_space<hbm>>
      tpu.enqueue_dma source(%dma_start3A_327 : memref<640x128xf32, #tpu.memory_space<hbm>>) target(%dma_start3A_325 : memref<640x128xf32, #tpu.memory_space<vmem_shared>>) target_semaphore(%run_scoped3A : memref<!tpu.dma_semaphore, #tpu.memory_space<semaphore_mem>>)
      %dma_wait3A_328 = arith.constant 0 : i32
      %dma_wait3A_329 = tpu.memref_slice %arg36[%mul3A_6, %dma_wait3A_328] : memref<10240x128xf32, #tpu.memory_space<vmem_shared>> -> memref<640x128xf32, #tpu.memory_space<vmem_shared>>
      %dma_wait3A_330 = arith.constant 0 : i32
      %dma_wait3A_331 = tpu.memref_slice %arg4[%add3A, %dma_wait3A_330] : memref<20480x128xf32, #tpu.memory_space<hbm>> -> memref<640x128xf32, #tpu.memory_space<hbm>>
      tpu.wait_dma2 semaphore(%run_scoped3A : memref<!tpu.dma_semaphore, #tpu.memory_space<semaphore_mem>>) src(%dma_wait3A_331 : memref<640x128xf32, #tpu.memory_space<hbm>>) dst(%dma_wait3A_329 : memref<640x128xf32, #tpu.memory_space<vmem_shared>>)
      tpu.yield
    }) : () -> ()
    %barrier3A = arith.constant 0 : index
    tpu.barrier barrier_id(%barrier3A)
    %add3A_7 = arith.constant 0 : i32
    %add3A_8 = arith.addi %mul3A_0, %add3A_7 : i32
    %mul3A_9 = arith.constant 160000 : i32
    %mul3A_10 = arith.muli %arg0, %mul3A_9 : i32
    %add3A_11 = arith.addi %mul3A_10, %add3A_8 : i32
    %dma_start3A = tpu.memref_slice %arg2[%add3A_11] : memref<320000xi32, #tpu.memory_space<hbm>> -> memref<40xi32, #tpu.memory_space<hbm>>
    %dma_start3A_12 = tpu.memref_slice %arg2[%add3A_11] : memref<320000xi32, #tpu.memory_space<hbm>> -> memref<40xi32, #tpu.memory_space<hbm>>
    tpu.enqueue_dma source(%dma_start3A_12 : memref<40xi32, #tpu.memory_space<hbm>>) target(%arg6 : memref<40xi32, #tpu.memory_space<vmem>>) target_semaphore(%arg37 : memref<!tpu.dma_semaphore, #tpu.memory_space<semaphore_mem>>)
    %dma_start3A_13 = tpu.memref_slice %arg3[%add3A_8] : memref<160000xi32, #tpu.memory_space<hbm>> -> memref<40xi32, #tpu.memory_space<hbm>>
    %dma_start3A_14 = tpu.memref_slice %arg3[%add3A_8] : memref<160000xi32, #tpu.memory_space<hbm>> -> memref<40xi32, #tpu.memory_space<hbm>>
    tpu.enqueue_dma source(%dma_start3A_14 : memref<40xi32, #tpu.memory_space<hbm>>) target(%arg18 : memref<40xi32, #tpu.memory_space<vmem>>) target_semaphore(%arg37 : memref<!tpu.dma_semaphore, #tpu.memory_space<semaphore_mem>>)
    %add3A_15 = arith.constant 40 : i32
    %add3A_16 = arith.addi %mul3A_0, %add3A_15 : i32
    %mul3A_17 = arith.constant 160000 : i32
    %mul3A_18 = arith.muli %arg0, %mul3A_17 : i32
    %add3A_19 = arith.addi %mul3A_18, %add3A_16 : i32
    %dma_start3A_20 = tpu.memref_slice %arg2[%add3A_19] : memref<320000xi32, #tpu.memory_space<hbm>> -> memref<40xi32, #tpu.memory_space<hbm>>
    %dma_start3A_21 = tpu.memref_slice %arg2[%add3A_19] : memref<320000xi32, #tpu.memory_space<hbm>> -> memref<40xi32, #tpu.memory_space<hbm>>
    tpu.enqueue_dma source(%dma_start3A_21 : memref<40xi32, #tpu.memory_space<hbm>>) target(%arg7 : memref<40xi32, #tpu.memory_space<vmem>>) target_semaphore(%arg38 : memref<!tpu.dma_semaphore, #tpu.memory_space<semaphore_mem>>)
    %dma_start3A_22 = tpu.memref_slice %arg3[%add3A_16] : memref<160000xi32, #tpu.memory_space<hbm>> -> memref<40xi32, #tpu.memory_space<hbm>>
    %dma_start3A_23 = tpu.memref_slice %arg3[%add3A_16] : memref<160000xi32, #tpu.memory_space<hbm>> -> memref<40xi32, #tpu.memory_space<hbm>>
    tpu.enqueue_dma source(%dma_start3A_23 : memref<40xi32, #tpu.memory_space<hbm>>) target(%arg19 : memref<40xi32, #tpu.memory_space<vmem>>) target_semaphore(%arg38 : memref<!tpu.dma_semaphore, #tpu.memory_space<semaphore_mem>>)
    %add3A_24 = arith.constant 80 : i32
    %add3A_25 = arith.addi %mul3A_0, %add3A_24 : i32
    %mul3A_26 = arith.constant 160000 : i32
    %mul3A_27 = arith.muli %arg0, %mul3A_26 : i32
    %add3A_28 = arith.addi %mul3A_27, %add3A_25 : i32
    %dma_start3A_29 = tpu.memref_slice %arg2[%add3A_28] : memref<320000xi32, #tpu.memory_space<hbm>> -> memref<40xi32, #tpu.memory_space<hbm>>
    %dma_start3A_30 = tpu.memref_slice %arg2[%add3A_28] : memref<320000xi32, #tpu.memory_space<hbm>> -> memref<40xi32, #tpu.memory_space<hbm>>
    tpu.enqueue_dma source(%dma_start3A_30 : memref<40xi32, #tpu.memory_space<hbm>>) target(%arg8 : memref<40xi32, #tpu.memory_space<vmem>>) target_semaphore(%arg39 : memref<!tpu.dma_semaphore, #tpu.memory_space<semaphore_mem>>)
    %dma_start3A_31 = tpu.memref_slice %arg3[%add3A_25] : memref<160000xi32, #tpu.memory_space<hbm>> -> memref<40xi32, #tpu.memory_space<hbm>>
    %dma_start3A_32 = tpu.memref_slice %arg3[%add3A_25] : memref<160000xi32, #tpu.memory_space<hbm>> -> memref<40xi32, #tpu.memory_space<hbm>>
    tpu.enqueue_dma source(%dma_start3A_32 : memref<40xi32, #tpu.memory_space<hbm>>) target(%arg20 : memref<40xi32, #tpu.memory_space<vmem>>) target_semaphore(%arg39 : memref<!tpu.dma_semaphore, #tpu.memory_space<semaphore_mem>>)
    %add3A_33 = arith.constant 120 : i32
    %add3A_34 = arith.addi %mul3A_0, %add3A_33 : i32
    %mul3A_35 = arith.constant 160000 : i32
    %mul3A_36 = arith.muli %arg0, %mul3A_35 : i32
    %add3A_37 = arith.addi %mul3A_36, %add3A_34 : i32
    %dma_start3A_38 = tpu.memref_slice %arg2[%add3A_37] : memref<320000xi32, #tpu.memory_space<hbm>> -> memref<40xi32, #tpu.memory_space<hbm>>
    %dma_start3A_39 = tpu.memref_slice %arg2[%add3A_37] : memref<320000xi32, #tpu.memory_space<hbm>> -> memref<40xi32, #tpu.memory_space<hbm>>
    tpu.enqueue_dma source(%dma_start3A_39 : memref<40xi32, #tpu.memory_space<hbm>>) target(%arg9 : memref<40xi32, #tpu.memory_space<vmem>>) target_semaphore(%arg40 : memref<!tpu.dma_semaphore, #tpu.memory_space<semaphore_mem>>)
    %dma_start3A_40 = tpu.memref_slice %arg3[%add3A_34] : memref<160000xi32, #tpu.memory_space<hbm>> -> memref<40xi32, #tpu.memory_space<hbm>>
    %dma_start3A_41 = tpu.memref_slice %arg3[%add3A_34] : memref<160000xi32, #tpu.memory_space<hbm>> -> memref<40xi32, #tpu.memory_space<hbm>>
    tpu.enqueue_dma source(%dma_start3A_41 : memref<40xi32, #tpu.memory_space<hbm>>) target(%arg21 : memref<40xi32, #tpu.memory_space<vmem>>) target_semaphore(%arg40 : memref<!tpu.dma_semaphore, #tpu.memory_space<semaphore_mem>>)
    %add3A_42 = arith.constant 160 : i32
    %add3A_43 = arith.addi %mul3A_0, %add3A_42 : i32
    %mul3A_44 = arith.constant 160000 : i32
    %mul3A_45 = arith.muli %arg0, %mul3A_44 : i32
    %add3A_46 = arith.addi %mul3A_45, %add3A_43 : i32
    %dma_start3A_47 = tpu.memref_slice %arg2[%add3A_46] : memref<320000xi32, #tpu.memory_space<hbm>> -> memref<40xi32, #tpu.memory_space<hbm>>
    %dma_start3A_48 = tpu.memref_slice %arg2[%add3A_46] : memref<320000xi32, #tpu.memory_space<hbm>> -> memref<40xi32, #tpu.memory_space<hbm>>
    tpu.enqueue_dma source(%dma_start3A_48 : memref<40xi32, #tpu.memory_space<hbm>>) target(%arg10 : memref<40xi32, #tpu.memory_space<vmem>>) target_semaphore(%arg41 : memref<!tpu.dma_semaphore, #tpu.memory_space<semaphore_mem>>)
    %dma_start3A_49 = tpu.memref_slice %arg3[%add3A_43] : memref<160000xi32, #tpu.memory_space<hbm>> -> memref<40xi32, #tpu.memory_space<hbm>>
    %dma_start3A_50 = tpu.memref_slice %arg3[%add3A_43] : memref<160000xi32, #tpu.memory_space<hbm>> -> memref<40xi32, #tpu.memory_space<hbm>>
    tpu.enqueue_dma source(%dma_start3A_50 : memref<40xi32, #tpu.memory_space<hbm>>) target(%arg22 : memref<40xi32, #tpu.memory_space<vmem>>) target_semaphore(%arg41 : memref<!tpu.dma_semaphore, #tpu.memory_space<semaphore_mem>>)
    %add3A_51 = arith.constant 200 : i32
    %add3A_52 = arith.addi %mul3A_0, %add3A_51 : i32
    %mul3A_53 = arith.constant 160000 : i32
    %mul3A_54 = arith.muli %arg0, %mul3A_53 : i32
    %add3A_55 = arith.addi %mul3A_54, %add3A_52 : i32
    %dma_start3A_56 = tpu.memref_slice %arg2[%add3A_55] : memref<320000xi32, #tpu.memory_space<hbm>> -> memref<40xi32, #tpu.memory_space<hbm>>
    %dma_start3A_57 = tpu.memref_slice %arg2[%add3A_55] : memref<320000xi32, #tpu.memory_space<hbm>> -> memref<40xi32, #tpu.memory_space<hbm>>
    tpu.enqueue_dma source(%dma_start3A_57 : memref<40xi32, #tpu.memory_space<hbm>>) target(%arg11 : memref<40xi32, #tpu.memory_space<vmem>>) target_semaphore(%arg42 : memref<!tpu.dma_semaphore, #tpu.memory_space<semaphore_mem>>)
    %dma_start3A_58 = tpu.memref_slice %arg3[%add3A_52] : memref<160000xi32, #tpu.memory_space<hbm>> -> memref<40xi32, #tpu.memory_space<hbm>>
    %dma_start3A_59 = tpu.memref_slice %arg3[%add3A_52] : memref<160000xi32, #tpu.memory_space<hbm>> -> memref<40xi32, #tpu.memory_space<hbm>>
    tpu.enqueue_dma source(%dma_start3A_59 : memref<40xi32, #tpu.memory_space<hbm>>) target(%arg23 : memref<40xi32, #tpu.memory_space<vmem>>) target_semaphore(%arg42 : memref<!tpu.dma_semaphore, #tpu.memory_space<semaphore_mem>>)
    %add3A_60 = arith.constant 240 : i32
    %add3A_61 = arith.addi %mul3A_0, %add3A_60 : i32
    %mul3A_62 = arith.constant 160000 : i32
    %mul3A_63 = arith.muli %arg0, %mul3A_62 : i32
    %add3A_64 = arith.addi %mul3A_63, %add3A_61 : i32
    %dma_start3A_65 = tpu.memref_slice %arg2[%add3A_64] : memref<320000xi32, #tpu.memory_space<hbm>> -> memref<40xi32, #tpu.memory_space<hbm>>
    %dma_start3A_66 = tpu.memref_slice %arg2[%add3A_64] : memref<320000xi32, #tpu.memory_space<hbm>> -> memref<40xi32, #tpu.memory_space<hbm>>
    tpu.enqueue_dma source(%dma_start3A_66 : memref<40xi32, #tpu.memory_space<hbm>>) target(%arg12 : memref<40xi32, #tpu.memory_space<vmem>>) target_semaphore(%arg43 : memref<!tpu.dma_semaphore, #tpu.memory_space<semaphore_mem>>)
    %dma_start3A_67 = tpu.memref_slice %arg3[%add3A_61] : memref<160000xi32, #tpu.memory_space<hbm>> -> memref<40xi32, #tpu.memory_space<hbm>>
    %dma_start3A_68 = tpu.memref_slice %arg3[%add3A_61] : memref<160000xi32, #tpu.memory_space<hbm>> -> memref<40xi32, #tpu.memory_space<hbm>>
    tpu.enqueue_dma source(%dma_start3A_68 : memref<40xi32, #tpu.memory_space<hbm>>) target(%arg24 : memref<40xi32, #tpu.memory_space<vmem>>) target_semaphore(%arg43 : memref<!tpu.dma_semaphore, #tpu.memory_space<semaphore_mem>>)
    %add3A_69 = arith.constant 280 : i32
    %add3A_70 = arith.addi %mul3A_0, %add3A_69 : i32
    %mul3A_71 = arith.constant 160000 : i32
    %mul3A_72 = arith.muli %arg0, %mul3A_71 : i32
    %add3A_73 = arith.addi %mul3A_72, %add3A_70 : i32
    %dma_start3A_74 = tpu.memref_slice %arg2[%add3A_73] : memref<320000xi32, #tpu.memory_space<hbm>> -> memref<40xi32, #tpu.memory_space<hbm>>
    %dma_start3A_75 = tpu.memref_slice %arg2[%add3A_73] : memref<320000xi32, #tpu.memory_space<hbm>> -> memref<40xi32, #tpu.memory_space<hbm>>
    tpu.enqueue_dma source(%dma_start3A_75 : memref<40xi32, #tpu.memory_space<hbm>>) target(%arg13 : memref<40xi32, #tpu.memory_space<vmem>>) target_semaphore(%arg44 : memref<!tpu.dma_semaphore, #tpu.memory_space<semaphore_mem>>)
    %dma_start3A_76 = tpu.memref_slice %arg3[%add3A_70] : memref<160000xi32, #tpu.memory_space<hbm>> -> memref<40xi32, #tpu.memory_space<hbm>>
    %dma_start3A_77 = tpu.memref_slice %arg3[%add3A_70] : memref<160000xi32, #tpu.memory_space<hbm>> -> memref<40xi32, #tpu.memory_space<hbm>>
    tpu.enqueue_dma source(%dma_start3A_77 : memref<40xi32, #tpu.memory_space<hbm>>) target(%arg25 : memref<40xi32, #tpu.memory_space<vmem>>) target_semaphore(%arg44 : memref<!tpu.dma_semaphore, #tpu.memory_space<semaphore_mem>>)
    %add3A_78 = arith.constant 320 : i32
    %add3A_79 = arith.addi %mul3A_0, %add3A_78 : i32
    %mul3A_80 = arith.constant 160000 : i32
    %mul3A_81 = arith.muli %arg0, %mul3A_80 : i32
    %add3A_82 = arith.addi %mul3A_81, %add3A_79 : i32
    %dma_start3A_83 = tpu.memref_slice %arg2[%add3A_82] : memref<320000xi32, #tpu.memory_space<hbm>> -> memref<40xi32, #tpu.memory_space<hbm>>
    %dma_start3A_84 = tpu.memref_slice %arg2[%add3A_82] : memref<320000xi32, #tpu.memory_space<hbm>> -> memref<40xi32, #tpu.memory_space<hbm>>
    tpu.enqueue_dma source(%dma_start3A_84 : memref<40xi32, #tpu.memory_space<hbm>>) target(%arg14 : memref<40xi32, #tpu.memory_space<vmem>>) target_semaphore(%arg45 : memref<!tpu.dma_semaphore, #tpu.memory_space<semaphore_mem>>)
    %dma_start3A_85 = tpu.memref_slice %arg3[%add3A_79] : memref<160000xi32, #tpu.memory_space<hbm>> -> memref<40xi32, #tpu.memory_space<hbm>>
    %dma_start3A_86 = tpu.memref_slice %arg3[%add3A_79] : memref<160000xi32, #tpu.memory_space<hbm>> -> memref<40xi32, #tpu.memory_space<hbm>>
    tpu.enqueue_dma source(%dma_start3A_86 : memref<40xi32, #tpu.memory_space<hbm>>) target(%arg26 : memref<40xi32, #tpu.memory_space<vmem>>) target_semaphore(%arg45 : memref<!tpu.dma_semaphore, #tpu.memory_space<semaphore_mem>>)
    %add3A_87 = arith.constant 360 : i32
    %add3A_88 = arith.addi %mul3A_0, %add3A_87 : i32
    %mul3A_89 = arith.constant 160000 : i32
    %mul3A_90 = arith.muli %arg0, %mul3A_89 : i32
    %add3A_91 = arith.addi %mul3A_90, %add3A_88 : i32
    %dma_start3A_92 = tpu.memref_slice %arg2[%add3A_91] : memref<320000xi32, #tpu.memory_space<hbm>> -> memref<40xi32, #tpu.memory_space<hbm>>
    %dma_start3A_93 = tpu.memref_slice %arg2[%add3A_91] : memref<320000xi32, #tpu.memory_space<hbm>> -> memref<40xi32, #tpu.memory_space<hbm>>
    tpu.enqueue_dma source(%dma_start3A_93 : memref<40xi32, #tpu.memory_space<hbm>>) target(%arg15 : memref<40xi32, #tpu.memory_space<vmem>>) target_semaphore(%arg46 : memref<!tpu.dma_semaphore, #tpu.memory_space<semaphore_mem>>)
    %dma_start3A_94 = tpu.memref_slice %arg3[%add3A_88] : memref<160000xi32, #tpu.memory_space<hbm>> -> memref<40xi32, #tpu.memory_space<hbm>>
    %dma_start3A_95 = tpu.memref_slice %arg3[%add3A_88] : memref<160000xi32, #tpu.memory_space<hbm>> -> memref<40xi32, #tpu.memory_space<hbm>>
    tpu.enqueue_dma source(%dma_start3A_95 : memref<40xi32, #tpu.memory_space<hbm>>) target(%arg27 : memref<40xi32, #tpu.memory_space<vmem>>) target_semaphore(%arg46 : memref<!tpu.dma_semaphore, #tpu.memory_space<semaphore_mem>>)
    %add3A_96 = arith.constant 400 : i32
    %add3A_97 = arith.addi %mul3A_0, %add3A_96 : i32
    %mul3A_98 = arith.constant 160000 : i32
    %mul3A_99 = arith.muli %arg0, %mul3A_98 : i32
    %add3A_100 = arith.addi %mul3A_99, %add3A_97 : i32
    %dma_start3A_101 = tpu.memref_slice %arg2[%add3A_100] : memref<320000xi32, #tpu.memory_space<hbm>> -> memref<40xi32, #tpu.memory_space<hbm>>
    %dma_start3A_102 = tpu.memref_slice %arg2[%add3A_100] : memref<320000xi32, #tpu.memory_space<hbm>> -> memref<40xi32, #tpu.memory_space<hbm>>
    tpu.enqueue_dma source(%dma_start3A_102 : memref<40xi32, #tpu.memory_space<hbm>>) target(%arg16 : memref<40xi32, #tpu.memory_space<vmem>>) target_semaphore(%arg47 : memref<!tpu.dma_semaphore, #tpu.memory_space<semaphore_mem>>)
    %dma_start3A_103 = tpu.memref_slice %arg3[%add3A_97] : memref<160000xi32, #tpu.memory_space<hbm>> -> memref<40xi32, #tpu.memory_space<hbm>>
    %dma_start3A_104 = tpu.memref_slice %arg3[%add3A_97] : memref<160000xi32, #tpu.memory_space<hbm>> -> memref<40xi32, #tpu.memory_space<hbm>>
    tpu.enqueue_dma source(%dma_start3A_104 : memref<40xi32, #tpu.memory_space<hbm>>) target(%arg28 : memref<40xi32, #tpu.memory_space<vmem>>) target_semaphore(%arg47 : memref<!tpu.dma_semaphore, #tpu.memory_space<semaphore_mem>>)
    %dma_wait3A = arith.constant 0 : i32
    %dma_wait3A_105 = tpu.memref_slice %arg3[%dma_wait3A] : memref<160000xi32, #tpu.memory_space<hbm>> -> memref<40xi32, #tpu.memory_space<hbm>>
    %dma_wait3A_106 = arith.constant 0 : i32
    %dma_wait3A_107 = tpu.memref_slice %arg3[%dma_wait3A_106] : memref<160000xi32, #tpu.memory_space<hbm>> -> memref<40xi32, #tpu.memory_space<hbm>>
    tpu.wait_dma2 semaphore(%arg37 : memref<!tpu.dma_semaphore, #tpu.memory_space<semaphore_mem>>) src(%dma_wait3A_107 : memref<40xi32, #tpu.memory_space<hbm>>) dst(%arg6 : memref<40xi32, #tpu.memory_space<vmem>>)
    %dma_wait3A_108 = arith.constant 0 : i32
    %dma_wait3A_109 = tpu.memref_slice %arg3[%dma_wait3A_108] : memref<160000xi32, #tpu.memory_space<hbm>> -> memref<40xi32, #tpu.memory_space<hbm>>
    %dma_wait3A_110 = arith.constant 0 : i32
    %dma_wait3A_111 = tpu.memref_slice %arg3[%dma_wait3A_110] : memref<160000xi32, #tpu.memory_space<hbm>> -> memref<40xi32, #tpu.memory_space<hbm>>
    tpu.wait_dma2 semaphore(%arg37 : memref<!tpu.dma_semaphore, #tpu.memory_space<semaphore_mem>>) src(%dma_wait3A_111 : memref<40xi32, #tpu.memory_space<hbm>>) dst(%arg18 : memref<40xi32, #tpu.memory_space<vmem>>)
    %dma_start3A_112 = arith.constant 0 : i32
    %dma_start3A_113 = arith.constant 0 : i32
    %dma_start3A_114 = tpu.memref_slice %arg4[%dma_start3A_112, %dma_start3A_113] : memref<20480x128xf32, #tpu.memory_space<hbm>> -> memref<20480x128xf32, #tpu.memory_space<hbm>>
    tpu.enqueue_indirect_dma source(%dma_start3A_114 : memref<20480x128xf32, #tpu.memory_space<hbm>>) target(%arg30 : memref<40x128xf32, #tpu.memory_space<vmem>>) offsets(%arg6 : memref<40xi32, #tpu.memory_space<vmem>>) semaphore(%arg49 : memref<!tpu.dma_semaphore, #tpu.memory_space<semaphore_mem>>)
    %dma_wait3A_115 = arith.constant 0 : i32
    %dma_wait3A_116 = tpu.memref_slice %arg3[%dma_wait3A_115] : memref<160000xi32, #tpu.memory_space<hbm>> -> memref<40xi32, #tpu.memory_space<hbm>>
    %dma_wait3A_117 = arith.constant 0 : i32
    %dma_wait3A_118 = tpu.memref_slice %arg3[%dma_wait3A_117] : memref<160000xi32, #tpu.memory_space<hbm>> -> memref<40xi32, #tpu.memory_space<hbm>>
    tpu.wait_dma2 semaphore(%arg38 : memref<!tpu.dma_semaphore, #tpu.memory_space<semaphore_mem>>) src(%dma_wait3A_118 : memref<40xi32, #tpu.memory_space<hbm>>) dst(%arg7 : memref<40xi32, #tpu.memory_space<vmem>>)
    %dma_wait3A_119 = arith.constant 0 : i32
    %dma_wait3A_120 = tpu.memref_slice %arg3[%dma_wait3A_119] : memref<160000xi32, #tpu.memory_space<hbm>> -> memref<40xi32, #tpu.memory_space<hbm>>
    %dma_wait3A_121 = arith.constant 0 : i32
    %dma_wait3A_122 = tpu.memref_slice %arg3[%dma_wait3A_121] : memref<160000xi32, #tpu.memory_space<hbm>> -> memref<40xi32, #tpu.memory_space<hbm>>
    tpu.wait_dma2 semaphore(%arg38 : memref<!tpu.dma_semaphore, #tpu.memory_space<semaphore_mem>>) src(%dma_wait3A_122 : memref<40xi32, #tpu.memory_space<hbm>>) dst(%arg19 : memref<40xi32, #tpu.memory_space<vmem>>)
    %dma_start3A_123 = arith.constant 0 : i32
    %dma_start3A_124 = arith.constant 0 : i32
    %dma_start3A_125 = tpu.memref_slice %arg4[%dma_start3A_123, %dma_start3A_124] : memref<20480x128xf32, #tpu.memory_space<hbm>> -> memref<20480x128xf32, #tpu.memory_space<hbm>>
    tpu.enqueue_indirect_dma source(%dma_start3A_125 : memref<20480x128xf32, #tpu.memory_space<hbm>>) target(%arg31 : memref<40x128xf32, #tpu.memory_space<vmem>>) offsets(%arg7 : memref<40xi32, #tpu.memory_space<vmem>>) semaphore(%arg50 : memref<!tpu.dma_semaphore, #tpu.memory_space<semaphore_mem>>)
    %dma_wait3A_126 = arith.constant 0 : i32
    %dma_wait3A_127 = tpu.memref_slice %arg3[%dma_wait3A_126] : memref<160000xi32, #tpu.memory_space<hbm>> -> memref<40xi32, #tpu.memory_space<hbm>>
    %dma_wait3A_128 = arith.constant 0 : i32
    %dma_wait3A_129 = tpu.memref_slice %arg3[%dma_wait3A_128] : memref<160000xi32, #tpu.memory_space<hbm>> -> memref<40xi32, #tpu.memory_space<hbm>>
    tpu.wait_dma2 semaphore(%arg39 : memref<!tpu.dma_semaphore, #tpu.memory_space<semaphore_mem>>) src(%dma_wait3A_129 : memref<40xi32, #tpu.memory_space<hbm>>) dst(%arg8 : memref<40xi32, #tpu.memory_space<vmem>>)
    %dma_wait3A_130 = arith.constant 0 : i32
    %dma_wait3A_131 = tpu.memref_slice %arg3[%dma_wait3A_130] : memref<160000xi32, #tpu.memory_space<hbm>> -> memref<40xi32, #tpu.memory_space<hbm>>
    %dma_wait3A_132 = arith.constant 0 : i32
    %dma_wait3A_133 = tpu.memref_slice %arg3[%dma_wait3A_132] : memref<160000xi32, #tpu.memory_space<hbm>> -> memref<40xi32, #tpu.memory_space<hbm>>
    tpu.wait_dma2 semaphore(%arg39 : memref<!tpu.dma_semaphore, #tpu.memory_space<semaphore_mem>>) src(%dma_wait3A_133 : memref<40xi32, #tpu.memory_space<hbm>>) dst(%arg20 : memref<40xi32, #tpu.memory_space<vmem>>)
    %dma_start3A_134 = arith.constant 0 : i32
    %dma_start3A_135 = arith.constant 0 : i32
    %dma_start3A_136 = tpu.memref_slice %arg4[%dma_start3A_134, %dma_start3A_135] : memref<20480x128xf32, #tpu.memory_space<hbm>> -> memref<20480x128xf32, #tpu.memory_space<hbm>>
    tpu.enqueue_indirect_dma source(%dma_start3A_136 : memref<20480x128xf32, #tpu.memory_space<hbm>>) target(%arg32 : memref<40x128xf32, #tpu.memory_space<vmem>>) offsets(%arg8 : memref<40xi32, #tpu.memory_space<vmem>>) semaphore(%arg51 : memref<!tpu.dma_semaphore, #tpu.memory_space<semaphore_mem>>)
    %dma_wait3A_137 = arith.constant 0 : i32
    %dma_wait3A_138 = tpu.memref_slice %arg3[%dma_wait3A_137] : memref<160000xi32, #tpu.memory_space<hbm>> -> memref<40xi32, #tpu.memory_space<hbm>>
    %dma_wait3A_139 = arith.constant 0 : i32
    %dma_wait3A_140 = tpu.memref_slice %arg3[%dma_wait3A_139] : memref<160000xi32, #tpu.memory_space<hbm>> -> memref<40xi32, #tpu.memory_space<hbm>>
    tpu.wait_dma2 semaphore(%arg40 : memref<!tpu.dma_semaphore, #tpu.memory_space<semaphore_mem>>) src(%dma_wait3A_140 : memref<40xi32, #tpu.memory_space<hbm>>) dst(%arg9 : memref<40xi32, #tpu.memory_space<vmem>>)
    %dma_wait3A_141 = arith.constant 0 : i32
    %dma_wait3A_142 = tpu.memref_slice %arg3[%dma_wait3A_141] : memref<160000xi32, #tpu.memory_space<hbm>> -> memref<40xi32, #tpu.memory_space<hbm>>
    %dma_wait3A_143 = arith.constant 0 : i32
    %dma_wait3A_144 = tpu.memref_slice %arg3[%dma_wait3A_143] : memref<160000xi32, #tpu.memory_space<hbm>> -> memref<40xi32, #tpu.memory_space<hbm>>
    tpu.wait_dma2 semaphore(%arg40 : memref<!tpu.dma_semaphore, #tpu.memory_space<semaphore_mem>>) src(%dma_wait3A_144 : memref<40xi32, #tpu.memory_space<hbm>>) dst(%arg21 : memref<40xi32, #tpu.memory_space<vmem>>)
    %dma_start3A_145 = arith.constant 0 : i32
    %dma_start3A_146 = arith.constant 0 : i32
    %dma_start3A_147 = tpu.memref_slice %arg4[%dma_start3A_145, %dma_start3A_146] : memref<20480x128xf32, #tpu.memory_space<hbm>> -> memref<20480x128xf32, #tpu.memory_space<hbm>>
    tpu.enqueue_indirect_dma source(%dma_start3A_147 : memref<20480x128xf32, #tpu.memory_space<hbm>>) target(%arg33 : memref<40x128xf32, #tpu.memory_space<vmem>>) offsets(%arg9 : memref<40xi32, #tpu.memory_space<vmem>>) semaphore(%arg52 : memref<!tpu.dma_semaphore, #tpu.memory_space<semaphore_mem>>)
    %dma_wait3A_148 = arith.constant 0 : i32
    %dma_wait3A_149 = tpu.memref_slice %arg3[%dma_wait3A_148] : memref<160000xi32, #tpu.memory_space<hbm>> -> memref<40xi32, #tpu.memory_space<hbm>>
    %dma_wait3A_150 = arith.constant 0 : i32
    %dma_wait3A_151 = tpu.memref_slice %arg3[%dma_wait3A_150] : memref<160000xi32, #tpu.memory_space<hbm>> -> memref<40xi32, #tpu.memory_space<hbm>>
    tpu.wait_dma2 semaphore(%arg41 : memref<!tpu.dma_semaphore, #tpu.memory_space<semaphore_mem>>) src(%dma_wait3A_151 : memref<40xi32, #tpu.memory_space<hbm>>) dst(%arg10 : memref<40xi32, #tpu.memory_space<vmem>>)
    %dma_wait3A_152 = arith.constant 0 : i32
    %dma_wait3A_153 = tpu.memref_slice %arg3[%dma_wait3A_152] : memref<160000xi32, #tpu.memory_space<hbm>> -> memref<40xi32, #tpu.memory_space<hbm>>
    %dma_wait3A_154 = arith.constant 0 : i32
    %dma_wait3A_155 = tpu.memref_slice %arg3[%dma_wait3A_154] : memref<160000xi32, #tpu.memory_space<hbm>> -> memref<40xi32, #tpu.memory_space<hbm>>
    tpu.wait_dma2 semaphore(%arg41 : memref<!tpu.dma_semaphore, #tpu.memory_space<semaphore_mem>>) src(%dma_wait3A_155 : memref<40xi32, #tpu.memory_space<hbm>>) dst(%arg22 : memref<40xi32, #tpu.memory_space<vmem>>)
    %dma_start3A_156 = arith.constant 0 : i32
    %dma_start3A_157 = arith.constant 0 : i32
    %dma_start3A_158 = tpu.memref_slice %arg4[%dma_start3A_156, %dma_start3A_157] : memref<20480x128xf32, #tpu.memory_space<hbm>> -> memref<20480x128xf32, #tpu.memory_space<hbm>>
    tpu.enqueue_indirect_dma source(%dma_start3A_158 : memref<20480x128xf32, #tpu.memory_space<hbm>>) target(%arg34 : memref<40x128xf32, #tpu.memory_space<vmem>>) offsets(%arg10 : memref<40xi32, #tpu.memory_space<vmem>>) semaphore(%arg53 : memref<!tpu.dma_semaphore, #tpu.memory_space<semaphore_mem>>)
    %dma_wait3A_159 = arith.constant 0 : i32
    %dma_wait3A_160 = arith.constant 0 : i32
    %dma_wait3A_161 = tpu.memref_slice %arg4[%dma_wait3A_159, %dma_wait3A_160] : memref<20480x128xf32, #tpu.memory_space<hbm>> -> memref<20480x128xf32, #tpu.memory_space<hbm>>
    tpu.wait_indirect_dma semaphore(%arg49 : memref<!tpu.dma_semaphore, #tpu.memory_space<semaphore_mem>>) src(%dma_wait3A_161 : memref<20480x128xf32, #tpu.memory_space<hbm>>) dst(%arg30 : memref<40x128xf32, #tpu.memory_space<vmem>>)
    %dma_start3A_162 = arith.constant 0 : i32
    %dma_start3A_163 = arith.constant 0 : i32
    %dma_start3A_164 = tpu.memref_slice %arg36[%dma_start3A_162, %dma_start3A_163] : memref<10240x128xf32, #tpu.memory_space<vmem_shared>> -> memref<10240x128xf32, #tpu.memory_space<vmem_shared>>
    tpu.enqueue_indirect_dma source(%arg30 : memref<40x128xf32, #tpu.memory_space<vmem>>) target(%dma_start3A_164 : memref<10240x128xf32, #tpu.memory_space<vmem_shared>>) offsets(%arg18 : memref<40xi32, #tpu.memory_space<vmem>>) semaphore(%arg55 : memref<!tpu.dma_semaphore, #tpu.memory_space<semaphore_mem>>) {add = true}
    %dma_wait3A_165 = arith.constant 0 : i32
    %dma_wait3A_166 = tpu.memref_slice %arg3[%dma_wait3A_165] : memref<160000xi32, #tpu.memory_space<hbm>> -> memref<40xi32, #tpu.memory_space<hbm>>
    %dma_wait3A_167 = arith.constant 0 : i32
    %dma_wait3A_168 = tpu.memref_slice %arg3[%dma_wait3A_167] : memref<160000xi32, #tpu.memory_space<hbm>> -> memref<40xi32, #tpu.memory_space<hbm>>
    tpu.wait_dma2 semaphore(%arg42 : memref<!tpu.dma_semaphore, #tpu.memory_space<semaphore_mem>>) src(%dma_wait3A_168 : memref<40xi32, #tpu.memory_space<hbm>>) dst(%arg11 : memref<40xi32, #tpu.memory_space<vmem>>)
    %dma_wait3A_169 = arith.constant 0 : i32
    %dma_wait3A_170 = tpu.memref_slice %arg3[%dma_wait3A_169] : memref<160000xi32, #tpu.memory_space<hbm>> -> memref<40xi32, #tpu.memory_space<hbm>>
    %dma_wait3A_171 = arith.constant 0 : i32
    %dma_wait3A_172 = tpu.memref_slice %arg3[%dma_wait3A_171] : memref<160000xi32, #tpu.memory_space<hbm>> -> memref<40xi32, #tpu.memory_space<hbm>>
    tpu.wait_dma2 semaphore(%arg42 : memref<!tpu.dma_semaphore, #tpu.memory_space<semaphore_mem>>) src(%dma_wait3A_172 : memref<40xi32, #tpu.memory_space<hbm>>) dst(%arg23 : memref<40xi32, #tpu.memory_space<vmem>>)
    %dma_start3A_173 = arith.constant 0 : i32
    %dma_start3A_174 = arith.constant 0 : i32
    %dma_start3A_175 = tpu.memref_slice %arg4[%dma_start3A_173, %dma_start3A_174] : memref<20480x128xf32, #tpu.memory_space<hbm>> -> memref<20480x128xf32, #tpu.memory_space<hbm>>
    tpu.enqueue_indirect_dma source(%dma_start3A_175 : memref<20480x128xf32, #tpu.memory_space<hbm>>) target(%arg35 : memref<40x128xf32, #tpu.memory_space<vmem>>) offsets(%arg11 : memref<40xi32, #tpu.memory_space<vmem>>) semaphore(%arg54 : memref<!tpu.dma_semaphore, #tpu.memory_space<semaphore_mem>>)
    %add3A_176 = arith.constant 440 : i32
    %add3A_177 = arith.addi %mul3A_0, %add3A_176 : i32
    %mul3A_178 = arith.constant 160000 : i32
    %mul3A_179 = arith.muli %arg0, %mul3A_178 : i32
    %add3A_180 = arith.addi %mul3A_179, %add3A_177 : i32
    %dma_start3A_181 = tpu.memref_slice %arg2[%add3A_180] : memref<320000xi32, #tpu.memory_space<hbm>> -> memref<40xi32, #tpu.memory_space<hbm>>
    %dma_start3A_182 = tpu.memref_slice %arg2[%add3A_180] : memref<320000xi32, #tpu.memory_space<hbm>> -> memref<40xi32, #tpu.memory_space<hbm>>
    tpu.enqueue_dma source(%dma_start3A_182 : memref<40xi32, #tpu.memory_space<hbm>>) target(%arg17 : memref<40xi32, #tpu.memory_space<vmem>>) target_semaphore(%arg48 : memref<!tpu.dma_semaphore, #tpu.memory_space<semaphore_mem>>)
    %dma_start3A_183 = tpu.memref_slice %arg3[%add3A_177] : memref<160000xi32, #tpu.memory_space<hbm>> -> memref<40xi32, #tpu.memory_space<hbm>>
    %dma_start3A_184 = tpu.memref_slice %arg3[%add3A_177] : memref<160000xi32, #tpu.memory_space<hbm>> -> memref<40xi32, #tpu.memory_space<hbm>>
    tpu.enqueue_dma source(%dma_start3A_184 : memref<40xi32, #tpu.memory_space<hbm>>) target(%arg29 : memref<40xi32, #tpu.memory_space<vmem>>) target_semaphore(%arg48 : memref<!tpu.dma_semaphore, #tpu.memory_space<semaphore_mem>>)
    %scan3A = arith.constant 0 : i32
    %scan3A_185 = arith.constant 0 : i32
    %scan3A_186 = arith.constant 20 : i32
    %scan3A_187 = arith.addi %scan3A_185, %scan3A_186 : i32
    %scan3A_188 = arith.constant 1 : i32
    %scan3A_189 = scf.for %scan3A_324 = %scan3A_185 to %scan3A_187 step %scan3A_188 iter_args(%scan3A_325 = %scan3A) -> (i32)  : i32 {
      %mul3A_326 = arith.constant 12 : i32
      %mul3A_327 = arith.muli %scan3A_324, %mul3A_326 : i32
      %add3A_328 = arith.constant 1 : i32
      %add3A_329 = arith.addi %mul3A_327, %add3A_328 : i32
      %add3A_330 = arith.constant 0 : i32
      %add3A_331 = arith.addi %add3A_329, %add3A_330 : i32
      %dma_wait3A_332 = arith.constant 0 : i32
      %dma_wait3A_333 = arith.constant 0 : i32
      %dma_wait3A_334 = tpu.memref_slice %arg4[%dma_wait3A_332, %dma_wait3A_333] : memref<20480x128xf32, #tpu.memory_space<hbm>> -> memref<20480x128xf32, #tpu.memory_space<hbm>>
      tpu.wait_indirect_dma semaphore(%arg50 : memref<!tpu.dma_semaphore, #tpu.memory_space<semaphore_mem>>) src(%dma_wait3A_334 : memref<20480x128xf32, #tpu.memory_space<hbm>>) dst(%arg31 : memref<40x128xf32, #tpu.memory_space<vmem>>)
      %dma_start3A_335 = arith.constant 0 : i32
      %dma_start3A_336 = arith.constant 0 : i32
      %dma_start3A_337 = tpu.memref_slice %arg36[%dma_start3A_335, %dma_start3A_336] : memref<10240x128xf32, #tpu.memory_space<vmem_shared>> -> memref<10240x128xf32, #tpu.memory_space<vmem_shared>>
      tpu.enqueue_indirect_dma source(%arg31 : memref<40x128xf32, #tpu.memory_space<vmem>>) target(%dma_start3A_337 : memref<10240x128xf32, #tpu.memory_space<vmem_shared>>) offsets(%arg19 : memref<40xi32, #tpu.memory_space<vmem>>) semaphore(%arg56 : memref<!tpu.dma_semaphore, #tpu.memory_space<semaphore_mem>>) {add = true}
      %add3A_338 = arith.constant 6 : i32
      %add3A_339 = arith.addi %add3A_331, %add3A_338 : i32
      %sub3A = arith.constant 1 : i32
      %sub3A_340 = arith.subi %add3A_339, %sub3A : i32
      %lt3A = arith.constant 250 : i32
      %lt3A_341 = arith.cmpi slt, %sub3A_340, %lt3A : i32
      %convert_element_type3A = arith.extui %lt3A_341 : i1 to i32
      %cond3A = arith.constant 0 : i32
      %cond3A_342 = arith.cmpi ne, %convert_element_type3A, %cond3A : i32
      scf.if %cond3A_342 {
        %dma_wait3A_683 = arith.constant 0 : i32
        %dma_wait3A_684 = arith.constant 0 : i32
        %dma_wait3A_685 = tpu.memref_slice %arg36[%dma_wait3A_683, %dma_wait3A_684] : memref<10240x128xf32, #tpu.memory_space<vmem_shared>> -> memref<10240x128xf32, #tpu.memory_space<vmem_shared>>
        tpu.wait_indirect_dma semaphore(%arg55 : memref<!tpu.dma_semaphore, #tpu.memory_space<semaphore_mem>>) src(%arg30 : memref<40x128xf32, #tpu.memory_space<vmem>>) dst(%dma_wait3A_685 : memref<10240x128xf32, #tpu.memory_space<vmem_shared>>)
        %dma_wait3A_686 = arith.constant 0 : i32
        %dma_wait3A_687 = tpu.memref_slice %arg3[%dma_wait3A_686] : memref<160000xi32, #tpu.memory_space<hbm>> -> memref<40xi32, #tpu.memory_space<hbm>>
        %dma_wait3A_688 = arith.constant 0 : i32
        %dma_wait3A_689 = tpu.memref_slice %arg3[%dma_wait3A_688] : memref<160000xi32, #tpu.memory_space<hbm>> -> memref<40xi32, #tpu.memory_space<hbm>>
        tpu.wait_dma2 semaphore(%arg43 : memref<!tpu.dma_semaphore, #tpu.memory_space<semaphore_mem>>) src(%dma_wait3A_689 : memref<40xi32, #tpu.memory_space<hbm>>) dst(%arg12 : memref<40xi32, #tpu.memory_space<vmem>>)
        %dma_wait3A_690 = arith.constant 0 : i32
        %dma_wait3A_691 = tpu.memref_slice %arg3[%dma_wait3A_690] : memref<160000xi32, #tpu.memory_space<hbm>> -> memref<40xi32, #tpu.memory_space<hbm>>
        %dma_wait3A_692 = arith.constant 0 : i32
        %dma_wait3A_693 = tpu.memref_slice %arg3[%dma_wait3A_692] : memref<160000xi32, #tpu.memory_space<hbm>> -> memref<40xi32, #tpu.memory_space<hbm>>
        tpu.wait_dma2 semaphore(%arg43 : memref<!tpu.dma_semaphore, #tpu.memory_space<semaphore_mem>>) src(%dma_wait3A_693 : memref<40xi32, #tpu.memory_space<hbm>>) dst(%arg24 : memref<40xi32, #tpu.memory_space<vmem>>)
        %dma_start3A_694 = arith.constant 0 : i32
        %dma_start3A_695 = arith.constant 0 : i32
        %dma_start3A_696 = tpu.memref_slice %arg4[%dma_start3A_694, %dma_start3A_695] : memref<20480x128xf32, #tpu.memory_space<hbm>> -> memref<20480x128xf32, #tpu.memory_space<hbm>>
        tpu.enqueue_indirect_dma source(%dma_start3A_696 : memref<20480x128xf32, #tpu.memory_space<hbm>>) target(%arg30 : memref<40x128xf32, #tpu.memory_space<vmem>>) offsets(%arg12 : memref<40xi32, #tpu.memory_space<vmem>>) semaphore(%arg49 : memref<!tpu.dma_semaphore, #tpu.memory_space<semaphore_mem>>)
      } else {
      }
      %add3A_343 = arith.constant 12 : i32
      %add3A_344 = arith.addi %add3A_331, %add3A_343 : i32
      %sub3A_345 = arith.constant 1 : i32
      %sub3A_346 = arith.subi %add3A_344, %sub3A_345 : i32
      %lt3A_347 = arith.constant 250 : i32
      %lt3A_348 = arith.cmpi slt, %sub3A_346, %lt3A_347 : i32
      %convert_element_type3A_349 = arith.extui %lt3A_348 : i1 to i32
      %cond3A_350 = arith.constant 0 : i32
      %cond3A_351 = arith.cmpi ne, %convert_element_type3A_349, %cond3A_350 : i32
      scf.if %cond3A_351 {
        %add3A_683 = arith.constant 12 : i32
        %add3A_684 = arith.addi %add3A_331, %add3A_683 : i32
        %sub3A_685 = arith.constant 1 : i32
        %sub3A_686 = arith.subi %add3A_684, %sub3A_685 : i32
        %mul3A_687 = arith.constant 40 : i32
        %mul3A_688 = arith.muli %sub3A_686, %mul3A_687 : i32
        %add3A_689 = arith.addi %mul3A_0, %mul3A_688 : i32
        %mul3A_690 = arith.constant 160000 : i32
        %mul3A_691 = arith.muli %arg0, %mul3A_690 : i32
        %add3A_692 = arith.addi %mul3A_691, %add3A_689 : i32
        %dma_start3A_693 = tpu.memref_slice %arg2[%add3A_692] : memref<320000xi32, #tpu.memory_space<hbm>> -> memref<40xi32, #tpu.memory_space<hbm>>
        %dma_start3A_694 = tpu.memref_slice %arg2[%add3A_692] : memref<320000xi32, #tpu.memory_space<hbm>> -> memref<40xi32, #tpu.memory_space<hbm>>
        tpu.enqueue_dma source(%dma_start3A_694 : memref<40xi32, #tpu.memory_space<hbm>>) target(%arg6 : memref<40xi32, #tpu.memory_space<vmem>>) target_semaphore(%arg37 : memref<!tpu.dma_semaphore, #tpu.memory_space<semaphore_mem>>)
        %dma_start3A_695 = tpu.memref_slice %arg3[%add3A_689] : memref<160000xi32, #tpu.memory_space<hbm>> -> memref<40xi32, #tpu.memory_space<hbm>>
        %dma_start3A_696 = tpu.memref_slice %arg3[%add3A_689] : memref<160000xi32, #tpu.memory_space<hbm>> -> memref<40xi32, #tpu.memory_space<hbm>>
        tpu.enqueue_dma source(%dma_start3A_696 : memref<40xi32, #tpu.memory_space<hbm>>) target(%arg18 : memref<40xi32, #tpu.memory_space<vmem>>) target_semaphore(%arg37 : memref<!tpu.dma_semaphore, #tpu.memory_space<semaphore_mem>>)
      } else {
      }
      %mul3A_352 = arith.constant 12 : i32
      %mul3A_353 = arith.muli %scan3A_324, %mul3A_352 : i32
      %add3A_354 = arith.constant 1 : i32
      %add3A_355 = arith.addi %mul3A_353, %add3A_354 : i32
      %add3A_356 = arith.constant 1 : i32
      %add3A_357 = arith.addi %add3A_355, %add3A_356 : i32
      %dma_wait3A_358 = arith.constant 0 : i32
      %dma_wait3A_359 = arith.constant 0 : i32
      %dma_wait3A_360 = tpu.memref_slice %arg4[%dma_wait3A_358, %dma_wait3A_359] : memref<20480x128xf32, #tpu.memory_space<hbm>> -> memref<20480x128xf32, #tpu.memory_space<hbm>>
      tpu.wait_indirect_dma semaphore(%arg51 : memref<!tpu.dma_semaphore, #tpu.memory_space<semaphore_mem>>) src(%dma_wait3A_360 : memref<20480x128xf32, #tpu.memory_space<hbm>>) dst(%arg32 : memref<40x128xf32, #tpu.memory_space<vmem>>)
      %dma_start3A_361 = arith.constant 0 : i32
      %dma_start3A_362 = arith.constant 0 : i32
      %dma_start3A_363 = tpu.memref_slice %arg36[%dma_start3A_361, %dma_start3A_362] : memref<10240x128xf32, #tpu.memory_space<vmem_shared>> -> memref<10240x128xf32, #tpu.memory_space<vmem_shared>>
      tpu.enqueue_indirect_dma source(%arg32 : memref<40x128xf32, #tpu.memory_space<vmem>>) target(%dma_start3A_363 : memref<10240x128xf32, #tpu.memory_space<vmem_shared>>) offsets(%arg20 : memref<40xi32, #tpu.memory_space<vmem>>) semaphore(%arg57 : memref<!tpu.dma_semaphore, #tpu.memory_space<semaphore_mem>>) {add = true}
      %add3A_364 = arith.constant 6 : i32
      %add3A_365 = arith.addi %add3A_357, %add3A_364 : i32
      %sub3A_366 = arith.constant 1 : i32
      %sub3A_367 = arith.subi %add3A_365, %sub3A_366 : i32
      %lt3A_368 = arith.constant 250 : i32
      %lt3A_369 = arith.cmpi slt, %sub3A_367, %lt3A_368 : i32
      %convert_element_type3A_370 = arith.extui %lt3A_369 : i1 to i32
      %cond3A_371 = arith.constant 0 : i32
      %cond3A_372 = arith.cmpi ne, %convert_element_type3A_370, %cond3A_371 : i32
      scf.if %cond3A_372 {
        %dma_wait3A_683 = arith.constant 0 : i32
        %dma_wait3A_684 = arith.constant 0 : i32
        %dma_wait3A_685 = tpu.memref_slice %arg36[%dma_wait3A_683, %dma_wait3A_684] : memref<10240x128xf32, #tpu.memory_space<vmem_shared>> -> memref<10240x128xf32, #tpu.memory_space<vmem_shared>>
        tpu.wait_indirect_dma semaphore(%arg56 : memref<!tpu.dma_semaphore, #tpu.memory_space<semaphore_mem>>) src(%arg31 : memref<40x128xf32, #tpu.memory_space<vmem>>) dst(%dma_wait3A_685 : memref<10240x128xf32, #tpu.memory_space<vmem_shared>>)
        %dma_wait3A_686 = arith.constant 0 : i32
        %dma_wait3A_687 = tpu.memref_slice %arg3[%dma_wait3A_686] : memref<160000xi32, #tpu.memory_space<hbm>> -> memref<40xi32, #tpu.memory_space<hbm>>
        %dma_wait3A_688 = arith.constant 0 : i32
        %dma_wait3A_689 = tpu.memref_slice %arg3[%dma_wait3A_688] : memref<160000xi32, #tpu.memory_space<hbm>> -> memref<40xi32, #tpu.memory_space<hbm>>
        tpu.wait_dma2 semaphore(%arg44 : memref<!tpu.dma_semaphore, #tpu.memory_space<semaphore_mem>>) src(%dma_wait3A_689 : memref<40xi32, #tpu.memory_space<hbm>>) dst(%arg13 : memref<40xi32, #tpu.memory_space<vmem>>)
        %dma_wait3A_690 = arith.constant 0 : i32
        %dma_wait3A_691 = tpu.memref_slice %arg3[%dma_wait3A_690] : memref<160000xi32, #tpu.memory_space<hbm>> -> memref<40xi32, #tpu.memory_space<hbm>>
        %dma_wait3A_692 = arith.constant 0 : i32
        %dma_wait3A_693 = tpu.memref_slice %arg3[%dma_wait3A_692] : memref<160000xi32, #tpu.memory_space<hbm>> -> memref<40xi32, #tpu.memory_space<hbm>>
        tpu.wait_dma2 semaphore(%arg44 : memref<!tpu.dma_semaphore, #tpu.memory_space<semaphore_mem>>) src(%dma_wait3A_693 : memref<40xi32, #tpu.memory_space<hbm>>) dst(%arg25 : memref<40xi32, #tpu.memory_space<vmem>>)
        %dma_start3A_694 = arith.constant 0 : i32
        %dma_start3A_695 = arith.constant 0 : i32
        %dma_start3A_696 = tpu.memref_slice %arg4[%dma_start3A_694, %dma_start3A_695] : memref<20480x128xf32, #tpu.memory_space<hbm>> -> memref<20480x128xf32, #tpu.memory_space<hbm>>
        tpu.enqueue_indirect_dma source(%dma_start3A_696 : memref<20480x128xf32, #tpu.memory_space<hbm>>) target(%arg31 : memref<40x128xf32, #tpu.memory_space<vmem>>) offsets(%arg13 : memref<40xi32, #tpu.memory_space<vmem>>) semaphore(%arg50 : memref<!tpu.dma_semaphore, #tpu.memory_space<semaphore_mem>>)
      } else {
      }
      %add3A_373 = arith.constant 12 : i32
      %add3A_374 = arith.addi %add3A_357, %add3A_373 : i32
      %sub3A_375 = arith.constant 1 : i32
      %sub3A_376 = arith.subi %add3A_374, %sub3A_375 : i32
      %lt3A_377 = arith.constant 250 : i32
      %lt3A_378 = arith.cmpi slt, %sub3A_376, %lt3A_377 : i32
      %convert_element_type3A_379 = arith.extui %lt3A_378 : i1 to i32
      %cond3A_380 = arith.constant 0 : i32
      %cond3A_381 = arith.cmpi ne, %convert_element_type3A_379, %cond3A_380 : i32
      scf.if %cond3A_381 {
        %add3A_683 = arith.constant 12 : i32
        %add3A_684 = arith.addi %add3A_357, %add3A_683 : i32
        %sub3A_685 = arith.constant 1 : i32
        %sub3A_686 = arith.subi %add3A_684, %sub3A_685 : i32
        %mul3A_687 = arith.constant 40 : i32
        %mul3A_688 = arith.muli %sub3A_686, %mul3A_687 : i32
        %add3A_689 = arith.addi %mul3A_0, %mul3A_688 : i32
        %mul3A_690 = arith.constant 160000 : i32
        %mul3A_691 = arith.muli %arg0, %mul3A_690 : i32
        %add3A_692 = arith.addi %mul3A_691, %add3A_689 : i32
        %dma_start3A_693 = tpu.memref_slice %arg2[%add3A_692] : memref<320000xi32, #tpu.memory_space<hbm>> -> memref<40xi32, #tpu.memory_space<hbm>>
        %dma_start3A_694 = tpu.memref_slice %arg2[%add3A_692] : memref<320000xi32, #tpu.memory_space<hbm>> -> memref<40xi32, #tpu.memory_space<hbm>>
        tpu.enqueue_dma source(%dma_start3A_694 : memref<40xi32, #tpu.memory_space<hbm>>) target(%arg7 : memref<40xi32, #tpu.memory_space<vmem>>) target_semaphore(%arg38 : memref<!tpu.dma_semaphore, #tpu.memory_space<semaphore_mem>>)
        %dma_start3A_695 = tpu.memref_slice %arg3[%add3A_689] : memref<160000xi32, #tpu.memory_space<hbm>> -> memref<40xi32, #tpu.memory_space<hbm>>
        %dma_start3A_696 = tpu.memref_slice %arg3[%add3A_689] : memref<160000xi32, #tpu.memory_space<hbm>> -> memref<40xi32, #tpu.memory_space<hbm>>
        tpu.enqueue_dma source(%dma_start3A_696 : memref<40xi32, #tpu.memory_space<hbm>>) target(%arg19 : memref<40xi32, #tpu.memory_space<vmem>>) target_semaphore(%arg38 : memref<!tpu.dma_semaphore, #tpu.memory_space<semaphore_mem>>)
      } else {
      }
      %mul3A_382 = arith.constant 12 : i32
      %mul3A_383 = arith.muli %scan3A_324, %mul3A_382 : i32
      %add3A_384 = arith.constant 1 : i32
      %add3A_385 = arith.addi %mul3A_383, %add3A_384 : i32
      %add3A_386 = arith.constant 2 : i32
      %add3A_387 = arith.addi %add3A_385, %add3A_386 : i32
      %dma_wait3A_388 = arith.constant 0 : i32
      %dma_wait3A_389 = arith.constant 0 : i32
      %dma_wait3A_390 = tpu.memref_slice %arg4[%dma_wait3A_388, %dma_wait3A_389] : memref<20480x128xf32, #tpu.memory_space<hbm>> -> memref<20480x128xf32, #tpu.memory_space<hbm>>
      tpu.wait_indirect_dma semaphore(%arg52 : memref<!tpu.dma_semaphore, #tpu.memory_space<semaphore_mem>>) src(%dma_wait3A_390 : memref<20480x128xf32, #tpu.memory_space<hbm>>) dst(%arg33 : memref<40x128xf32, #tpu.memory_space<vmem>>)
      %dma_start3A_391 = arith.constant 0 : i32
      %dma_start3A_392 = arith.constant 0 : i32
      %dma_start3A_393 = tpu.memref_slice %arg36[%dma_start3A_391, %dma_start3A_392] : memref<10240x128xf32, #tpu.memory_space<vmem_shared>> -> memref<10240x128xf32, #tpu.memory_space<vmem_shared>>
      tpu.enqueue_indirect_dma source(%arg33 : memref<40x128xf32, #tpu.memory_space<vmem>>) target(%dma_start3A_393 : memref<10240x128xf32, #tpu.memory_space<vmem_shared>>) offsets(%arg21 : memref<40xi32, #tpu.memory_space<vmem>>) semaphore(%arg58 : memref<!tpu.dma_semaphore, #tpu.memory_space<semaphore_mem>>) {add = true}
      %add3A_394 = arith.constant 6 : i32
      %add3A_395 = arith.addi %add3A_387, %add3A_394 : i32
      %sub3A_396 = arith.constant 1 : i32
      %sub3A_397 = arith.subi %add3A_395, %sub3A_396 : i32
      %lt3A_398 = arith.constant 250 : i32
      %lt3A_399 = arith.cmpi slt, %sub3A_397, %lt3A_398 : i32
      %convert_element_type3A_400 = arith.extui %lt3A_399 : i1 to i32
      %cond3A_401 = arith.constant 0 : i32
      %cond3A_402 = arith.cmpi ne, %convert_element_type3A_400, %cond3A_401 : i32
      scf.if %cond3A_402 {
        %dma_wait3A_683 = arith.constant 0 : i32
        %dma_wait3A_684 = arith.constant 0 : i32
        %dma_wait3A_685 = tpu.memref_slice %arg36[%dma_wait3A_683, %dma_wait3A_684] : memref<10240x128xf32, #tpu.memory_space<vmem_shared>> -> memref<10240x128xf32, #tpu.memory_space<vmem_shared>>
        tpu.wait_indirect_dma semaphore(%arg57 : memref<!tpu.dma_semaphore, #tpu.memory_space<semaphore_mem>>) src(%arg32 : memref<40x128xf32, #tpu.memory_space<vmem>>) dst(%dma_wait3A_685 : memref<10240x128xf32, #tpu.memory_space<vmem_shared>>)
        %dma_wait3A_686 = arith.constant 0 : i32
        %dma_wait3A_687 = tpu.memref_slice %arg3[%dma_wait3A_686] : memref<160000xi32, #tpu.memory_space<hbm>> -> memref<40xi32, #tpu.memory_space<hbm>>
        %dma_wait3A_688 = arith.constant 0 : i32
        %dma_wait3A_689 = tpu.memref_slice %arg3[%dma_wait3A_688] : memref<160000xi32, #tpu.memory_space<hbm>> -> memref<40xi32, #tpu.memory_space<hbm>>
        tpu.wait_dma2 semaphore(%arg45 : memref<!tpu.dma_semaphore, #tpu.memory_space<semaphore_mem>>) src(%dma_wait3A_689 : memref<40xi32, #tpu.memory_space<hbm>>) dst(%arg14 : memref<40xi32, #tpu.memory_space<vmem>>)
        %dma_wait3A_690 = arith.constant 0 : i32
        %dma_wait3A_691 = tpu.memref_slice %arg3[%dma_wait3A_690] : memref<160000xi32, #tpu.memory_space<hbm>> -> memref<40xi32, #tpu.memory_space<hbm>>
        %dma_wait3A_692 = arith.constant 0 : i32
        %dma_wait3A_693 = tpu.memref_slice %arg3[%dma_wait3A_692] : memref<160000xi32, #tpu.memory_space<hbm>> -> memref<40xi32, #tpu.memory_space<hbm>>
        tpu.wait_dma2 semaphore(%arg45 : memref<!tpu.dma_semaphore, #tpu.memory_space<semaphore_mem>>) src(%dma_wait3A_693 : memref<40xi32, #tpu.memory_space<hbm>>) dst(%arg26 : memref<40xi32, #tpu.memory_space<vmem>>)
        %dma_start3A_694 = arith.constant 0 : i32
        %dma_start3A_695 = arith.constant 0 : i32
        %dma_start3A_696 = tpu.memref_slice %arg4[%dma_start3A_694, %dma_start3A_695] : memref<20480x128xf32, #tpu.memory_space<hbm>> -> memref<20480x128xf32, #tpu.memory_space<hbm>>
        tpu.enqueue_indirect_dma source(%dma_start3A_696 : memref<20480x128xf32, #tpu.memory_space<hbm>>) target(%arg32 : memref<40x128xf32, #tpu.memory_space<vmem>>) offsets(%arg14 : memref<40xi32, #tpu.memory_space<vmem>>) semaphore(%arg51 : memref<!tpu.dma_semaphore, #tpu.memory_space<semaphore_mem>>)
      } else {
      }
      %add3A_403 = arith.constant 12 : i32
      %add3A_404 = arith.addi %add3A_387, %add3A_403 : i32
      %sub3A_405 = arith.constant 1 : i32
      %sub3A_406 = arith.subi %add3A_404, %sub3A_405 : i32
      %lt3A_407 = arith.constant 250 : i32
      %lt3A_408 = arith.cmpi slt, %sub3A_406, %lt3A_407 : i32
      %convert_element_type3A_409 = arith.extui %lt3A_408 : i1 to i32
      %cond3A_410 = arith.constant 0 : i32
      %cond3A_411 = arith.cmpi ne, %convert_element_type3A_409, %cond3A_410 : i32
      scf.if %cond3A_411 {
        %add3A_683 = arith.constant 12 : i32
        %add3A_684 = arith.addi %add3A_387, %add3A_683 : i32
        %sub3A_685 = arith.constant 1 : i32
        %sub3A_686 = arith.subi %add3A_684, %sub3A_685 : i32
        %mul3A_687 = arith.constant 40 : i32
        %mul3A_688 = arith.muli %sub3A_686, %mul3A_687 : i32
        %add3A_689 = arith.addi %mul3A_0, %mul3A_688 : i32
        %mul3A_690 = arith.constant 160000 : i32
        %mul3A_691 = arith.muli %arg0, %mul3A_690 : i32
        %add3A_692 = arith.addi %mul3A_691, %add3A_689 : i32
        %dma_start3A_693 = tpu.memref_slice %arg2[%add3A_692] : memref<320000xi32, #tpu.memory_space<hbm>> -> memref<40xi32, #tpu.memory_space<hbm>>
        %dma_start3A_694 = tpu.memref_slice %arg2[%add3A_692] : memref<320000xi32, #tpu.memory_space<hbm>> -> memref<40xi32, #tpu.memory_space<hbm>>
        tpu.enqueue_dma source(%dma_start3A_694 : memref<40xi32, #tpu.memory_space<hbm>>) target(%arg8 : memref<40xi32, #tpu.memory_space<vmem>>) target_semaphore(%arg39 : memref<!tpu.dma_semaphore, #tpu.memory_space<semaphore_mem>>)
        %dma_start3A_695 = tpu.memref_slice %arg3[%add3A_689] : memref<160000xi32, #tpu.memory_space<hbm>> -> memref<40xi32, #tpu.memory_space<hbm>>
        %dma_start3A_696 = tpu.memref_slice %arg3[%add3A_689] : memref<160000xi32, #tpu.memory_space<hbm>> -> memref<40xi32, #tpu.memory_space<hbm>>
        tpu.enqueue_dma source(%dma_start3A_696 : memref<40xi32, #tpu.memory_space<hbm>>) target(%arg20 : memref<40xi32, #tpu.memory_space<vmem>>) target_semaphore(%arg39 : memref<!tpu.dma_semaphore, #tpu.memory_space<semaphore_mem>>)
      } else {
      }
      %mul3A_412 = arith.constant 12 : i32
      %mul3A_413 = arith.muli %scan3A_324, %mul3A_412 : i32
      %add3A_414 = arith.constant 1 : i32
      %add3A_415 = arith.addi %mul3A_413, %add3A_414 : i32
      %add3A_416 = arith.constant 3 : i32
      %add3A_417 = arith.addi %add3A_415, %add3A_416 : i32
      %dma_wait3A_418 = arith.constant 0 : i32
      %dma_wait3A_419 = arith.constant 0 : i32
      %dma_wait3A_420 = tpu.memref_slice %arg4[%dma_wait3A_418, %dma_wait3A_419] : memref<20480x128xf32, #tpu.memory_space<hbm>> -> memref<20480x128xf32, #tpu.memory_space<hbm>>
      tpu.wait_indirect_dma semaphore(%arg53 : memref<!tpu.dma_semaphore, #tpu.memory_space<semaphore_mem>>) src(%dma_wait3A_420 : memref<20480x128xf32, #tpu.memory_space<hbm>>) dst(%arg34 : memref<40x128xf32, #tpu.memory_space<vmem>>)
      %dma_start3A_421 = arith.constant 0 : i32
      %dma_start3A_422 = arith.constant 0 : i32
      %dma_start3A_423 = tpu.memref_slice %arg36[%dma_start3A_421, %dma_start3A_422] : memref<10240x128xf32, #tpu.memory_space<vmem_shared>> -> memref<10240x128xf32, #tpu.memory_space<vmem_shared>>
      tpu.enqueue_indirect_dma source(%arg34 : memref<40x128xf32, #tpu.memory_space<vmem>>) target(%dma_start3A_423 : memref<10240x128xf32, #tpu.memory_space<vmem_shared>>) offsets(%arg22 : memref<40xi32, #tpu.memory_space<vmem>>) semaphore(%arg59 : memref<!tpu.dma_semaphore, #tpu.memory_space<semaphore_mem>>) {add = true}
      %add3A_424 = arith.constant 6 : i32
      %add3A_425 = arith.addi %add3A_417, %add3A_424 : i32
      %sub3A_426 = arith.constant 1 : i32
      %sub3A_427 = arith.subi %add3A_425, %sub3A_426 : i32
      %lt3A_428 = arith.constant 250 : i32
      %lt3A_429 = arith.cmpi slt, %sub3A_427, %lt3A_428 : i32
      %convert_element_type3A_430 = arith.extui %lt3A_429 : i1 to i32
      %cond3A_431 = arith.constant 0 : i32
      %cond3A_432 = arith.cmpi ne, %convert_element_type3A_430, %cond3A_431 : i32
      scf.if %cond3A_432 {
        %dma_wait3A_683 = arith.constant 0 : i32
        %dma_wait3A_684 = arith.constant 0 : i32
        %dma_wait3A_685 = tpu.memref_slice %arg36[%dma_wait3A_683, %dma_wait3A_684] : memref<10240x128xf32, #tpu.memory_space<vmem_shared>> -> memref<10240x128xf32, #tpu.memory_space<vmem_shared>>
        tpu.wait_indirect_dma semaphore(%arg58 : memref<!tpu.dma_semaphore, #tpu.memory_space<semaphore_mem>>) src(%arg33 : memref<40x128xf32, #tpu.memory_space<vmem>>) dst(%dma_wait3A_685 : memref<10240x128xf32, #tpu.memory_space<vmem_shared>>)
        %dma_wait3A_686 = arith.constant 0 : i32
        %dma_wait3A_687 = tpu.memref_slice %arg3[%dma_wait3A_686] : memref<160000xi32, #tpu.memory_space<hbm>> -> memref<40xi32, #tpu.memory_space<hbm>>
        %dma_wait3A_688 = arith.constant 0 : i32
        %dma_wait3A_689 = tpu.memref_slice %arg3[%dma_wait3A_688] : memref<160000xi32, #tpu.memory_space<hbm>> -> memref<40xi32, #tpu.memory_space<hbm>>
        tpu.wait_dma2 semaphore(%arg46 : memref<!tpu.dma_semaphore, #tpu.memory_space<semaphore_mem>>) src(%dma_wait3A_689 : memref<40xi32, #tpu.memory_space<hbm>>) dst(%arg15 : memref<40xi32, #tpu.memory_space<vmem>>)
        %dma_wait3A_690 = arith.constant 0 : i32
        %dma_wait3A_691 = tpu.memref_slice %arg3[%dma_wait3A_690] : memref<160000xi32, #tpu.memory_space<hbm>> -> memref<40xi32, #tpu.memory_space<hbm>>
        %dma_wait3A_692 = arith.constant 0 : i32
        %dma_wait3A_693 = tpu.memref_slice %arg3[%dma_wait3A_692] : memref<160000xi32, #tpu.memory_space<hbm>> -> memref<40xi32, #tpu.memory_space<hbm>>
        tpu.wait_dma2 semaphore(%arg46 : memref<!tpu.dma_semaphore, #tpu.memory_space<semaphore_mem>>) src(%dma_wait3A_693 : memref<40xi32, #tpu.memory_space<hbm>>) dst(%arg27 : memref<40xi32, #tpu.memory_space<vmem>>)
        %dma_start3A_694 = arith.constant 0 : i32
        %dma_start3A_695 = arith.constant 0 : i32
        %dma_start3A_696 = tpu.memref_slice %arg4[%dma_start3A_694, %dma_start3A_695] : memref<20480x128xf32, #tpu.memory_space<hbm>> -> memref<20480x128xf32, #tpu.memory_space<hbm>>
        tpu.enqueue_indirect_dma source(%dma_start3A_696 : memref<20480x128xf32, #tpu.memory_space<hbm>>) target(%arg33 : memref<40x128xf32, #tpu.memory_space<vmem>>) offsets(%arg15 : memref<40xi32, #tpu.memory_space<vmem>>) semaphore(%arg52 : memref<!tpu.dma_semaphore, #tpu.memory_space<semaphore_mem>>)
      } else {
      }
      %add3A_433 = arith.constant 12 : i32
      %add3A_434 = arith.addi %add3A_417, %add3A_433 : i32
      %sub3A_435 = arith.constant 1 : i32
      %sub3A_436 = arith.subi %add3A_434, %sub3A_435 : i32
      %lt3A_437 = arith.constant 250 : i32
      %lt3A_438 = arith.cmpi slt, %sub3A_436, %lt3A_437 : i32
      %convert_element_type3A_439 = arith.extui %lt3A_438 : i1 to i32
      %cond3A_440 = arith.constant 0 : i32
      %cond3A_441 = arith.cmpi ne, %convert_element_type3A_439, %cond3A_440 : i32
      scf.if %cond3A_441 {
        %add3A_683 = arith.constant 12 : i32
        %add3A_684 = arith.addi %add3A_417, %add3A_683 : i32
        %sub3A_685 = arith.constant 1 : i32
        %sub3A_686 = arith.subi %add3A_684, %sub3A_685 : i32
        %mul3A_687 = arith.constant 40 : i32
        %mul3A_688 = arith.muli %sub3A_686, %mul3A_687 : i32
        %add3A_689 = arith.addi %mul3A_0, %mul3A_688 : i32
        %mul3A_690 = arith.constant 160000 : i32
        %mul3A_691 = arith.muli %arg0, %mul3A_690 : i32
        %add3A_692 = arith.addi %mul3A_691, %add3A_689 : i32
        %dma_start3A_693 = tpu.memref_slice %arg2[%add3A_692] : memref<320000xi32, #tpu.memory_space<hbm>> -> memref<40xi32, #tpu.memory_space<hbm>>
        %dma_start3A_694 = tpu.memref_slice %arg2[%add3A_692] : memref<320000xi32, #tpu.memory_space<hbm>> -> memref<40xi32, #tpu.memory_space<hbm>>
        tpu.enqueue_dma source(%dma_start3A_694 : memref<40xi32, #tpu.memory_space<hbm>>) target(%arg9 : memref<40xi32, #tpu.memory_space<vmem>>) target_semaphore(%arg40 : memref<!tpu.dma_semaphore, #tpu.memory_space<semaphore_mem>>)
        %dma_start3A_695 = tpu.memref_slice %arg3[%add3A_689] : memref<160000xi32, #tpu.memory_space<hbm>> -> memref<40xi32, #tpu.memory_space<hbm>>
        %dma_start3A_696 = tpu.memref_slice %arg3[%add3A_689] : memref<160000xi32, #tpu.memory_space<hbm>> -> memref<40xi32, #tpu.memory_space<hbm>>
        tpu.enqueue_dma source(%dma_start3A_696 : memref<40xi32, #tpu.memory_space<hbm>>) target(%arg21 : memref<40xi32, #tpu.memory_space<vmem>>) target_semaphore(%arg40 : memref<!tpu.dma_semaphore, #tpu.memory_space<semaphore_mem>>)
      } else {
      }
      %mul3A_442 = arith.constant 12 : i32
      %mul3A_443 = arith.muli %scan3A_324, %mul3A_442 : i32
      %add3A_444 = arith.constant 1 : i32
      %add3A_445 = arith.addi %mul3A_443, %add3A_444 : i32
      %add3A_446 = arith.constant 4 : i32
      %add3A_447 = arith.addi %add3A_445, %add3A_446 : i32
      %dma_wait3A_448 = arith.constant 0 : i32
      %dma_wait3A_449 = arith.constant 0 : i32
      %dma_wait3A_450 = tpu.memref_slice %arg4[%dma_wait3A_448, %dma_wait3A_449] : memref<20480x128xf32, #tpu.memory_space<hbm>> -> memref<20480x128xf32, #tpu.memory_space<hbm>>
      tpu.wait_indirect_dma semaphore(%arg54 : memref<!tpu.dma_semaphore, #tpu.memory_space<semaphore_mem>>) src(%dma_wait3A_450 : memref<20480x128xf32, #tpu.memory_space<hbm>>) dst(%arg35 : memref<40x128xf32, #tpu.memory_space<vmem>>)
      %dma_start3A_451 = arith.constant 0 : i32
      %dma_start3A_452 = arith.constant 0 : i32
      %dma_start3A_453 = tpu.memref_slice %arg36[%dma_start3A_451, %dma_start3A_452] : memref<10240x128xf32, #tpu.memory_space<vmem_shared>> -> memref<10240x128xf32, #tpu.memory_space<vmem_shared>>
      tpu.enqueue_indirect_dma source(%arg35 : memref<40x128xf32, #tpu.memory_space<vmem>>) target(%dma_start3A_453 : memref<10240x128xf32, #tpu.memory_space<vmem_shared>>) offsets(%arg23 : memref<40xi32, #tpu.memory_space<vmem>>) semaphore(%arg60 : memref<!tpu.dma_semaphore, #tpu.memory_space<semaphore_mem>>) {add = true}
      %add3A_454 = arith.constant 6 : i32
      %add3A_455 = arith.addi %add3A_447, %add3A_454 : i32
      %sub3A_456 = arith.constant 1 : i32
      %sub3A_457 = arith.subi %add3A_455, %sub3A_456 : i32
      %lt3A_458 = arith.constant 250 : i32
      %lt3A_459 = arith.cmpi slt, %sub3A_457, %lt3A_458 : i32
      %convert_element_type3A_460 = arith.extui %lt3A_459 : i1 to i32
      %cond3A_461 = arith.constant 0 : i32
      %cond3A_462 = arith.cmpi ne, %convert_element_type3A_460, %cond3A_461 : i32
      scf.if %cond3A_462 {
        %dma_wait3A_683 = arith.constant 0 : i32
        %dma_wait3A_684 = arith.constant 0 : i32
        %dma_wait3A_685 = tpu.memref_slice %arg36[%dma_wait3A_683, %dma_wait3A_684] : memref<10240x128xf32, #tpu.memory_space<vmem_shared>> -> memref<10240x128xf32, #tpu.memory_space<vmem_shared>>
        tpu.wait_indirect_dma semaphore(%arg59 : memref<!tpu.dma_semaphore, #tpu.memory_space<semaphore_mem>>) src(%arg34 : memref<40x128xf32, #tpu.memory_space<vmem>>) dst(%dma_wait3A_685 : memref<10240x128xf32, #tpu.memory_space<vmem_shared>>)
        %dma_wait3A_686 = arith.constant 0 : i32
        %dma_wait3A_687 = tpu.memref_slice %arg3[%dma_wait3A_686] : memref<160000xi32, #tpu.memory_space<hbm>> -> memref<40xi32, #tpu.memory_space<hbm>>
        %dma_wait3A_688 = arith.constant 0 : i32
        %dma_wait3A_689 = tpu.memref_slice %arg3[%dma_wait3A_688] : memref<160000xi32, #tpu.memory_space<hbm>> -> memref<40xi32, #tpu.memory_space<hbm>>
        tpu.wait_dma2 semaphore(%arg47 : memref<!tpu.dma_semaphore, #tpu.memory_space<semaphore_mem>>) src(%dma_wait3A_689 : memref<40xi32, #tpu.memory_space<hbm>>) dst(%arg16 : memref<40xi32, #tpu.memory_space<vmem>>)
        %dma_wait3A_690 = arith.constant 0 : i32
        %dma_wait3A_691 = tpu.memref_slice %arg3[%dma_wait3A_690] : memref<160000xi32, #tpu.memory_space<hbm>> -> memref<40xi32, #tpu.memory_space<hbm>>
        %dma_wait3A_692 = arith.constant 0 : i32
        %dma_wait3A_693 = tpu.memref_slice %arg3[%dma_wait3A_692] : memref<160000xi32, #tpu.memory_space<hbm>> -> memref<40xi32, #tpu.memory_space<hbm>>
        tpu.wait_dma2 semaphore(%arg47 : memref<!tpu.dma_semaphore, #tpu.memory_space<semaphore_mem>>) src(%dma_wait3A_693 : memref<40xi32, #tpu.memory_space<hbm>>) dst(%arg28 : memref<40xi32, #tpu.memory_space<vmem>>)
        %dma_start3A_694 = arith.constant 0 : i32
        %dma_start3A_695 = arith.constant 0 : i32
        %dma_start3A_696 = tpu.memref_slice %arg4[%dma_start3A_694, %dma_start3A_695] : memref<20480x128xf32, #tpu.memory_space<hbm>> -> memref<20480x128xf32, #tpu.memory_space<hbm>>
        tpu.enqueue_indirect_dma source(%dma_start3A_696 : memref<20480x128xf32, #tpu.memory_space<hbm>>) target(%arg34 : memref<40x128xf32, #tpu.memory_space<vmem>>) offsets(%arg16 : memref<40xi32, #tpu.memory_space<vmem>>) semaphore(%arg53 : memref<!tpu.dma_semaphore, #tpu.memory_space<semaphore_mem>>)
      } else {
      }
      %add3A_463 = arith.constant 12 : i32
      %add3A_464 = arith.addi %add3A_447, %add3A_463 : i32
      %sub3A_465 = arith.constant 1 : i32
      %sub3A_466 = arith.subi %add3A_464, %sub3A_465 : i32
      %lt3A_467 = arith.constant 250 : i32
      %lt3A_468 = arith.cmpi slt, %sub3A_466, %lt3A_467 : i32
      %convert_element_type3A_469 = arith.extui %lt3A_468 : i1 to i32
      %cond3A_470 = arith.constant 0 : i32
      %cond3A_471 = arith.cmpi ne, %convert_element_type3A_469, %cond3A_470 : i32
      scf.if %cond3A_471 {
        %add3A_683 = arith.constant 12 : i32
        %add3A_684 = arith.addi %add3A_447, %add3A_683 : i32
        %sub3A_685 = arith.constant 1 : i32
        %sub3A_686 = arith.subi %add3A_684, %sub3A_685 : i32
        %mul3A_687 = arith.constant 40 : i32
        %mul3A_688 = arith.muli %sub3A_686, %mul3A_687 : i32
        %add3A_689 = arith.addi %mul3A_0, %mul3A_688 : i32
        %mul3A_690 = arith.constant 160000 : i32
        %mul3A_691 = arith.muli %arg0, %mul3A_690 : i32
        %add3A_692 = arith.addi %mul3A_691, %add3A_689 : i32
        %dma_start3A_693 = tpu.memref_slice %arg2[%add3A_692] : memref<320000xi32, #tpu.memory_space<hbm>> -> memref<40xi32, #tpu.memory_space<hbm>>
        %dma_start3A_694 = tpu.memref_slice %arg2[%add3A_692] : memref<320000xi32, #tpu.memory_space<hbm>> -> memref<40xi32, #tpu.memory_space<hbm>>
        tpu.enqueue_dma source(%dma_start3A_694 : memref<40xi32, #tpu.memory_space<hbm>>) target(%arg10 : memref<40xi32, #tpu.memory_space<vmem>>) target_semaphore(%arg41 : memref<!tpu.dma_semaphore, #tpu.memory_space<semaphore_mem>>)
        %dma_start3A_695 = tpu.memref_slice %arg3[%add3A_689] : memref<160000xi32, #tpu.memory_space<hbm>> -> memref<40xi32, #tpu.memory_space<hbm>>
        %dma_start3A_696 = tpu.memref_slice %arg3[%add3A_689] : memref<160000xi32, #tpu.memory_space<hbm>> -> memref<40xi32, #tpu.memory_space<hbm>>
        tpu.enqueue_dma source(%dma_start3A_696 : memref<40xi32, #tpu.memory_space<hbm>>) target(%arg22 : memref<40xi32, #tpu.memory_space<vmem>>) target_semaphore(%arg41 : memref<!tpu.dma_semaphore, #tpu.memory_space<semaphore_mem>>)
      } else {
      }
      %mul3A_472 = arith.constant 12 : i32
      %mul3A_473 = arith.muli %scan3A_324, %mul3A_472 : i32
      %add3A_474 = arith.constant 1 : i32
      %add3A_475 = arith.addi %mul3A_473, %add3A_474 : i32
      %add3A_476 = arith.constant 5 : i32
      %add3A_477 = arith.addi %add3A_475, %add3A_476 : i32
      %dma_wait3A_478 = arith.constant 0 : i32
      %dma_wait3A_479 = arith.constant 0 : i32
      %dma_wait3A_480 = tpu.memref_slice %arg4[%dma_wait3A_478, %dma_wait3A_479] : memref<20480x128xf32, #tpu.memory_space<hbm>> -> memref<20480x128xf32, #tpu.memory_space<hbm>>
      tpu.wait_indirect_dma semaphore(%arg49 : memref<!tpu.dma_semaphore, #tpu.memory_space<semaphore_mem>>) src(%dma_wait3A_480 : memref<20480x128xf32, #tpu.memory_space<hbm>>) dst(%arg30 : memref<40x128xf32, #tpu.memory_space<vmem>>)
      %dma_start3A_481 = arith.constant 0 : i32
      %dma_start3A_482 = arith.constant 0 : i32
      %dma_start3A_483 = tpu.memref_slice %arg36[%dma_start3A_481, %dma_start3A_482] : memref<10240x128xf32, #tpu.memory_space<vmem_shared>> -> memref<10240x128xf32, #tpu.memory_space<vmem_shared>>
      tpu.enqueue_indirect_dma source(%arg30 : memref<40x128xf32, #tpu.memory_space<vmem>>) target(%dma_start3A_483 : memref<10240x128xf32, #tpu.memory_space<vmem_shared>>) offsets(%arg24 : memref<40xi32, #tpu.memory_space<vmem>>) semaphore(%arg55 : memref<!tpu.dma_semaphore, #tpu.memory_space<semaphore_mem>>) {add = true}
      %add3A_484 = arith.constant 6 : i32
      %add3A_485 = arith.addi %add3A_477, %add3A_484 : i32
      %sub3A_486 = arith.constant 1 : i32
      %sub3A_487 = arith.subi %add3A_485, %sub3A_486 : i32
      %lt3A_488 = arith.constant 250 : i32
      %lt3A_489 = arith.cmpi slt, %sub3A_487, %lt3A_488 : i32
      %convert_element_type3A_490 = arith.extui %lt3A_489 : i1 to i32
      %cond3A_491 = arith.constant 0 : i32
      %cond3A_492 = arith.cmpi ne, %convert_element_type3A_490, %cond3A_491 : i32
      scf.if %cond3A_492 {
        %dma_wait3A_683 = arith.constant 0 : i32
        %dma_wait3A_684 = arith.constant 0 : i32
        %dma_wait3A_685 = tpu.memref_slice %arg36[%dma_wait3A_683, %dma_wait3A_684] : memref<10240x128xf32, #tpu.memory_space<vmem_shared>> -> memref<10240x128xf32, #tpu.memory_space<vmem_shared>>
        tpu.wait_indirect_dma semaphore(%arg60 : memref<!tpu.dma_semaphore, #tpu.memory_space<semaphore_mem>>) src(%arg35 : memref<40x128xf32, #tpu.memory_space<vmem>>) dst(%dma_wait3A_685 : memref<10240x128xf32, #tpu.memory_space<vmem_shared>>)
        %dma_wait3A_686 = arith.constant 0 : i32
        %dma_wait3A_687 = tpu.memref_slice %arg3[%dma_wait3A_686] : memref<160000xi32, #tpu.memory_space<hbm>> -> memref<40xi32, #tpu.memory_space<hbm>>
        %dma_wait3A_688 = arith.constant 0 : i32
        %dma_wait3A_689 = tpu.memref_slice %arg3[%dma_wait3A_688] : memref<160000xi32, #tpu.memory_space<hbm>> -> memref<40xi32, #tpu.memory_space<hbm>>
        tpu.wait_dma2 semaphore(%arg48 : memref<!tpu.dma_semaphore, #tpu.memory_space<semaphore_mem>>) src(%dma_wait3A_689 : memref<40xi32, #tpu.memory_space<hbm>>) dst(%arg17 : memref<40xi32, #tpu.memory_space<vmem>>)
        %dma_wait3A_690 = arith.constant 0 : i32
        %dma_wait3A_691 = tpu.memref_slice %arg3[%dma_wait3A_690] : memref<160000xi32, #tpu.memory_space<hbm>> -> memref<40xi32, #tpu.memory_space<hbm>>
        %dma_wait3A_692 = arith.constant 0 : i32
        %dma_wait3A_693 = tpu.memref_slice %arg3[%dma_wait3A_692] : memref<160000xi32, #tpu.memory_space<hbm>> -> memref<40xi32, #tpu.memory_space<hbm>>
        tpu.wait_dma2 semaphore(%arg48 : memref<!tpu.dma_semaphore, #tpu.memory_space<semaphore_mem>>) src(%dma_wait3A_693 : memref<40xi32, #tpu.memory_space<hbm>>) dst(%arg29 : memref<40xi32, #tpu.memory_space<vmem>>)
        %dma_start3A_694 = arith.constant 0 : i32
        %dma_start3A_695 = arith.constant 0 : i32
        %dma_start3A_696 = tpu.memref_slice %arg4[%dma_start3A_694, %dma_start3A_695] : memref<20480x128xf32, #tpu.memory_space<hbm>> -> memref<20480x128xf32, #tpu.memory_space<hbm>>
        tpu.enqueue_indirect_dma source(%dma_start3A_696 : memref<20480x128xf32, #tpu.memory_space<hbm>>) target(%arg35 : memref<40x128xf32, #tpu.memory_space<vmem>>) offsets(%arg17 : memref<40xi32, #tpu.memory_space<vmem>>) semaphore(%arg54 : memref<!tpu.dma_semaphore, #tpu.memory_space<semaphore_mem>>)
      } else {
      }
      %add3A_493 = arith.constant 12 : i32
      %add3A_494 = arith.addi %add3A_477, %add3A_493 : i32
      %sub3A_495 = arith.constant 1 : i32
      %sub3A_496 = arith.subi %add3A_494, %sub3A_495 : i32
      %lt3A_497 = arith.constant 250 : i32
      %lt3A_498 = arith.cmpi slt, %sub3A_496, %lt3A_497 : i32
      %convert_element_type3A_499 = arith.extui %lt3A_498 : i1 to i32
      %cond3A_500 = arith.constant 0 : i32
      %cond3A_501 = arith.cmpi ne, %convert_element_type3A_499, %cond3A_500 : i32
      scf.if %cond3A_501 {
        %add3A_683 = arith.constant 12 : i32
        %add3A_684 = arith.addi %add3A_477, %add3A_683 : i32
        %sub3A_685 = arith.constant 1 : i32
        %sub3A_686 = arith.subi %add3A_684, %sub3A_685 : i32
        %mul3A_687 = arith.constant 40 : i32
        %mul3A_688 = arith.muli %sub3A_686, %mul3A_687 : i32
        %add3A_689 = arith.addi %mul3A_0, %mul3A_688 : i32
        %mul3A_690 = arith.constant 160000 : i32
        %mul3A_691 = arith.muli %arg0, %mul3A_690 : i32
        %add3A_692 = arith.addi %mul3A_691, %add3A_689 : i32
        %dma_start3A_693 = tpu.memref_slice %arg2[%add3A_692] : memref<320000xi32, #tpu.memory_space<hbm>> -> memref<40xi32, #tpu.memory_space<hbm>>
        %dma_start3A_694 = tpu.memref_slice %arg2[%add3A_692] : memref<320000xi32, #tpu.memory_space<hbm>> -> memref<40xi32, #tpu.memory_space<hbm>>
        tpu.enqueue_dma source(%dma_start3A_694 : memref<40xi32, #tpu.memory_space<hbm>>) target(%arg11 : memref<40xi32, #tpu.memory_space<vmem>>) target_semaphore(%arg42 : memref<!tpu.dma_semaphore, #tpu.memory_space<semaphore_mem>>)
        %dma_start3A_695 = tpu.memref_slice %arg3[%add3A_689] : memref<160000xi32, #tpu.memory_space<hbm>> -> memref<40xi32, #tpu.memory_space<hbm>>
        %dma_start3A_696 = tpu.memref_slice %arg3[%add3A_689] : memref<160000xi32, #tpu.memory_space<hbm>> -> memref<40xi32, #tpu.memory_space<hbm>>
        tpu.enqueue_dma source(%dma_start3A_696 : memref<40xi32, #tpu.memory_space<hbm>>) target(%arg23 : memref<40xi32, #tpu.memory_space<vmem>>) target_semaphore(%arg42 : memref<!tpu.dma_semaphore, #tpu.memory_space<semaphore_mem>>)
      } else {
      }
      %mul3A_502 = arith.constant 12 : i32
      %mul3A_503 = arith.muli %scan3A_324, %mul3A_502 : i32
      %add3A_504 = arith.constant 1 : i32
      %add3A_505 = arith.addi %mul3A_503, %add3A_504 : i32
      %add3A_506 = arith.constant 6 : i32
      %add3A_507 = arith.addi %add3A_505, %add3A_506 : i32
      %dma_wait3A_508 = arith.constant 0 : i32
      %dma_wait3A_509 = arith.constant 0 : i32
      %dma_wait3A_510 = tpu.memref_slice %arg4[%dma_wait3A_508, %dma_wait3A_509] : memref<20480x128xf32, #tpu.memory_space<hbm>> -> memref<20480x128xf32, #tpu.memory_space<hbm>>
      tpu.wait_indirect_dma semaphore(%arg50 : memref<!tpu.dma_semaphore, #tpu.memory_space<semaphore_mem>>) src(%dma_wait3A_510 : memref<20480x128xf32, #tpu.memory_space<hbm>>) dst(%arg31 : memref<40x128xf32, #tpu.memory_space<vmem>>)
      %dma_start3A_511 = arith.constant 0 : i32
      %dma_start3A_512 = arith.constant 0 : i32
      %dma_start3A_513 = tpu.memref_slice %arg36[%dma_start3A_511, %dma_start3A_512] : memref<10240x128xf32, #tpu.memory_space<vmem_shared>> -> memref<10240x128xf32, #tpu.memory_space<vmem_shared>>
      tpu.enqueue_indirect_dma source(%arg31 : memref<40x128xf32, #tpu.memory_space<vmem>>) target(%dma_start3A_513 : memref<10240x128xf32, #tpu.memory_space<vmem_shared>>) offsets(%arg25 : memref<40xi32, #tpu.memory_space<vmem>>) semaphore(%arg56 : memref<!tpu.dma_semaphore, #tpu.memory_space<semaphore_mem>>) {add = true}
      %add3A_514 = arith.constant 6 : i32
      %add3A_515 = arith.addi %add3A_507, %add3A_514 : i32
      %sub3A_516 = arith.constant 1 : i32
      %sub3A_517 = arith.subi %add3A_515, %sub3A_516 : i32
      %lt3A_518 = arith.constant 250 : i32
      %lt3A_519 = arith.cmpi slt, %sub3A_517, %lt3A_518 : i32
      %convert_element_type3A_520 = arith.extui %lt3A_519 : i1 to i32
      %cond3A_521 = arith.constant 0 : i32
      %cond3A_522 = arith.cmpi ne, %convert_element_type3A_520, %cond3A_521 : i32
      scf.if %cond3A_522 {
        %dma_wait3A_683 = arith.constant 0 : i32
        %dma_wait3A_684 = arith.constant 0 : i32
        %dma_wait3A_685 = tpu.memref_slice %arg36[%dma_wait3A_683, %dma_wait3A_684] : memref<10240x128xf32, #tpu.memory_space<vmem_shared>> -> memref<10240x128xf32, #tpu.memory_space<vmem_shared>>
        tpu.wait_indirect_dma semaphore(%arg55 : memref<!tpu.dma_semaphore, #tpu.memory_space<semaphore_mem>>) src(%arg30 : memref<40x128xf32, #tpu.memory_space<vmem>>) dst(%dma_wait3A_685 : memref<10240x128xf32, #tpu.memory_space<vmem_shared>>)
        %dma_wait3A_686 = arith.constant 0 : i32
        %dma_wait3A_687 = tpu.memref_slice %arg3[%dma_wait3A_686] : memref<160000xi32, #tpu.memory_space<hbm>> -> memref<40xi32, #tpu.memory_space<hbm>>
        %dma_wait3A_688 = arith.constant 0 : i32
        %dma_wait3A_689 = tpu.memref_slice %arg3[%dma_wait3A_688] : memref<160000xi32, #tpu.memory_space<hbm>> -> memref<40xi32, #tpu.memory_space<hbm>>
        tpu.wait_dma2 semaphore(%arg37 : memref<!tpu.dma_semaphore, #tpu.memory_space<semaphore_mem>>) src(%dma_wait3A_689 : memref<40xi32, #tpu.memory_space<hbm>>) dst(%arg6 : memref<40xi32, #tpu.memory_space<vmem>>)
        %dma_wait3A_690 = arith.constant 0 : i32
        %dma_wait3A_691 = tpu.memref_slice %arg3[%dma_wait3A_690] : memref<160000xi32, #tpu.memory_space<hbm>> -> memref<40xi32, #tpu.memory_space<hbm>>
        %dma_wait3A_692 = arith.constant 0 : i32
        %dma_wait3A_693 = tpu.memref_slice %arg3[%dma_wait3A_692] : memref<160000xi32, #tpu.memory_space<hbm>> -> memref<40xi32, #tpu.memory_space<hbm>>
        tpu.wait_dma2 semaphore(%arg37 : memref<!tpu.dma_semaphore, #tpu.memory_space<semaphore_mem>>) src(%dma_wait3A_693 : memref<40xi32, #tpu.memory_space<hbm>>) dst(%arg18 : memref<40xi32, #tpu.memory_space<vmem>>)
        %dma_start3A_694 = arith.constant 0 : i32
        %dma_start3A_695 = arith.constant 0 : i32
        %dma_start3A_696 = tpu.memref_slice %arg4[%dma_start3A_694, %dma_start3A_695] : memref<20480x128xf32, #tpu.memory_space<hbm>> -> memref<20480x128xf32, #tpu.memory_space<hbm>>
        tpu.enqueue_indirect_dma source(%dma_start3A_696 : memref<20480x128xf32, #tpu.memory_space<hbm>>) target(%arg30 : memref<40x128xf32, #tpu.memory_space<vmem>>) offsets(%arg6 : memref<40xi32, #tpu.memory_space<vmem>>) semaphore(%arg49 : memref<!tpu.dma_semaphore, #tpu.memory_space<semaphore_mem>>)
      } else {
      }
      %add3A_523 = arith.constant 12 : i32
      %add3A_524 = arith.addi %add3A_507, %add3A_523 : i32
      %sub3A_525 = arith.constant 1 : i32
      %sub3A_526 = arith.subi %add3A_524, %sub3A_525 : i32
      %lt3A_527 = arith.constant 250 : i32
      %lt3A_528 = arith.cmpi slt, %sub3A_526, %lt3A_527 : i32
      %convert_element_type3A_529 = arith.extui %lt3A_528 : i1 to i32
      %cond3A_530 = arith.constant 0 : i32
      %cond3A_531 = arith.cmpi ne, %convert_element_type3A_529, %cond3A_530 : i32
      scf.if %cond3A_531 {
        %add3A_683 = arith.constant 12 : i32
        %add3A_684 = arith.addi %add3A_507, %add3A_683 : i32
        %sub3A_685 = arith.constant 1 : i32
        %sub3A_686 = arith.subi %add3A_684, %sub3A_685 : i32
        %mul3A_687 = arith.constant 40 : i32
        %mul3A_688 = arith.muli %sub3A_686, %mul3A_687 : i32
        %add3A_689 = arith.addi %mul3A_0, %mul3A_688 : i32
        %mul3A_690 = arith.constant 160000 : i32
        %mul3A_691 = arith.muli %arg0, %mul3A_690 : i32
        %add3A_692 = arith.addi %mul3A_691, %add3A_689 : i32
        %dma_start3A_693 = tpu.memref_slice %arg2[%add3A_692] : memref<320000xi32, #tpu.memory_space<hbm>> -> memref<40xi32, #tpu.memory_space<hbm>>
        %dma_start3A_694 = tpu.memref_slice %arg2[%add3A_692] : memref<320000xi32, #tpu.memory_space<hbm>> -> memref<40xi32, #tpu.memory_space<hbm>>
        tpu.enqueue_dma source(%dma_start3A_694 : memref<40xi32, #tpu.memory_space<hbm>>) target(%arg12 : memref<40xi32, #tpu.memory_space<vmem>>) target_semaphore(%arg43 : memref<!tpu.dma_semaphore, #tpu.memory_space<semaphore_mem>>)
        %dma_start3A_695 = tpu.memref_slice %arg3[%add3A_689] : memref<160000xi32, #tpu.memory_space<hbm>> -> memref<40xi32, #tpu.memory_space<hbm>>
        %dma_start3A_696 = tpu.memref_slice %arg3[%add3A_689] : memref<160000xi32, #tpu.memory_space<hbm>> -> memref<40xi32, #tpu.memory_space<hbm>>
        tpu.enqueue_dma source(%dma_start3A_696 : memref<40xi32, #tpu.memory_space<hbm>>) target(%arg24 : memref<40xi32, #tpu.memory_space<vmem>>) target_semaphore(%arg43 : memref<!tpu.dma_semaphore, #tpu.memory_space<semaphore_mem>>)
      } else {
      }
      %mul3A_532 = arith.constant 12 : i32
      %mul3A_533 = arith.muli %scan3A_324, %mul3A_532 : i32
      %add3A_534 = arith.constant 1 : i32
      %add3A_535 = arith.addi %mul3A_533, %add3A_534 : i32
      %add3A_536 = arith.constant 7 : i32
      %add3A_537 = arith.addi %add3A_535, %add3A_536 : i32
      %dma_wait3A_538 = arith.constant 0 : i32
      %dma_wait3A_539 = arith.constant 0 : i32
      %dma_wait3A_540 = tpu.memref_slice %arg4[%dma_wait3A_538, %dma_wait3A_539] : memref<20480x128xf32, #tpu.memory_space<hbm>> -> memref<20480x128xf32, #tpu.memory_space<hbm>>
      tpu.wait_indirect_dma semaphore(%arg51 : memref<!tpu.dma_semaphore, #tpu.memory_space<semaphore_mem>>) src(%dma_wait3A_540 : memref<20480x128xf32, #tpu.memory_space<hbm>>) dst(%arg32 : memref<40x128xf32, #tpu.memory_space<vmem>>)
      %dma_start3A_541 = arith.constant 0 : i32
      %dma_start3A_542 = arith.constant 0 : i32
      %dma_start3A_543 = tpu.memref_slice %arg36[%dma_start3A_541, %dma_start3A_542] : memref<10240x128xf32, #tpu.memory_space<vmem_shared>> -> memref<10240x128xf32, #tpu.memory_space<vmem_shared>>
      tpu.enqueue_indirect_dma source(%arg32 : memref<40x128xf32, #tpu.memory_space<vmem>>) target(%dma_start3A_543 : memref<10240x128xf32, #tpu.memory_space<vmem_shared>>) offsets(%arg26 : memref<40xi32, #tpu.memory_space<vmem>>) semaphore(%arg57 : memref<!tpu.dma_semaphore, #tpu.memory_space<semaphore_mem>>) {add = true}
      %add3A_544 = arith.constant 6 : i32
      %add3A_545 = arith.addi %add3A_537, %add3A_544 : i32
      %sub3A_546 = arith.constant 1 : i32
      %sub3A_547 = arith.subi %add3A_545, %sub3A_546 : i32
      %lt3A_548 = arith.constant 250 : i32
      %lt3A_549 = arith.cmpi slt, %sub3A_547, %lt3A_548 : i32
      %convert_element_type3A_550 = arith.extui %lt3A_549 : i1 to i32
      %cond3A_551 = arith.constant 0 : i32
      %cond3A_552 = arith.cmpi ne, %convert_element_type3A_550, %cond3A_551 : i32
      scf.if %cond3A_552 {
        %dma_wait3A_683 = arith.constant 0 : i32
        %dma_wait3A_684 = arith.constant 0 : i32
        %dma_wait3A_685 = tpu.memref_slice %arg36[%dma_wait3A_683, %dma_wait3A_684] : memref<10240x128xf32, #tpu.memory_space<vmem_shared>> -> memref<10240x128xf32, #tpu.memory_space<vmem_shared>>
        tpu.wait_indirect_dma semaphore(%arg56 : memref<!tpu.dma_semaphore, #tpu.memory_space<semaphore_mem>>) src(%arg31 : memref<40x128xf32, #tpu.memory_space<vmem>>) dst(%dma_wait3A_685 : memref<10240x128xf32, #tpu.memory_space<vmem_shared>>)
        %dma_wait3A_686 = arith.constant 0 : i32
        %dma_wait3A_687 = tpu.memref_slice %arg3[%dma_wait3A_686] : memref<160000xi32, #tpu.memory_space<hbm>> -> memref<40xi32, #tpu.memory_space<hbm>>
        %dma_wait3A_688 = arith.constant 0 : i32
        %dma_wait3A_689 = tpu.memref_slice %arg3[%dma_wait3A_688] : memref<160000xi32, #tpu.memory_space<hbm>> -> memref<40xi32, #tpu.memory_space<hbm>>
        tpu.wait_dma2 semaphore(%arg38 : memref<!tpu.dma_semaphore, #tpu.memory_space<semaphore_mem>>) src(%dma_wait3A_689 : memref<40xi32, #tpu.memory_space<hbm>>) dst(%arg7 : memref<40xi32, #tpu.memory_space<vmem>>)
        %dma_wait3A_690 = arith.constant 0 : i32
        %dma_wait3A_691 = tpu.memref_slice %arg3[%dma_wait3A_690] : memref<160000xi32, #tpu.memory_space<hbm>> -> memref<40xi32, #tpu.memory_space<hbm>>
        %dma_wait3A_692 = arith.constant 0 : i32
        %dma_wait3A_693 = tpu.memref_slice %arg3[%dma_wait3A_692] : memref<160000xi32, #tpu.memory_space<hbm>> -> memref<40xi32, #tpu.memory_space<hbm>>
        tpu.wait_dma2 semaphore(%arg38 : memref<!tpu.dma_semaphore, #tpu.memory_space<semaphore_mem>>) src(%dma_wait3A_693 : memref<40xi32, #tpu.memory_space<hbm>>) dst(%arg19 : memref<40xi32, #tpu.memory_space<vmem>>)
        %dma_start3A_694 = arith.constant 0 : i32
        %dma_start3A_695 = arith.constant 0 : i32
        %dma_start3A_696 = tpu.memref_slice %arg4[%dma_start3A_694, %dma_start3A_695] : memref<20480x128xf32, #tpu.memory_space<hbm>> -> memref<20480x128xf32, #tpu.memory_space<hbm>>
        tpu.enqueue_indirect_dma source(%dma_start3A_696 : memref<20480x128xf32, #tpu.memory_space<hbm>>) target(%arg31 : memref<40x128xf32, #tpu.memory_space<vmem>>) offsets(%arg7 : memref<40xi32, #tpu.memory_space<vmem>>) semaphore(%arg50 : memref<!tpu.dma_semaphore, #tpu.memory_space<semaphore_mem>>)
      } else {
      }
      %add3A_553 = arith.constant 12 : i32
      %add3A_554 = arith.addi %add3A_537, %add3A_553 : i32
      %sub3A_555 = arith.constant 1 : i32
      %sub3A_556 = arith.subi %add3A_554, %sub3A_555 : i32
      %lt3A_557 = arith.constant 250 : i32
      %lt3A_558 = arith.cmpi slt, %sub3A_556, %lt3A_557 : i32
      %convert_element_type3A_559 = arith.extui %lt3A_558 : i1 to i32
      %cond3A_560 = arith.constant 0 : i32
      %cond3A_561 = arith.cmpi ne, %convert_element_type3A_559, %cond3A_560 : i32
      scf.if %cond3A_561 {
        %add3A_683 = arith.constant 12 : i32
        %add3A_684 = arith.addi %add3A_537, %add3A_683 : i32
        %sub3A_685 = arith.constant 1 : i32
        %sub3A_686 = arith.subi %add3A_684, %sub3A_685 : i32
        %mul3A_687 = arith.constant 40 : i32
        %mul3A_688 = arith.muli %sub3A_686, %mul3A_687 : i32
        %add3A_689 = arith.addi %mul3A_0, %mul3A_688 : i32
        %mul3A_690 = arith.constant 160000 : i32
        %mul3A_691 = arith.muli %arg0, %mul3A_690 : i32
        %add3A_692 = arith.addi %mul3A_691, %add3A_689 : i32
        %dma_start3A_693 = tpu.memref_slice %arg2[%add3A_692] : memref<320000xi32, #tpu.memory_space<hbm>> -> memref<40xi32, #tpu.memory_space<hbm>>
        %dma_start3A_694 = tpu.memref_slice %arg2[%add3A_692] : memref<320000xi32, #tpu.memory_space<hbm>> -> memref<40xi32, #tpu.memory_space<hbm>>
        tpu.enqueue_dma source(%dma_start3A_694 : memref<40xi32, #tpu.memory_space<hbm>>) target(%arg13 : memref<40xi32, #tpu.memory_space<vmem>>) target_semaphore(%arg44 : memref<!tpu.dma_semaphore, #tpu.memory_space<semaphore_mem>>)
        %dma_start3A_695 = tpu.memref_slice %arg3[%add3A_689] : memref<160000xi32, #tpu.memory_space<hbm>> -> memref<40xi32, #tpu.memory_space<hbm>>
        %dma_start3A_696 = tpu.memref_slice %arg3[%add3A_689] : memref<160000xi32, #tpu.memory_space<hbm>> -> memref<40xi32, #tpu.memory_space<hbm>>
        tpu.enqueue_dma source(%dma_start3A_696 : memref<40xi32, #tpu.memory_space<hbm>>) target(%arg25 : memref<40xi32, #tpu.memory_space<vmem>>) target_semaphore(%arg44 : memref<!tpu.dma_semaphore, #tpu.memory_space<semaphore_mem>>)
      } else {
      }
      %mul3A_562 = arith.constant 12 : i32
      %mul3A_563 = arith.muli %scan3A_324, %mul3A_562 : i32
      %add3A_564 = arith.constant 1 : i32
      %add3A_565 = arith.addi %mul3A_563, %add3A_564 : i32
      %add3A_566 = arith.constant 8 : i32
      %add3A_567 = arith.addi %add3A_565, %add3A_566 : i32
      %dma_wait3A_568 = arith.constant 0 : i32
      %dma_wait3A_569 = arith.constant 0 : i32
      %dma_wait3A_570 = tpu.memref_slice %arg4[%dma_wait3A_568, %dma_wait3A_569] : memref<20480x128xf32, #tpu.memory_space<hbm>> -> memref<20480x128xf32, #tpu.memory_space<hbm>>
      tpu.wait_indirect_dma semaphore(%arg52 : memref<!tpu.dma_semaphore, #tpu.memory_space<semaphore_mem>>) src(%dma_wait3A_570 : memref<20480x128xf32, #tpu.memory_space<hbm>>) dst(%arg33 : memref<40x128xf32, #tpu.memory_space<vmem>>)
      %dma_start3A_571 = arith.constant 0 : i32
      %dma_start3A_572 = arith.constant 0 : i32
      %dma_start3A_573 = tpu.memref_slice %arg36[%dma_start3A_571, %dma_start3A_572] : memref<10240x128xf32, #tpu.memory_space<vmem_shared>> -> memref<10240x128xf32, #tpu.memory_space<vmem_shared>>
      tpu.enqueue_indirect_dma source(%arg33 : memref<40x128xf32, #tpu.memory_space<vmem>>) target(%dma_start3A_573 : memref<10240x128xf32, #tpu.memory_space<vmem_shared>>) offsets(%arg27 : memref<40xi32, #tpu.memory_space<vmem>>) semaphore(%arg58 : memref<!tpu.dma_semaphore, #tpu.memory_space<semaphore_mem>>) {add = true}
      %add3A_574 = arith.constant 6 : i32
      %add3A_575 = arith.addi %add3A_567, %add3A_574 : i32
      %sub3A_576 = arith.constant 1 : i32
      %sub3A_577 = arith.subi %add3A_575, %sub3A_576 : i32
      %lt3A_578 = arith.constant 250 : i32
      %lt3A_579 = arith.cmpi slt, %sub3A_577, %lt3A_578 : i32
      %convert_element_type3A_580 = arith.extui %lt3A_579 : i1 to i32
      %cond3A_581 = arith.constant 0 : i32
      %cond3A_582 = arith.cmpi ne, %convert_element_type3A_580, %cond3A_581 : i32
      scf.if %cond3A_582 {
        %dma_wait3A_683 = arith.constant 0 : i32
        %dma_wait3A_684 = arith.constant 0 : i32
        %dma_wait3A_685 = tpu.memref_slice %arg36[%dma_wait3A_683, %dma_wait3A_684] : memref<10240x128xf32, #tpu.memory_space<vmem_shared>> -> memref<10240x128xf32, #tpu.memory_space<vmem_shared>>
        tpu.wait_indirect_dma semaphore(%arg57 : memref<!tpu.dma_semaphore, #tpu.memory_space<semaphore_mem>>) src(%arg32 : memref<40x128xf32, #tpu.memory_space<vmem>>) dst(%dma_wait3A_685 : memref<10240x128xf32, #tpu.memory_space<vmem_shared>>)
        %dma_wait3A_686 = arith.constant 0 : i32
        %dma_wait3A_687 = tpu.memref_slice %arg3[%dma_wait3A_686] : memref<160000xi32, #tpu.memory_space<hbm>> -> memref<40xi32, #tpu.memory_space<hbm>>
        %dma_wait3A_688 = arith.constant 0 : i32
        %dma_wait3A_689 = tpu.memref_slice %arg3[%dma_wait3A_688] : memref<160000xi32, #tpu.memory_space<hbm>> -> memref<40xi32, #tpu.memory_space<hbm>>
        tpu.wait_dma2 semaphore(%arg39 : memref<!tpu.dma_semaphore, #tpu.memory_space<semaphore_mem>>) src(%dma_wait3A_689 : memref<40xi32, #tpu.memory_space<hbm>>) dst(%arg8 : memref<40xi32, #tpu.memory_space<vmem>>)
        %dma_wait3A_690 = arith.constant 0 : i32
        %dma_wait3A_691 = tpu.memref_slice %arg3[%dma_wait3A_690] : memref<160000xi32, #tpu.memory_space<hbm>> -> memref<40xi32, #tpu.memory_space<hbm>>
        %dma_wait3A_692 = arith.constant 0 : i32
        %dma_wait3A_693 = tpu.memref_slice %arg3[%dma_wait3A_692] : memref<160000xi32, #tpu.memory_space<hbm>> -> memref<40xi32, #tpu.memory_space<hbm>>
        tpu.wait_dma2 semaphore(%arg39 : memref<!tpu.dma_semaphore, #tpu.memory_space<semaphore_mem>>) src(%dma_wait3A_693 : memref<40xi32, #tpu.memory_space<hbm>>) dst(%arg20 : memref<40xi32, #tpu.memory_space<vmem>>)
        %dma_start3A_694 = arith.constant 0 : i32
        %dma_start3A_695 = arith.constant 0 : i32
        %dma_start3A_696 = tpu.memref_slice %arg4[%dma_start3A_694, %dma_start3A_695] : memref<20480x128xf32, #tpu.memory_space<hbm>> -> memref<20480x128xf32, #tpu.memory_space<hbm>>
        tpu.enqueue_indirect_dma source(%dma_start3A_696 : memref<20480x128xf32, #tpu.memory_space<hbm>>) target(%arg32 : memref<40x128xf32, #tpu.memory_space<vmem>>) offsets(%arg8 : memref<40xi32, #tpu.memory_space<vmem>>) semaphore(%arg51 : memref<!tpu.dma_semaphore, #tpu.memory_space<semaphore_mem>>)
      } else {
      }
      %add3A_583 = arith.constant 12 : i32
      %add3A_584 = arith.addi %add3A_567, %add3A_583 : i32
      %sub3A_585 = arith.constant 1 : i32
      %sub3A_586 = arith.subi %add3A_584, %sub3A_585 : i32
      %lt3A_587 = arith.constant 250 : i32
      %lt3A_588 = arith.cmpi slt, %sub3A_586, %lt3A_587 : i32
      %convert_element_type3A_589 = arith.extui %lt3A_588 : i1 to i32
      %cond3A_590 = arith.constant 0 : i32
      %cond3A_591 = arith.cmpi ne, %convert_element_type3A_589, %cond3A_590 : i32
      scf.if %cond3A_591 {
        %add3A_683 = arith.constant 12 : i32
        %add3A_684 = arith.addi %add3A_567, %add3A_683 : i32
        %sub3A_685 = arith.constant 1 : i32
        %sub3A_686 = arith.subi %add3A_684, %sub3A_685 : i32
        %mul3A_687 = arith.constant 40 : i32
        %mul3A_688 = arith.muli %sub3A_686, %mul3A_687 : i32
        %add3A_689 = arith.addi %mul3A_0, %mul3A_688 : i32
        %mul3A_690 = arith.constant 160000 : i32
        %mul3A_691 = arith.muli %arg0, %mul3A_690 : i32
        %add3A_692 = arith.addi %mul3A_691, %add3A_689 : i32
        %dma_start3A_693 = tpu.memref_slice %arg2[%add3A_692] : memref<320000xi32, #tpu.memory_space<hbm>> -> memref<40xi32, #tpu.memory_space<hbm>>
        %dma_start3A_694 = tpu.memref_slice %arg2[%add3A_692] : memref<320000xi32, #tpu.memory_space<hbm>> -> memref<40xi32, #tpu.memory_space<hbm>>
        tpu.enqueue_dma source(%dma_start3A_694 : memref<40xi32, #tpu.memory_space<hbm>>) target(%arg14 : memref<40xi32, #tpu.memory_space<vmem>>) target_semaphore(%arg45 : memref<!tpu.dma_semaphore, #tpu.memory_space<semaphore_mem>>)
        %dma_start3A_695 = tpu.memref_slice %arg3[%add3A_689] : memref<160000xi32, #tpu.memory_space<hbm>> -> memref<40xi32, #tpu.memory_space<hbm>>
        %dma_start3A_696 = tpu.memref_slice %arg3[%add3A_689] : memref<160000xi32, #tpu.memory_space<hbm>> -> memref<40xi32, #tpu.memory_space<hbm>>
        tpu.enqueue_dma source(%dma_start3A_696 : memref<40xi32, #tpu.memory_space<hbm>>) target(%arg26 : memref<40xi32, #tpu.memory_space<vmem>>) target_semaphore(%arg45 : memref<!tpu.dma_semaphore, #tpu.memory_space<semaphore_mem>>)
      } else {
      }
      %mul3A_592 = arith.constant 12 : i32
      %mul3A_593 = arith.muli %scan3A_324, %mul3A_592 : i32
      %add3A_594 = arith.constant 1 : i32
      %add3A_595 = arith.addi %mul3A_593, %add3A_594 : i32
      %add3A_596 = arith.constant 9 : i32
      %add3A_597 = arith.addi %add3A_595, %add3A_596 : i32
      %dma_wait3A_598 = arith.constant 0 : i32
      %dma_wait3A_599 = arith.constant 0 : i32
      %dma_wait3A_600 = tpu.memref_slice %arg4[%dma_wait3A_598, %dma_wait3A_599] : memref<20480x128xf32, #tpu.memory_space<hbm>> -> memref<20480x128xf32, #tpu.memory_space<hbm>>
      tpu.wait_indirect_dma semaphore(%arg53 : memref<!tpu.dma_semaphore, #tpu.memory_space<semaphore_mem>>) src(%dma_wait3A_600 : memref<20480x128xf32, #tpu.memory_space<hbm>>) dst(%arg34 : memref<40x128xf32, #tpu.memory_space<vmem>>)
      %dma_start3A_601 = arith.constant 0 : i32
      %dma_start3A_602 = arith.constant 0 : i32
      %dma_start3A_603 = tpu.memref_slice %arg36[%dma_start3A_601, %dma_start3A_602] : memref<10240x128xf32, #tpu.memory_space<vmem_shared>> -> memref<10240x128xf32, #tpu.memory_space<vmem_shared>>
      tpu.enqueue_indirect_dma source(%arg34 : memref<40x128xf32, #tpu.memory_space<vmem>>) target(%dma_start3A_603 : memref<10240x128xf32, #tpu.memory_space<vmem_shared>>) offsets(%arg28 : memref<40xi32, #tpu.memory_space<vmem>>) semaphore(%arg59 : memref<!tpu.dma_semaphore, #tpu.memory_space<semaphore_mem>>) {add = true}
      %add3A_604 = arith.constant 6 : i32
      %add3A_605 = arith.addi %add3A_597, %add3A_604 : i32
      %sub3A_606 = arith.constant 1 : i32
      %sub3A_607 = arith.subi %add3A_605, %sub3A_606 : i32
      %lt3A_608 = arith.constant 250 : i32
      %lt3A_609 = arith.cmpi slt, %sub3A_607, %lt3A_608 : i32
      %convert_element_type3A_610 = arith.extui %lt3A_609 : i1 to i32
      %cond3A_611 = arith.constant 0 : i32
      %cond3A_612 = arith.cmpi ne, %convert_element_type3A_610, %cond3A_611 : i32
      scf.if %cond3A_612 {
        %dma_wait3A_683 = arith.constant 0 : i32
        %dma_wait3A_684 = arith.constant 0 : i32
        %dma_wait3A_685 = tpu.memref_slice %arg36[%dma_wait3A_683, %dma_wait3A_684] : memref<10240x128xf32, #tpu.memory_space<vmem_shared>> -> memref<10240x128xf32, #tpu.memory_space<vmem_shared>>
        tpu.wait_indirect_dma semaphore(%arg58 : memref<!tpu.dma_semaphore, #tpu.memory_space<semaphore_mem>>) src(%arg33 : memref<40x128xf32, #tpu.memory_space<vmem>>) dst(%dma_wait3A_685 : memref<10240x128xf32, #tpu.memory_space<vmem_shared>>)
        %dma_wait3A_686 = arith.constant 0 : i32
        %dma_wait3A_687 = tpu.memref_slice %arg3[%dma_wait3A_686] : memref<160000xi32, #tpu.memory_space<hbm>> -> memref<40xi32, #tpu.memory_space<hbm>>
        %dma_wait3A_688 = arith.constant 0 : i32
        %dma_wait3A_689 = tpu.memref_slice %arg3[%dma_wait3A_688] : memref<160000xi32, #tpu.memory_space<hbm>> -> memref<40xi32, #tpu.memory_space<hbm>>
        tpu.wait_dma2 semaphore(%arg40 : memref<!tpu.dma_semaphore, #tpu.memory_space<semaphore_mem>>) src(%dma_wait3A_689 : memref<40xi32, #tpu.memory_space<hbm>>) dst(%arg9 : memref<40xi32, #tpu.memory_space<vmem>>)
        %dma_wait3A_690 = arith.constant 0 : i32
        %dma_wait3A_691 = tpu.memref_slice %arg3[%dma_wait3A_690] : memref<160000xi32, #tpu.memory_space<hbm>> -> memref<40xi32, #tpu.memory_space<hbm>>
        %dma_wait3A_692 = arith.constant 0 : i32
        %dma_wait3A_693 = tpu.memref_slice %arg3[%dma_wait3A_692] : memref<160000xi32, #tpu.memory_space<hbm>> -> memref<40xi32, #tpu.memory_space<hbm>>
        tpu.wait_dma2 semaphore(%arg40 : memref<!tpu.dma_semaphore, #tpu.memory_space<semaphore_mem>>) src(%dma_wait3A_693 : memref<40xi32, #tpu.memory_space<hbm>>) dst(%arg21 : memref<40xi32, #tpu.memory_space<vmem>>)
        %dma_start3A_694 = arith.constant 0 : i32
        %dma_start3A_695 = arith.constant 0 : i32
        %dma_start3A_696 = tpu.memref_slice %arg4[%dma_start3A_694, %dma_start3A_695] : memref<20480x128xf32, #tpu.memory_space<hbm>> -> memref<20480x128xf32, #tpu.memory_space<hbm>>
        tpu.enqueue_indirect_dma source(%dma_start3A_696 : memref<20480x128xf32, #tpu.memory_space<hbm>>) target(%arg33 : memref<40x128xf32, #tpu.memory_space<vmem>>) offsets(%arg9 : memref<40xi32, #tpu.memory_space<vmem>>) semaphore(%arg52 : memref<!tpu.dma_semaphore, #tpu.memory_space<semaphore_mem>>)
      } else {
      }
      %add3A_613 = arith.constant 12 : i32
      %add3A_614 = arith.addi %add3A_597, %add3A_613 : i32
      %sub3A_615 = arith.constant 1 : i32
      %sub3A_616 = arith.subi %add3A_614, %sub3A_615 : i32
      %lt3A_617 = arith.constant 250 : i32
      %lt3A_618 = arith.cmpi slt, %sub3A_616, %lt3A_617 : i32
      %convert_element_type3A_619 = arith.extui %lt3A_618 : i1 to i32
      %cond3A_620 = arith.constant 0 : i32
      %cond3A_621 = arith.cmpi ne, %convert_element_type3A_619, %cond3A_620 : i32
      scf.if %cond3A_621 {
        %add3A_683 = arith.constant 12 : i32
        %add3A_684 = arith.addi %add3A_597, %add3A_683 : i32
        %sub3A_685 = arith.constant 1 : i32
        %sub3A_686 = arith.subi %add3A_684, %sub3A_685 : i32
        %mul3A_687 = arith.constant 40 : i32
        %mul3A_688 = arith.muli %sub3A_686, %mul3A_687 : i32
        %add3A_689 = arith.addi %mul3A_0, %mul3A_688 : i32
        %mul3A_690 = arith.constant 160000 : i32
        %mul3A_691 = arith.muli %arg0, %mul3A_690 : i32
        %add3A_692 = arith.addi %mul3A_691, %add3A_689 : i32
        %dma_start3A_693 = tpu.memref_slice %arg2[%add3A_692] : memref<320000xi32, #tpu.memory_space<hbm>> -> memref<40xi32, #tpu.memory_space<hbm>>
        %dma_start3A_694 = tpu.memref_slice %arg2[%add3A_692] : memref<320000xi32, #tpu.memory_space<hbm>> -> memref<40xi32, #tpu.memory_space<hbm>>
        tpu.enqueue_dma source(%dma_start3A_694 : memref<40xi32, #tpu.memory_space<hbm>>) target(%arg15 : memref<40xi32, #tpu.memory_space<vmem>>) target_semaphore(%arg46 : memref<!tpu.dma_semaphore, #tpu.memory_space<semaphore_mem>>)
        %dma_start3A_695 = tpu.memref_slice %arg3[%add3A_689] : memref<160000xi32, #tpu.memory_space<hbm>> -> memref<40xi32, #tpu.memory_space<hbm>>
        %dma_start3A_696 = tpu.memref_slice %arg3[%add3A_689] : memref<160000xi32, #tpu.memory_space<hbm>> -> memref<40xi32, #tpu.memory_space<hbm>>
        tpu.enqueue_dma source(%dma_start3A_696 : memref<40xi32, #tpu.memory_space<hbm>>) target(%arg27 : memref<40xi32, #tpu.memory_space<vmem>>) target_semaphore(%arg46 : memref<!tpu.dma_semaphore, #tpu.memory_space<semaphore_mem>>)
      } else {
      }
      %mul3A_622 = arith.constant 12 : i32
      %mul3A_623 = arith.muli %scan3A_324, %mul3A_622 : i32
      %add3A_624 = arith.constant 1 : i32
      %add3A_625 = arith.addi %mul3A_623, %add3A_624 : i32
      %add3A_626 = arith.constant 10 : i32
      %add3A_627 = arith.addi %add3A_625, %add3A_626 : i32
      %dma_wait3A_628 = arith.constant 0 : i32
      %dma_wait3A_629 = arith.constant 0 : i32
      %dma_wait3A_630 = tpu.memref_slice %arg4[%dma_wait3A_628, %dma_wait3A_629] : memref<20480x128xf32, #tpu.memory_space<hbm>> -> memref<20480x128xf32, #tpu.memory_space<hbm>>
      tpu.wait_indirect_dma semaphore(%arg54 : memref<!tpu.dma_semaphore, #tpu.memory_space<semaphore_mem>>) src(%dma_wait3A_630 : memref<20480x128xf32, #tpu.memory_space<hbm>>) dst(%arg35 : memref<40x128xf32, #tpu.memory_space<vmem>>)
      %dma_start3A_631 = arith.constant 0 : i32
      %dma_start3A_632 = arith.constant 0 : i32
      %dma_start3A_633 = tpu.memref_slice %arg36[%dma_start3A_631, %dma_start3A_632] : memref<10240x128xf32, #tpu.memory_space<vmem_shared>> -> memref<10240x128xf32, #tpu.memory_space<vmem_shared>>
      tpu.enqueue_indirect_dma source(%arg35 : memref<40x128xf32, #tpu.memory_space<vmem>>) target(%dma_start3A_633 : memref<10240x128xf32, #tpu.memory_space<vmem_shared>>) offsets(%arg29 : memref<40xi32, #tpu.memory_space<vmem>>) semaphore(%arg60 : memref<!tpu.dma_semaphore, #tpu.memory_space<semaphore_mem>>) {add = true}
      %add3A_634 = arith.constant 6 : i32
      %add3A_635 = arith.addi %add3A_627, %add3A_634 : i32
      %sub3A_636 = arith.constant 1 : i32
      %sub3A_637 = arith.subi %add3A_635, %sub3A_636 : i32
      %lt3A_638 = arith.constant 250 : i32
      %lt3A_639 = arith.cmpi slt, %sub3A_637, %lt3A_638 : i32
      %convert_element_type3A_640 = arith.extui %lt3A_639 : i1 to i32
      %cond3A_641 = arith.constant 0 : i32
      %cond3A_642 = arith.cmpi ne, %convert_element_type3A_640, %cond3A_641 : i32
      scf.if %cond3A_642 {
        %dma_wait3A_683 = arith.constant 0 : i32
        %dma_wait3A_684 = arith.constant 0 : i32
        %dma_wait3A_685 = tpu.memref_slice %arg36[%dma_wait3A_683, %dma_wait3A_684] : memref<10240x128xf32, #tpu.memory_space<vmem_shared>> -> memref<10240x128xf32, #tpu.memory_space<vmem_shared>>
        tpu.wait_indirect_dma semaphore(%arg59 : memref<!tpu.dma_semaphore, #tpu.memory_space<semaphore_mem>>) src(%arg34 : memref<40x128xf32, #tpu.memory_space<vmem>>) dst(%dma_wait3A_685 : memref<10240x128xf32, #tpu.memory_space<vmem_shared>>)
        %dma_wait3A_686 = arith.constant 0 : i32
        %dma_wait3A_687 = tpu.memref_slice %arg3[%dma_wait3A_686] : memref<160000xi32, #tpu.memory_space<hbm>> -> memref<40xi32, #tpu.memory_space<hbm>>
        %dma_wait3A_688 = arith.constant 0 : i32
        %dma_wait3A_689 = tpu.memref_slice %arg3[%dma_wait3A_688] : memref<160000xi32, #tpu.memory_space<hbm>> -> memref<40xi32, #tpu.memory_space<hbm>>
        tpu.wait_dma2 semaphore(%arg41 : memref<!tpu.dma_semaphore, #tpu.memory_space<semaphore_mem>>) src(%dma_wait3A_689 : memref<40xi32, #tpu.memory_space<hbm>>) dst(%arg10 : memref<40xi32, #tpu.memory_space<vmem>>)
        %dma_wait3A_690 = arith.constant 0 : i32
        %dma_wait3A_691 = tpu.memref_slice %arg3[%dma_wait3A_690] : memref<160000xi32, #tpu.memory_space<hbm>> -> memref<40xi32, #tpu.memory_space<hbm>>
        %dma_wait3A_692 = arith.constant 0 : i32
        %dma_wait3A_693 = tpu.memref_slice %arg3[%dma_wait3A_692] : memref<160000xi32, #tpu.memory_space<hbm>> -> memref<40xi32, #tpu.memory_space<hbm>>
        tpu.wait_dma2 semaphore(%arg41 : memref<!tpu.dma_semaphore, #tpu.memory_space<semaphore_mem>>) src(%dma_wait3A_693 : memref<40xi32, #tpu.memory_space<hbm>>) dst(%arg22 : memref<40xi32, #tpu.memory_space<vmem>>)
        %dma_start3A_694 = arith.constant 0 : i32
        %dma_start3A_695 = arith.constant 0 : i32
        %dma_start3A_696 = tpu.memref_slice %arg4[%dma_start3A_694, %dma_start3A_695] : memref<20480x128xf32, #tpu.memory_space<hbm>> -> memref<20480x128xf32, #tpu.memory_space<hbm>>
        tpu.enqueue_indirect_dma source(%dma_start3A_696 : memref<20480x128xf32, #tpu.memory_space<hbm>>) target(%arg34 : memref<40x128xf32, #tpu.memory_space<vmem>>) offsets(%arg10 : memref<40xi32, #tpu.memory_space<vmem>>) semaphore(%arg53 : memref<!tpu.dma_semaphore, #tpu.memory_space<semaphore_mem>>)
      } else {
      }
      %add3A_643 = arith.constant 12 : i32
      %add3A_644 = arith.addi %add3A_627, %add3A_643 : i32
      %sub3A_645 = arith.constant 1 : i32
      %sub3A_646 = arith.subi %add3A_644, %sub3A_645 : i32
      %lt3A_647 = arith.constant 250 : i32
      %lt3A_648 = arith.cmpi slt, %sub3A_646, %lt3A_647 : i32
      %convert_element_type3A_649 = arith.extui %lt3A_648 : i1 to i32
      %cond3A_650 = arith.constant 0 : i32
      %cond3A_651 = arith.cmpi ne, %convert_element_type3A_649, %cond3A_650 : i32
      scf.if %cond3A_651 {
        %add3A_683 = arith.constant 12 : i32
        %add3A_684 = arith.addi %add3A_627, %add3A_683 : i32
        %sub3A_685 = arith.constant 1 : i32
        %sub3A_686 = arith.subi %add3A_684, %sub3A_685 : i32
        %mul3A_687 = arith.constant 40 : i32
        %mul3A_688 = arith.muli %sub3A_686, %mul3A_687 : i32
        %add3A_689 = arith.addi %mul3A_0, %mul3A_688 : i32
        %mul3A_690 = arith.constant 160000 : i32
        %mul3A_691 = arith.muli %arg0, %mul3A_690 : i32
        %add3A_692 = arith.addi %mul3A_691, %add3A_689 : i32
        %dma_start3A_693 = tpu.memref_slice %arg2[%add3A_692] : memref<320000xi32, #tpu.memory_space<hbm>> -> memref<40xi32, #tpu.memory_space<hbm>>
        %dma_start3A_694 = tpu.memref_slice %arg2[%add3A_692] : memref<320000xi32, #tpu.memory_space<hbm>> -> memref<40xi32, #tpu.memory_space<hbm>>
        tpu.enqueue_dma source(%dma_start3A_694 : memref<40xi32, #tpu.memory_space<hbm>>) target(%arg16 : memref<40xi32, #tpu.memory_space<vmem>>) target_semaphore(%arg47 : memref<!tpu.dma_semaphore, #tpu.memory_space<semaphore_mem>>)
        %dma_start3A_695 = tpu.memref_slice %arg3[%add3A_689] : memref<160000xi32, #tpu.memory_space<hbm>> -> memref<40xi32, #tpu.memory_space<hbm>>
        %dma_start3A_696 = tpu.memref_slice %arg3[%add3A_689] : memref<160000xi32, #tpu.memory_space<hbm>> -> memref<40xi32, #tpu.memory_space<hbm>>
        tpu.enqueue_dma source(%dma_start3A_696 : memref<40xi32, #tpu.memory_space<hbm>>) target(%arg28 : memref<40xi32, #tpu.memory_space<vmem>>) target_semaphore(%arg47 : memref<!tpu.dma_semaphore, #tpu.memory_space<semaphore_mem>>)
      } else {
      }
      %mul3A_652 = arith.constant 12 : i32
      %mul3A_653 = arith.muli %scan3A_324, %mul3A_652 : i32
      %add3A_654 = arith.constant 1 : i32
      %add3A_655 = arith.addi %mul3A_653, %add3A_654 : i32
      %add3A_656 = arith.constant 11 : i32
      %add3A_657 = arith.addi %add3A_655, %add3A_656 : i32
      %dma_wait3A_658 = arith.constant 0 : i32
      %dma_wait3A_659 = arith.constant 0 : i32
      %dma_wait3A_660 = tpu.memref_slice %arg4[%dma_wait3A_658, %dma_wait3A_659] : memref<20480x128xf32, #tpu.memory_space<hbm>> -> memref<20480x128xf32, #tpu.memory_space<hbm>>
      tpu.wait_indirect_dma semaphore(%arg49 : memref<!tpu.dma_semaphore, #tpu.memory_space<semaphore_mem>>) src(%dma_wait3A_660 : memref<20480x128xf32, #tpu.memory_space<hbm>>) dst(%arg30 : memref<40x128xf32, #tpu.memory_space<vmem>>)
      %dma_start3A_661 = arith.constant 0 : i32
      %dma_start3A_662 = arith.constant 0 : i32
      %dma_start3A_663 = tpu.memref_slice %arg36[%dma_start3A_661, %dma_start3A_662] : memref<10240x128xf32, #tpu.memory_space<vmem_shared>> -> memref<10240x128xf32, #tpu.memory_space<vmem_shared>>
      tpu.enqueue_indirect_dma source(%arg30 : memref<40x128xf32, #tpu.memory_space<vmem>>) target(%dma_start3A_663 : memref<10240x128xf32, #tpu.memory_space<vmem_shared>>) offsets(%arg18 : memref<40xi32, #tpu.memory_space<vmem>>) semaphore(%arg55 : memref<!tpu.dma_semaphore, #tpu.memory_space<semaphore_mem>>) {add = true}
      %add3A_664 = arith.constant 6 : i32
      %add3A_665 = arith.addi %add3A_657, %add3A_664 : i32
      %sub3A_666 = arith.constant 1 : i32
      %sub3A_667 = arith.subi %add3A_665, %sub3A_666 : i32
      %lt3A_668 = arith.constant 250 : i32
      %lt3A_669 = arith.cmpi slt, %sub3A_667, %lt3A_668 : i32
      %convert_element_type3A_670 = arith.extui %lt3A_669 : i1 to i32
      %cond3A_671 = arith.constant 0 : i32
      %cond3A_672 = arith.cmpi ne, %convert_element_type3A_670, %cond3A_671 : i32
      scf.if %cond3A_672 {
        %dma_wait3A_683 = arith.constant 0 : i32
        %dma_wait3A_684 = arith.constant 0 : i32
        %dma_wait3A_685 = tpu.memref_slice %arg36[%dma_wait3A_683, %dma_wait3A_684] : memref<10240x128xf32, #tpu.memory_space<vmem_shared>> -> memref<10240x128xf32, #tpu.memory_space<vmem_shared>>
        tpu.wait_indirect_dma semaphore(%arg60 : memref<!tpu.dma_semaphore, #tpu.memory_space<semaphore_mem>>) src(%arg35 : memref<40x128xf32, #tpu.memory_space<vmem>>) dst(%dma_wait3A_685 : memref<10240x128xf32, #tpu.memory_space<vmem_shared>>)
        %dma_wait3A_686 = arith.constant 0 : i32
        %dma_wait3A_687 = tpu.memref_slice %arg3[%dma_wait3A_686] : memref<160000xi32, #tpu.memory_space<hbm>> -> memref<40xi32, #tpu.memory_space<hbm>>
        %dma_wait3A_688 = arith.constant 0 : i32
        %dma_wait3A_689 = tpu.memref_slice %arg3[%dma_wait3A_688] : memref<160000xi32, #tpu.memory_space<hbm>> -> memref<40xi32, #tpu.memory_space<hbm>>
        tpu.wait_dma2 semaphore(%arg42 : memref<!tpu.dma_semaphore, #tpu.memory_space<semaphore_mem>>) src(%dma_wait3A_689 : memref<40xi32, #tpu.memory_space<hbm>>) dst(%arg11 : memref<40xi32, #tpu.memory_space<vmem>>)
        %dma_wait3A_690 = arith.constant 0 : i32
        %dma_wait3A_691 = tpu.memref_slice %arg3[%dma_wait3A_690] : memref<160000xi32, #tpu.memory_space<hbm>> -> memref<40xi32, #tpu.memory_space<hbm>>
        %dma_wait3A_692 = arith.constant 0 : i32
        %dma_wait3A_693 = tpu.memref_slice %arg3[%dma_wait3A_692] : memref<160000xi32, #tpu.memory_space<hbm>> -> memref<40xi32, #tpu.memory_space<hbm>>
        tpu.wait_dma2 semaphore(%arg42 : memref<!tpu.dma_semaphore, #tpu.memory_space<semaphore_mem>>) src(%dma_wait3A_693 : memref<40xi32, #tpu.memory_space<hbm>>) dst(%arg23 : memref<40xi32, #tpu.memory_space<vmem>>)
        %dma_start3A_694 = arith.constant 0 : i32
        %dma_start3A_695 = arith.constant 0 : i32
        %dma_start3A_696 = tpu.memref_slice %arg4[%dma_start3A_694, %dma_start3A_695] : memref<20480x128xf32, #tpu.memory_space<hbm>> -> memref<20480x128xf32, #tpu.memory_space<hbm>>
        tpu.enqueue_indirect_dma source(%dma_start3A_696 : memref<20480x128xf32, #tpu.memory_space<hbm>>) target(%arg35 : memref<40x128xf32, #tpu.memory_space<vmem>>) offsets(%arg11 : memref<40xi32, #tpu.memory_space<vmem>>) semaphore(%arg54 : memref<!tpu.dma_semaphore, #tpu.memory_space<semaphore_mem>>)
      } else {
      }
      %add3A_673 = arith.constant 12 : i32
      %add3A_674 = arith.addi %add3A_657, %add3A_673 : i32
      %sub3A_675 = arith.constant 1 : i32
      %sub3A_676 = arith.subi %add3A_674, %sub3A_675 : i32
      %lt3A_677 = arith.constant 250 : i32
      %lt3A_678 = arith.cmpi slt, %sub3A_676, %lt3A_677 : i32
      %convert_element_type3A_679 = arith.extui %lt3A_678 : i1 to i32
      %cond3A_680 = arith.constant 0 : i32
      %cond3A_681 = arith.cmpi ne, %convert_element_type3A_679, %cond3A_680 : i32
      scf.if %cond3A_681 {
        %add3A_683 = arith.constant 12 : i32
        %add3A_684 = arith.addi %add3A_657, %add3A_683 : i32
        %sub3A_685 = arith.constant 1 : i32
        %sub3A_686 = arith.subi %add3A_684, %sub3A_685 : i32
        %mul3A_687 = arith.constant 40 : i32
        %mul3A_688 = arith.muli %sub3A_686, %mul3A_687 : i32
        %add3A_689 = arith.addi %mul3A_0, %mul3A_688 : i32
        %mul3A_690 = arith.constant 160000 : i32
        %mul3A_691 = arith.muli %arg0, %mul3A_690 : i32
        %add3A_692 = arith.addi %mul3A_691, %add3A_689 : i32
        %dma_start3A_693 = tpu.memref_slice %arg2[%add3A_692] : memref<320000xi32, #tpu.memory_space<hbm>> -> memref<40xi32, #tpu.memory_space<hbm>>
        %dma_start3A_694 = tpu.memref_slice %arg2[%add3A_692] : memref<320000xi32, #tpu.memory_space<hbm>> -> memref<40xi32, #tpu.memory_space<hbm>>
        tpu.enqueue_dma source(%dma_start3A_694 : memref<40xi32, #tpu.memory_space<hbm>>) target(%arg17 : memref<40xi32, #tpu.memory_space<vmem>>) target_semaphore(%arg48 : memref<!tpu.dma_semaphore, #tpu.memory_space<semaphore_mem>>)
        %dma_start3A_695 = tpu.memref_slice %arg3[%add3A_689] : memref<160000xi32, #tpu.memory_space<hbm>> -> memref<40xi32, #tpu.memory_space<hbm>>
        %dma_start3A_696 = tpu.memref_slice %arg3[%add3A_689] : memref<160000xi32, #tpu.memory_space<hbm>> -> memref<40xi32, #tpu.memory_space<hbm>>
        tpu.enqueue_dma source(%dma_start3A_696 : memref<40xi32, #tpu.memory_space<hbm>>) target(%arg29 : memref<40xi32, #tpu.memory_space<vmem>>) target_semaphore(%arg48 : memref<!tpu.dma_semaphore, #tpu.memory_space<semaphore_mem>>)
      } else {
      }
      %scan3A_682 = arith.constant 0 : i32
      scf.yield %scan3A_682 : i32
    }
    %scan3A_190 = arith.constant 20 : i32
    %dma_wait3A_191 = arith.constant 0 : i32
    %dma_wait3A_192 = arith.constant 0 : i32
    %dma_wait3A_193 = tpu.memref_slice %arg4[%dma_wait3A_191, %dma_wait3A_192] : memref<20480x128xf32, #tpu.memory_space<hbm>> -> memref<20480x128xf32, #tpu.memory_space<hbm>>
    tpu.wait_indirect_dma semaphore(%arg50 : memref<!tpu.dma_semaphore, #tpu.memory_space<semaphore_mem>>) src(%dma_wait3A_193 : memref<20480x128xf32, #tpu.memory_space<hbm>>) dst(%arg31 : memref<40x128xf32, #tpu.memory_space<vmem>>)
    %dma_start3A_194 = arith.constant 0 : i32
    %dma_start3A_195 = arith.constant 0 : i32
    %dma_start3A_196 = tpu.memref_slice %arg36[%dma_start3A_194, %dma_start3A_195] : memref<10240x128xf32, #tpu.memory_space<vmem_shared>> -> memref<10240x128xf32, #tpu.memory_space<vmem_shared>>
    tpu.enqueue_indirect_dma source(%arg31 : memref<40x128xf32, #tpu.memory_space<vmem>>) target(%dma_start3A_196 : memref<10240x128xf32, #tpu.memory_space<vmem_shared>>) offsets(%arg19 : memref<40xi32, #tpu.memory_space<vmem>>) semaphore(%arg56 : memref<!tpu.dma_semaphore, #tpu.memory_space<semaphore_mem>>) {add = true}
    %dma_wait3A_197 = arith.constant 0 : i32
    %dma_wait3A_198 = arith.constant 0 : i32
    %dma_wait3A_199 = tpu.memref_slice %arg36[%dma_wait3A_197, %dma_wait3A_198] : memref<10240x128xf32, #tpu.memory_space<vmem_shared>> -> memref<10240x128xf32, #tpu.memory_space<vmem_shared>>
    tpu.wait_indirect_dma semaphore(%arg55 : memref<!tpu.dma_semaphore, #tpu.memory_space<semaphore_mem>>) src(%arg30 : memref<40x128xf32, #tpu.memory_space<vmem>>) dst(%dma_wait3A_199 : memref<10240x128xf32, #tpu.memory_space<vmem_shared>>)
    %dma_wait3A_200 = arith.constant 0 : i32
    %dma_wait3A_201 = tpu.memref_slice %arg3[%dma_wait3A_200] : memref<160000xi32, #tpu.memory_space<hbm>> -> memref<40xi32, #tpu.memory_space<hbm>>
    %dma_wait3A_202 = arith.constant 0 : i32
    %dma_wait3A_203 = tpu.memref_slice %arg3[%dma_wait3A_202] : memref<160000xi32, #tpu.memory_space<hbm>> -> memref<40xi32, #tpu.memory_space<hbm>>
    tpu.wait_dma2 semaphore(%arg43 : memref<!tpu.dma_semaphore, #tpu.memory_space<semaphore_mem>>) src(%dma_wait3A_203 : memref<40xi32, #tpu.memory_space<hbm>>) dst(%arg12 : memref<40xi32, #tpu.memory_space<vmem>>)
    %dma_wait3A_204 = arith.constant 0 : i32
    %dma_wait3A_205 = tpu.memref_slice %arg3[%dma_wait3A_204] : memref<160000xi32, #tpu.memory_space<hbm>> -> memref<40xi32, #tpu.memory_space<hbm>>
    %dma_wait3A_206 = arith.constant 0 : i32
    %dma_wait3A_207 = tpu.memref_slice %arg3[%dma_wait3A_206] : memref<160000xi32, #tpu.memory_space<hbm>> -> memref<40xi32, #tpu.memory_space<hbm>>
    tpu.wait_dma2 semaphore(%arg43 : memref<!tpu.dma_semaphore, #tpu.memory_space<semaphore_mem>>) src(%dma_wait3A_207 : memref<40xi32, #tpu.memory_space<hbm>>) dst(%arg24 : memref<40xi32, #tpu.memory_space<vmem>>)
    %dma_start3A_208 = arith.constant 0 : i32
    %dma_start3A_209 = arith.constant 0 : i32
    %dma_start3A_210 = tpu.memref_slice %arg4[%dma_start3A_208, %dma_start3A_209] : memref<20480x128xf32, #tpu.memory_space<hbm>> -> memref<20480x128xf32, #tpu.memory_space<hbm>>
    tpu.enqueue_indirect_dma source(%dma_start3A_210 : memref<20480x128xf32, #tpu.memory_space<hbm>>) target(%arg30 : memref<40x128xf32, #tpu.memory_space<vmem>>) offsets(%arg12 : memref<40xi32, #tpu.memory_space<vmem>>) semaphore(%arg49 : memref<!tpu.dma_semaphore, #tpu.memory_space<semaphore_mem>>)
    %dma_wait3A_211 = arith.constant 0 : i32
    %dma_wait3A_212 = arith.constant 0 : i32
    %dma_wait3A_213 = tpu.memref_slice %arg4[%dma_wait3A_211, %dma_wait3A_212] : memref<20480x128xf32, #tpu.memory_space<hbm>> -> memref<20480x128xf32, #tpu.memory_space<hbm>>
    tpu.wait_indirect_dma semaphore(%arg51 : memref<!tpu.dma_semaphore, #tpu.memory_space<semaphore_mem>>) src(%dma_wait3A_213 : memref<20480x128xf32, #tpu.memory_space<hbm>>) dst(%arg32 : memref<40x128xf32, #tpu.memory_space<vmem>>)
    %dma_start3A_214 = arith.constant 0 : i32
    %dma_start3A_215 = arith.constant 0 : i32
    %dma_start3A_216 = tpu.memref_slice %arg36[%dma_start3A_214, %dma_start3A_215] : memref<10240x128xf32, #tpu.memory_space<vmem_shared>> -> memref<10240x128xf32, #tpu.memory_space<vmem_shared>>
    tpu.enqueue_indirect_dma source(%arg32 : memref<40x128xf32, #tpu.memory_space<vmem>>) target(%dma_start3A_216 : memref<10240x128xf32, #tpu.memory_space<vmem_shared>>) offsets(%arg20 : memref<40xi32, #tpu.memory_space<vmem>>) semaphore(%arg57 : memref<!tpu.dma_semaphore, #tpu.memory_space<semaphore_mem>>) {add = true}
    %dma_wait3A_217 = arith.constant 0 : i32
    %dma_wait3A_218 = arith.constant 0 : i32
    %dma_wait3A_219 = tpu.memref_slice %arg36[%dma_wait3A_217, %dma_wait3A_218] : memref<10240x128xf32, #tpu.memory_space<vmem_shared>> -> memref<10240x128xf32, #tpu.memory_space<vmem_shared>>
    tpu.wait_indirect_dma semaphore(%arg56 : memref<!tpu.dma_semaphore, #tpu.memory_space<semaphore_mem>>) src(%arg31 : memref<40x128xf32, #tpu.memory_space<vmem>>) dst(%dma_wait3A_219 : memref<10240x128xf32, #tpu.memory_space<vmem_shared>>)
    %dma_wait3A_220 = arith.constant 0 : i32
    %dma_wait3A_221 = tpu.memref_slice %arg3[%dma_wait3A_220] : memref<160000xi32, #tpu.memory_space<hbm>> -> memref<40xi32, #tpu.memory_space<hbm>>
    %dma_wait3A_222 = arith.constant 0 : i32
    %dma_wait3A_223 = tpu.memref_slice %arg3[%dma_wait3A_222] : memref<160000xi32, #tpu.memory_space<hbm>> -> memref<40xi32, #tpu.memory_space<hbm>>
    tpu.wait_dma2 semaphore(%arg44 : memref<!tpu.dma_semaphore, #tpu.memory_space<semaphore_mem>>) src(%dma_wait3A_223 : memref<40xi32, #tpu.memory_space<hbm>>) dst(%arg13 : memref<40xi32, #tpu.memory_space<vmem>>)
    %dma_wait3A_224 = arith.constant 0 : i32
    %dma_wait3A_225 = tpu.memref_slice %arg3[%dma_wait3A_224] : memref<160000xi32, #tpu.memory_space<hbm>> -> memref<40xi32, #tpu.memory_space<hbm>>
    %dma_wait3A_226 = arith.constant 0 : i32
    %dma_wait3A_227 = tpu.memref_slice %arg3[%dma_wait3A_226] : memref<160000xi32, #tpu.memory_space<hbm>> -> memref<40xi32, #tpu.memory_space<hbm>>
    tpu.wait_dma2 semaphore(%arg44 : memref<!tpu.dma_semaphore, #tpu.memory_space<semaphore_mem>>) src(%dma_wait3A_227 : memref<40xi32, #tpu.memory_space<hbm>>) dst(%arg25 : memref<40xi32, #tpu.memory_space<vmem>>)
    %dma_start3A_228 = arith.constant 0 : i32
    %dma_start3A_229 = arith.constant 0 : i32
    %dma_start3A_230 = tpu.memref_slice %arg4[%dma_start3A_228, %dma_start3A_229] : memref<20480x128xf32, #tpu.memory_space<hbm>> -> memref<20480x128xf32, #tpu.memory_space<hbm>>
    tpu.enqueue_indirect_dma source(%dma_start3A_230 : memref<20480x128xf32, #tpu.memory_space<hbm>>) target(%arg31 : memref<40x128xf32, #tpu.memory_space<vmem>>) offsets(%arg13 : memref<40xi32, #tpu.memory_space<vmem>>) semaphore(%arg50 : memref<!tpu.dma_semaphore, #tpu.memory_space<semaphore_mem>>)
    %dma_wait3A_231 = arith.constant 0 : i32
    %dma_wait3A_232 = arith.constant 0 : i32
    %dma_wait3A_233 = tpu.memref_slice %arg4[%dma_wait3A_231, %dma_wait3A_232] : memref<20480x128xf32, #tpu.memory_space<hbm>> -> memref<20480x128xf32, #tpu.memory_space<hbm>>
    tpu.wait_indirect_dma semaphore(%arg52 : memref<!tpu.dma_semaphore, #tpu.memory_space<semaphore_mem>>) src(%dma_wait3A_233 : memref<20480x128xf32, #tpu.memory_space<hbm>>) dst(%arg33 : memref<40x128xf32, #tpu.memory_space<vmem>>)
    %dma_start3A_234 = arith.constant 0 : i32
    %dma_start3A_235 = arith.constant 0 : i32
    %dma_start3A_236 = tpu.memref_slice %arg36[%dma_start3A_234, %dma_start3A_235] : memref<10240x128xf32, #tpu.memory_space<vmem_shared>> -> memref<10240x128xf32, #tpu.memory_space<vmem_shared>>
    tpu.enqueue_indirect_dma source(%arg33 : memref<40x128xf32, #tpu.memory_space<vmem>>) target(%dma_start3A_236 : memref<10240x128xf32, #tpu.memory_space<vmem_shared>>) offsets(%arg21 : memref<40xi32, #tpu.memory_space<vmem>>) semaphore(%arg58 : memref<!tpu.dma_semaphore, #tpu.memory_space<semaphore_mem>>) {add = true}
    %dma_wait3A_237 = arith.constant 0 : i32
    %dma_wait3A_238 = arith.constant 0 : i32
    %dma_wait3A_239 = tpu.memref_slice %arg36[%dma_wait3A_237, %dma_wait3A_238] : memref<10240x128xf32, #tpu.memory_space<vmem_shared>> -> memref<10240x128xf32, #tpu.memory_space<vmem_shared>>
    tpu.wait_indirect_dma semaphore(%arg57 : memref<!tpu.dma_semaphore, #tpu.memory_space<semaphore_mem>>) src(%arg32 : memref<40x128xf32, #tpu.memory_space<vmem>>) dst(%dma_wait3A_239 : memref<10240x128xf32, #tpu.memory_space<vmem_shared>>)
    %dma_wait3A_240 = arith.constant 0 : i32
    %dma_wait3A_241 = tpu.memref_slice %arg3[%dma_wait3A_240] : memref<160000xi32, #tpu.memory_space<hbm>> -> memref<40xi32, #tpu.memory_space<hbm>>
    %dma_wait3A_242 = arith.constant 0 : i32
    %dma_wait3A_243 = tpu.memref_slice %arg3[%dma_wait3A_242] : memref<160000xi32, #tpu.memory_space<hbm>> -> memref<40xi32, #tpu.memory_space<hbm>>
    tpu.wait_dma2 semaphore(%arg45 : memref<!tpu.dma_semaphore, #tpu.memory_space<semaphore_mem>>) src(%dma_wait3A_243 : memref<40xi32, #tpu.memory_space<hbm>>) dst(%arg14 : memref<40xi32, #tpu.memory_space<vmem>>)
    %dma_wait3A_244 = arith.constant 0 : i32
    %dma_wait3A_245 = tpu.memref_slice %arg3[%dma_wait3A_244] : memref<160000xi32, #tpu.memory_space<hbm>> -> memref<40xi32, #tpu.memory_space<hbm>>
    %dma_wait3A_246 = arith.constant 0 : i32
    %dma_wait3A_247 = tpu.memref_slice %arg3[%dma_wait3A_246] : memref<160000xi32, #tpu.memory_space<hbm>> -> memref<40xi32, #tpu.memory_space<hbm>>
    tpu.wait_dma2 semaphore(%arg45 : memref<!tpu.dma_semaphore, #tpu.memory_space<semaphore_mem>>) src(%dma_wait3A_247 : memref<40xi32, #tpu.memory_space<hbm>>) dst(%arg26 : memref<40xi32, #tpu.memory_space<vmem>>)
    %dma_start3A_248 = arith.constant 0 : i32
    %dma_start3A_249 = arith.constant 0 : i32
    %dma_start3A_250 = tpu.memref_slice %arg4[%dma_start3A_248, %dma_start3A_249] : memref<20480x128xf32, #tpu.memory_space<hbm>> -> memref<20480x128xf32, #tpu.memory_space<hbm>>
    tpu.enqueue_indirect_dma source(%dma_start3A_250 : memref<20480x128xf32, #tpu.memory_space<hbm>>) target(%arg32 : memref<40x128xf32, #tpu.memory_space<vmem>>) offsets(%arg14 : memref<40xi32, #tpu.memory_space<vmem>>) semaphore(%arg51 : memref<!tpu.dma_semaphore, #tpu.memory_space<semaphore_mem>>)
    %dma_wait3A_251 = arith.constant 0 : i32
    %dma_wait3A_252 = arith.constant 0 : i32
    %dma_wait3A_253 = tpu.memref_slice %arg4[%dma_wait3A_251, %dma_wait3A_252] : memref<20480x128xf32, #tpu.memory_space<hbm>> -> memref<20480x128xf32, #tpu.memory_space<hbm>>
    tpu.wait_indirect_dma semaphore(%arg53 : memref<!tpu.dma_semaphore, #tpu.memory_space<semaphore_mem>>) src(%dma_wait3A_253 : memref<20480x128xf32, #tpu.memory_space<hbm>>) dst(%arg34 : memref<40x128xf32, #tpu.memory_space<vmem>>)
    %dma_start3A_254 = arith.constant 0 : i32
    %dma_start3A_255 = arith.constant 0 : i32
    %dma_start3A_256 = tpu.memref_slice %arg36[%dma_start3A_254, %dma_start3A_255] : memref<10240x128xf32, #tpu.memory_space<vmem_shared>> -> memref<10240x128xf32, #tpu.memory_space<vmem_shared>>
    tpu.enqueue_indirect_dma source(%arg34 : memref<40x128xf32, #tpu.memory_space<vmem>>) target(%dma_start3A_256 : memref<10240x128xf32, #tpu.memory_space<vmem_shared>>) offsets(%arg22 : memref<40xi32, #tpu.memory_space<vmem>>) semaphore(%arg59 : memref<!tpu.dma_semaphore, #tpu.memory_space<semaphore_mem>>) {add = true}
    %dma_wait3A_257 = arith.constant 0 : i32
    %dma_wait3A_258 = arith.constant 0 : i32
    %dma_wait3A_259 = tpu.memref_slice %arg36[%dma_wait3A_257, %dma_wait3A_258] : memref<10240x128xf32, #tpu.memory_space<vmem_shared>> -> memref<10240x128xf32, #tpu.memory_space<vmem_shared>>
    tpu.wait_indirect_dma semaphore(%arg58 : memref<!tpu.dma_semaphore, #tpu.memory_space<semaphore_mem>>) src(%arg33 : memref<40x128xf32, #tpu.memory_space<vmem>>) dst(%dma_wait3A_259 : memref<10240x128xf32, #tpu.memory_space<vmem_shared>>)
    %dma_wait3A_260 = arith.constant 0 : i32
    %dma_wait3A_261 = tpu.memref_slice %arg3[%dma_wait3A_260] : memref<160000xi32, #tpu.memory_space<hbm>> -> memref<40xi32, #tpu.memory_space<hbm>>
    %dma_wait3A_262 = arith.constant 0 : i32
    %dma_wait3A_263 = tpu.memref_slice %arg3[%dma_wait3A_262] : memref<160000xi32, #tpu.memory_space<hbm>> -> memref<40xi32, #tpu.memory_space<hbm>>
    tpu.wait_dma2 semaphore(%arg46 : memref<!tpu.dma_semaphore, #tpu.memory_space<semaphore_mem>>) src(%dma_wait3A_263 : memref<40xi32, #tpu.memory_space<hbm>>) dst(%arg15 : memref<40xi32, #tpu.memory_space<vmem>>)
    %dma_wait3A_264 = arith.constant 0 : i32
    %dma_wait3A_265 = tpu.memref_slice %arg3[%dma_wait3A_264] : memref<160000xi32, #tpu.memory_space<hbm>> -> memref<40xi32, #tpu.memory_space<hbm>>
    %dma_wait3A_266 = arith.constant 0 : i32
    %dma_wait3A_267 = tpu.memref_slice %arg3[%dma_wait3A_266] : memref<160000xi32, #tpu.memory_space<hbm>> -> memref<40xi32, #tpu.memory_space<hbm>>
    tpu.wait_dma2 semaphore(%arg46 : memref<!tpu.dma_semaphore, #tpu.memory_space<semaphore_mem>>) src(%dma_wait3A_267 : memref<40xi32, #tpu.memory_space<hbm>>) dst(%arg27 : memref<40xi32, #tpu.memory_space<vmem>>)
    %dma_start3A_268 = arith.constant 0 : i32
    %dma_start3A_269 = arith.constant 0 : i32
    %dma_start3A_270 = tpu.memref_slice %arg4[%dma_start3A_268, %dma_start3A_269] : memref<20480x128xf32, #tpu.memory_space<hbm>> -> memref<20480x128xf32, #tpu.memory_space<hbm>>
    tpu.enqueue_indirect_dma source(%dma_start3A_270 : memref<20480x128xf32, #tpu.memory_space<hbm>>) target(%arg33 : memref<40x128xf32, #tpu.memory_space<vmem>>) offsets(%arg15 : memref<40xi32, #tpu.memory_space<vmem>>) semaphore(%arg52 : memref<!tpu.dma_semaphore, #tpu.memory_space<semaphore_mem>>)
    %dma_wait3A_271 = arith.constant 0 : i32
    %dma_wait3A_272 = arith.constant 0 : i32
    %dma_wait3A_273 = tpu.memref_slice %arg4[%dma_wait3A_271, %dma_wait3A_272] : memref<20480x128xf32, #tpu.memory_space<hbm>> -> memref<20480x128xf32, #tpu.memory_space<hbm>>
    tpu.wait_indirect_dma semaphore(%arg54 : memref<!tpu.dma_semaphore, #tpu.memory_space<semaphore_mem>>) src(%dma_wait3A_273 : memref<20480x128xf32, #tpu.memory_space<hbm>>) dst(%arg35 : memref<40x128xf32, #tpu.memory_space<vmem>>)
    %dma_start3A_274 = arith.constant 0 : i32
    %dma_start3A_275 = arith.constant 0 : i32
    %dma_start3A_276 = tpu.memref_slice %arg36[%dma_start3A_274, %dma_start3A_275] : memref<10240x128xf32, #tpu.memory_space<vmem_shared>> -> memref<10240x128xf32, #tpu.memory_space<vmem_shared>>
    tpu.enqueue_indirect_dma source(%arg35 : memref<40x128xf32, #tpu.memory_space<vmem>>) target(%dma_start3A_276 : memref<10240x128xf32, #tpu.memory_space<vmem_shared>>) offsets(%arg23 : memref<40xi32, #tpu.memory_space<vmem>>) semaphore(%arg60 : memref<!tpu.dma_semaphore, #tpu.memory_space<semaphore_mem>>) {add = true}
    %dma_wait3A_277 = arith.constant 0 : i32
    %dma_wait3A_278 = arith.constant 0 : i32
    %dma_wait3A_279 = tpu.memref_slice %arg4[%dma_wait3A_277, %dma_wait3A_278] : memref<20480x128xf32, #tpu.memory_space<hbm>> -> memref<20480x128xf32, #tpu.memory_space<hbm>>
    tpu.wait_indirect_dma semaphore(%arg49 : memref<!tpu.dma_semaphore, #tpu.memory_space<semaphore_mem>>) src(%dma_wait3A_279 : memref<20480x128xf32, #tpu.memory_space<hbm>>) dst(%arg30 : memref<40x128xf32, #tpu.memory_space<vmem>>)
    %dma_start3A_280 = arith.constant 0 : i32
    %dma_start3A_281 = arith.constant 0 : i32
    %dma_start3A_282 = tpu.memref_slice %arg36[%dma_start3A_280, %dma_start3A_281] : memref<10240x128xf32, #tpu.memory_space<vmem_shared>> -> memref<10240x128xf32, #tpu.memory_space<vmem_shared>>
    tpu.enqueue_indirect_dma source(%arg30 : memref<40x128xf32, #tpu.memory_space<vmem>>) target(%dma_start3A_282 : memref<10240x128xf32, #tpu.memory_space<vmem_shared>>) offsets(%arg24 : memref<40xi32, #tpu.memory_space<vmem>>) semaphore(%arg55 : memref<!tpu.dma_semaphore, #tpu.memory_space<semaphore_mem>>) {add = true}
    %dma_wait3A_283 = arith.constant 0 : i32
    %dma_wait3A_284 = arith.constant 0 : i32
    %dma_wait3A_285 = tpu.memref_slice %arg4[%dma_wait3A_283, %dma_wait3A_284] : memref<20480x128xf32, #tpu.memory_space<hbm>> -> memref<20480x128xf32, #tpu.memory_space<hbm>>
    tpu.wait_indirect_dma semaphore(%arg50 : memref<!tpu.dma_semaphore, #tpu.memory_space<semaphore_mem>>) src(%dma_wait3A_285 : memref<20480x128xf32, #tpu.memory_space<hbm>>) dst(%arg31 : memref<40x128xf32, #tpu.memory_space<vmem>>)
    %dma_start3A_286 = arith.constant 0 : i32
    %dma_start3A_287 = arith.constant 0 : i32
    %dma_start3A_288 = tpu.memref_slice %arg36[%dma_start3A_286, %dma_start3A_287] : memref<10240x128xf32, #tpu.memory_space<vmem_shared>> -> memref<10240x128xf32, #tpu.memory_space<vmem_shared>>
    tpu.enqueue_indirect_dma source(%arg31 : memref<40x128xf32, #tpu.memory_space<vmem>>) target(%dma_start3A_288 : memref<10240x128xf32, #tpu.memory_space<vmem_shared>>) offsets(%arg25 : memref<40xi32, #tpu.memory_space<vmem>>) semaphore(%arg56 : memref<!tpu.dma_semaphore, #tpu.memory_space<semaphore_mem>>) {add = true}
    %dma_wait3A_289 = arith.constant 0 : i32
    %dma_wait3A_290 = arith.constant 0 : i32
    %dma_wait3A_291 = tpu.memref_slice %arg4[%dma_wait3A_289, %dma_wait3A_290] : memref<20480x128xf32, #tpu.memory_space<hbm>> -> memref<20480x128xf32, #tpu.memory_space<hbm>>
    tpu.wait_indirect_dma semaphore(%arg51 : memref<!tpu.dma_semaphore, #tpu.memory_space<semaphore_mem>>) src(%dma_wait3A_291 : memref<20480x128xf32, #tpu.memory_space<hbm>>) dst(%arg32 : memref<40x128xf32, #tpu.memory_space<vmem>>)
    %dma_start3A_292 = arith.constant 0 : i32
    %dma_start3A_293 = arith.constant 0 : i32
    %dma_start3A_294 = tpu.memref_slice %arg36[%dma_start3A_292, %dma_start3A_293] : memref<10240x128xf32, #tpu.memory_space<vmem_shared>> -> memref<10240x128xf32, #tpu.memory_space<vmem_shared>>
    tpu.enqueue_indirect_dma source(%arg32 : memref<40x128xf32, #tpu.memory_space<vmem>>) target(%dma_start3A_294 : memref<10240x128xf32, #tpu.memory_space<vmem_shared>>) offsets(%arg26 : memref<40xi32, #tpu.memory_space<vmem>>) semaphore(%arg57 : memref<!tpu.dma_semaphore, #tpu.memory_space<semaphore_mem>>) {add = true}
    %dma_wait3A_295 = arith.constant 0 : i32
    %dma_wait3A_296 = arith.constant 0 : i32
    %dma_wait3A_297 = tpu.memref_slice %arg4[%dma_wait3A_295, %dma_wait3A_296] : memref<20480x128xf32, #tpu.memory_space<hbm>> -> memref<20480x128xf32, #tpu.memory_space<hbm>>
    tpu.wait_indirect_dma semaphore(%arg52 : memref<!tpu.dma_semaphore, #tpu.memory_space<semaphore_mem>>) src(%dma_wait3A_297 : memref<20480x128xf32, #tpu.memory_space<hbm>>) dst(%arg33 : memref<40x128xf32, #tpu.memory_space<vmem>>)
    %dma_start3A_298 = arith.constant 0 : i32
    %dma_start3A_299 = arith.constant 0 : i32
    %dma_start3A_300 = tpu.memref_slice %arg36[%dma_start3A_298, %dma_start3A_299] : memref<10240x128xf32, #tpu.memory_space<vmem_shared>> -> memref<10240x128xf32, #tpu.memory_space<vmem_shared>>
    tpu.enqueue_indirect_dma source(%arg33 : memref<40x128xf32, #tpu.memory_space<vmem>>) target(%dma_start3A_300 : memref<10240x128xf32, #tpu.memory_space<vmem_shared>>) offsets(%arg27 : memref<40xi32, #tpu.memory_space<vmem>>) semaphore(%arg58 : memref<!tpu.dma_semaphore, #tpu.memory_space<semaphore_mem>>) {add = true}
    %dma_wait3A_301 = arith.constant 0 : i32
    %dma_wait3A_302 = arith.constant 0 : i32
    %dma_wait3A_303 = tpu.memref_slice %arg36[%dma_wait3A_301, %dma_wait3A_302] : memref<10240x128xf32, #tpu.memory_space<vmem_shared>> -> memref<10240x128xf32, #tpu.memory_space<vmem_shared>>
    tpu.wait_indirect_dma semaphore(%arg59 : memref<!tpu.dma_semaphore, #tpu.memory_space<semaphore_mem>>) src(%arg34 : memref<40x128xf32, #tpu.memory_space<vmem>>) dst(%dma_wait3A_303 : memref<10240x128xf32, #tpu.memory_space<vmem_shared>>)
    %dma_wait3A_304 = arith.constant 0 : i32
    %dma_wait3A_305 = arith.constant 0 : i32
    %dma_wait3A_306 = tpu.memref_slice %arg36[%dma_wait3A_304, %dma_wait3A_305] : memref<10240x128xf32, #tpu.memory_space<vmem_shared>> -> memref<10240x128xf32, #tpu.memory_space<vmem_shared>>
    tpu.wait_indirect_dma semaphore(%arg60 : memref<!tpu.dma_semaphore, #tpu.memory_space<semaphore_mem>>) src(%arg35 : memref<40x128xf32, #tpu.memory_space<vmem>>) dst(%dma_wait3A_306 : memref<10240x128xf32, #tpu.memory_space<vmem_shared>>)
    %dma_wait3A_307 = arith.constant 0 : i32
    %dma_wait3A_308 = arith.constant 0 : i32
    %dma_wait3A_309 = tpu.memref_slice %arg36[%dma_wait3A_307, %dma_wait3A_308] : memref<10240x128xf32, #tpu.memory_space<vmem_shared>> -> memref<10240x128xf32, #tpu.memory_space<vmem_shared>>
    tpu.wait_indirect_dma semaphore(%arg55 : memref<!tpu.dma_semaphore, #tpu.memory_space<semaphore_mem>>) src(%arg30 : memref<40x128xf32, #tpu.memory_space<vmem>>) dst(%dma_wait3A_309 : memref<10240x128xf32, #tpu.memory_space<vmem_shared>>)
    %dma_wait3A_310 = arith.constant 0 : i32
    %dma_wait3A_311 = arith.constant 0 : i32
    %dma_wait3A_312 = tpu.memref_slice %arg36[%dma_wait3A_310, %dma_wait3A_311] : memref<10240x128xf32, #tpu.memory_space<vmem_shared>> -> memref<10240x128xf32, #tpu.memory_space<vmem_shared>>
    tpu.wait_indirect_dma semaphore(%arg56 : memref<!tpu.dma_semaphore, #tpu.memory_space<semaphore_mem>>) src(%arg31 : memref<40x128xf32, #tpu.memory_space<vmem>>) dst(%dma_wait3A_312 : memref<10240x128xf32, #tpu.memory_space<vmem_shared>>)
    %dma_wait3A_313 = arith.constant 0 : i32
    %dma_wait3A_314 = arith.constant 0 : i32
    %dma_wait3A_315 = tpu.memref_slice %arg36[%dma_wait3A_313, %dma_wait3A_314] : memref<10240x128xf32, #tpu.memory_space<vmem_shared>> -> memref<10240x128xf32, #tpu.memory_space<vmem_shared>>
    tpu.wait_indirect_dma semaphore(%arg57 : memref<!tpu.dma_semaphore, #tpu.memory_space<semaphore_mem>>) src(%arg32 : memref<40x128xf32, #tpu.memory_space<vmem>>) dst(%dma_wait3A_315 : memref<10240x128xf32, #tpu.memory_space<vmem_shared>>)
    %dma_wait3A_316 = arith.constant 0 : i32
    %dma_wait3A_317 = arith.constant 0 : i32
    %dma_wait3A_318 = tpu.memref_slice %arg36[%dma_wait3A_316, %dma_wait3A_317] : memref<10240x128xf32, #tpu.memory_space<vmem_shared>> -> memref<10240x128xf32, #tpu.memory_space<vmem_shared>>
    tpu.wait_indirect_dma semaphore(%arg58 : memref<!tpu.dma_semaphore, #tpu.memory_space<semaphore_mem>>) src(%arg33 : memref<40x128xf32, #tpu.memory_space<vmem>>) dst(%dma_wait3A_318 : memref<10240x128xf32, #tpu.memory_space<vmem_shared>>)
    %barrier3A_319 = arith.constant 0 : index
    tpu.barrier barrier_id(%barrier3A_319)
    %mul3A_320 = arith.constant 640 : i32
    %mul3A_321 = arith.muli %arg1, %mul3A_320 : i32
    %mul3A_322 = arith.constant 640 : i32
    %mul3A_323 = arith.muli %arg1, %mul3A_322 : i32
    "tpu.region"() ({
      %run_scoped3A = tpu.sem_alloc : memref<!tpu.dma_semaphore, #tpu.memory_space<semaphore_mem>>
      %dma_start3A_324 = arith.constant 0 : i32
      %dma_start3A_325 = tpu.memref_slice %arg5[%arg0, %mul3A_323, %dma_start3A_324] : memref<2x10240x128xf32, #tpu.memory_space<hbm>> -> memref<1x640x128xf32, #tpu.memory_space<hbm>>
      %dma_start3A_326 = tpu.memref_squeeze %dma_start3A_325 : memref<1x640x128xf32, #tpu.memory_space<hbm>> -> memref<640x128xf32, #tpu.memory_space<hbm>>
      %dma_start3A_327 = arith.constant 0 : i32
      %dma_start3A_328 = tpu.memref_slice %arg36[%mul3A_321, %dma_start3A_327] : memref<10240x128xf32, #tpu.memory_space<vmem_shared>> -> memref<640x128xf32, #tpu.memory_space<vmem_shared>>
      tpu.enqueue_dma source(%dma_start3A_328 : memref<640x128xf32, #tpu.memory_space<vmem_shared>>) target(%dma_start3A_326 : memref<640x128xf32, #tpu.memory_space<hbm>>) target_semaphore(%run_scoped3A : memref<!tpu.dma_semaphore, #tpu.memory_space<semaphore_mem>>)
      %dma_wait3A_329 = arith.constant 0 : i32
      %dma_wait3A_330 = tpu.memref_slice %arg5[%arg0, %mul3A_323, %dma_wait3A_329] : memref<2x10240x128xf32, #tpu.memory_space<hbm>> -> memref<1x640x128xf32, #tpu.memory_space<hbm>>
      %dma_wait3A_331 = tpu.memref_squeeze %dma_wait3A_330 : memref<1x640x128xf32, #tpu.memory_space<hbm>> -> memref<640x128xf32, #tpu.memory_space<hbm>>
      %dma_wait3A_332 = arith.constant 0 : i32
      %dma_wait3A_333 = tpu.memref_slice %arg36[%mul3A_321, %dma_wait3A_332] : memref<10240x128xf32, #tpu.memory_space<vmem_shared>> -> memref<640x128xf32, #tpu.memory_space<vmem_shared>>
      tpu.wait_dma2 semaphore(%run_scoped3A : memref<!tpu.dma_semaphore, #tpu.memory_space<semaphore_mem>>) src(%dma_wait3A_333 : memref<640x128xf32, #tpu.memory_space<vmem_shared>>) dst(%dma_wait3A_331 : memref<640x128xf32, #tpu.memory_space<hbm>>)
      tpu.yield
    }) : () -> ()
    return
  }
}

#map = affine_map<(d0, d1) -> (0)>
#map1 = affine_map<(d0, d1) -> (0, 0)>
module attributes {stable_mosaic.version = 14 : i64} {
  func.func @deg_kernel(%arg0: i32, %arg1: i32, %arg2: memref<160000xi32, #tpu.memory_space<hbm>>, %arg3: memref<2x10240xf32, #tpu.memory_space<hbm>>, %arg4: memref<5008xi32, #tpu.memory_space<vmem>>, %arg5: memref<10240xf32, #tpu.memory_space<vmem>>, %arg6: memref<16x640xf32, #tpu.memory_space<vmem>>, %arg7: memref<16x10240xf32, #tpu.memory_space<vmem_shared>>) attributes {dimension_semantics = [#tpu.dimension_semantics<core_parallel>, #tpu.dimension_semantics<subcore_parallel>], iteration_bounds = array<i64: 2, 16>, scalar_prefetch = 0 : i64, scratch_operands = 4 : i64, tpu.core_type = #tpu.core_type<sc_vector_subcore>, window_params = [{transform_indices = #map}, {transform_indices = #map1}]} {
    %mul3A = arith.constant 80000 : i32
    %mul3A_0 = arith.muli %arg0, %mul3A : i32
    %mul3A_1 = arith.constant 5000 : i32
    %mul3A_2 = arith.muli %arg1, %mul3A_1 : i32
    %add3A = arith.addi %mul3A_0, %mul3A_2 : i32
    "tpu.region"() ({
      %run_scoped3A_30 = tpu.sem_alloc : memref<!tpu.dma_semaphore, #tpu.memory_space<semaphore_mem>>
      %dma_start3A = arith.constant 0 : i32
      %dma_start3A_31 = tpu.memref_slice %arg4[%dma_start3A] : memref<5008xi32, #tpu.memory_space<vmem>> -> memref<5000xi32, #tpu.memory_space<vmem>>
      %dma_start3A_32 = tpu.memref_slice %arg2[%add3A] : memref<160000xi32, #tpu.memory_space<hbm>> -> memref<5000xi32, #tpu.memory_space<hbm>>
      %dma_start3A_33 = arith.constant 0 : i32
      %dma_start3A_34 = tpu.memref_slice %arg4[%dma_start3A_33] : memref<5008xi32, #tpu.memory_space<vmem>> -> memref<5000xi32, #tpu.memory_space<vmem>>
      %dma_start3A_35 = tpu.memref_slice %arg2[%add3A] : memref<160000xi32, #tpu.memory_space<hbm>> -> memref<5000xi32, #tpu.memory_space<hbm>>
      tpu.enqueue_dma source(%dma_start3A_35 : memref<5000xi32, #tpu.memory_space<hbm>>) target(%dma_start3A_34 : memref<5000xi32, #tpu.memory_space<vmem>>) target_semaphore(%run_scoped3A_30 : memref<!tpu.dma_semaphore, #tpu.memory_space<semaphore_mem>>)
      %dma_wait3A = arith.constant 0 : i32
      %dma_wait3A_36 = tpu.memref_slice %arg4[%dma_wait3A] : memref<5008xi32, #tpu.memory_space<vmem>> -> memref<5000xi32, #tpu.memory_space<vmem>>
      %dma_wait3A_37 = tpu.memref_slice %arg2[%add3A] : memref<160000xi32, #tpu.memory_space<hbm>> -> memref<5000xi32, #tpu.memory_space<hbm>>
      %dma_wait3A_38 = arith.constant 0 : i32
      %dma_wait3A_39 = tpu.memref_slice %arg4[%dma_wait3A_38] : memref<5008xi32, #tpu.memory_space<vmem>> -> memref<5000xi32, #tpu.memory_space<vmem>>
      %dma_wait3A_40 = tpu.memref_slice %arg2[%add3A] : memref<160000xi32, #tpu.memory_space<hbm>> -> memref<5000xi32, #tpu.memory_space<hbm>>
      tpu.wait_dma2 semaphore(%run_scoped3A_30 : memref<!tpu.dma_semaphore, #tpu.memory_space<semaphore_mem>>) src(%dma_wait3A_40 : memref<5000xi32, #tpu.memory_space<hbm>>) dst(%dma_wait3A_39 : memref<5000xi32, #tpu.memory_space<vmem>>)
      tpu.yield
    }) : () -> ()
    %broadcast_in_dim3A = arith.constant 0.000000e+00 : f32
    %broadcast_in_dim3A_3 = vector.broadcast %broadcast_in_dim3A : f32 to vector<16xf32>
    %scan3A = arith.constant 0 : i32
    %scan3A_4 = arith.constant 0 : i32
    %scan3A_5 = arith.constant 640 : i32
    %scan3A_6 = arith.addi %scan3A_4, %scan3A_5 : i32
    %scan3A_7 = arith.constant 8 : i32
    %scan3A_8 = scf.for %scan3A_30 = %scan3A_4 to %scan3A_6 step %scan3A_7 iter_args(%scan3A_31 = %scan3A) -> (i32)  : i32 {
      %mul3A_32 = arith.constant 16 : i32
      %mul3A_33 = arith.muli %scan3A_30, %mul3A_32 : i32
      %swap3A = arith.index_cast %mul3A_33 : i32 to index
      %swap3A_34 = tpu.vector_load %arg5[%swap3A] {strides = array<i32>} : memref<10240xf32, #tpu.memory_space<vmem>>, vector<16xf32>,
      tpu.vector_store %arg5[%swap3A], %broadcast_in_dim3A_3 {strides = array<i32>} : memref<10240xf32, #tpu.memory_space<vmem>>, vector<16xf32>,
      %scan3A_35 = arith.constant 0 : i32
      %scan3A_36 = arith.constant 1 : i32
      %scan3A_37 = arith.addi %scan3A_30, %scan3A_36 : i32
      %mul3A_38 = arith.constant 16 : i32
      %mul3A_39 = arith.muli %scan3A_37, %mul3A_38 : i32
      %swap3A_40 = arith.index_cast %mul3A_39 : i32 to index
      %swap3A_41 = tpu.vector_load %arg5[%swap3A_40] {strides = array<i32>} : memref<10240xf32, #tpu.memory_space<vmem>>, vector<16xf32>,
      tpu.vector_store %arg5[%swap3A_40], %broadcast_in_dim3A_3 {strides = array<i32>} : memref<10240xf32, #tpu.memory_space<vmem>>, vector<16xf32>,
      %scan3A_42 = arith.constant 0 : i32
      %scan3A_43 = arith.constant 2 : i32
      %scan3A_44 = arith.addi %scan3A_30, %scan3A_43 : i32
      %mul3A_45 = arith.constant 16 : i32
      %mul3A_46 = arith.muli %scan3A_44, %mul3A_45 : i32
      %swap3A_47 = arith.index_cast %mul3A_46 : i32 to index
      %swap3A_48 = tpu.vector_load %arg5[%swap3A_47] {strides = array<i32>} : memref<10240xf32, #tpu.memory_space<vmem>>, vector<16xf32>,
      tpu.vector_store %arg5[%swap3A_47], %broadcast_in_dim3A_3 {strides = array<i32>} : memref<10240xf32, #tpu.memory_space<vmem>>, vector<16xf32>,
      %scan3A_49 = arith.constant 0 : i32
      %scan3A_50 = arith.constant 3 : i32
      %scan3A_51 = arith.addi %scan3A_30, %scan3A_50 : i32
      %mul3A_52 = arith.constant 16 : i32
      %mul3A_53 = arith.muli %scan3A_51, %mul3A_52 : i32
      %swap3A_54 = arith.index_cast %mul3A_53 : i32 to index
      %swap3A_55 = tpu.vector_load %arg5[%swap3A_54] {strides = array<i32>} : memref<10240xf32, #tpu.memory_space<vmem>>, vector<16xf32>,
      tpu.vector_store %arg5[%swap3A_54], %broadcast_in_dim3A_3 {strides = array<i32>} : memref<10240xf32, #tpu.memory_space<vmem>>, vector<16xf32>,
      %scan3A_56 = arith.constant 0 : i32
      %scan3A_57 = arith.constant 4 : i32
      %scan3A_58 = arith.addi %scan3A_30, %scan3A_57 : i32
      %mul3A_59 = arith.constant 16 : i32
      %mul3A_60 = arith.muli %scan3A_58, %mul3A_59 : i32
      %swap3A_61 = arith.index_cast %mul3A_60 : i32 to index
      %swap3A_62 = tpu.vector_load %arg5[%swap3A_61] {strides = array<i32>} : memref<10240xf32, #tpu.memory_space<vmem>>, vector<16xf32>,
      tpu.vector_store %arg5[%swap3A_61], %broadcast_in_dim3A_3 {strides = array<i32>} : memref<10240xf32, #tpu.memory_space<vmem>>, vector<16xf32>,
      %scan3A_63 = arith.constant 0 : i32
      %scan3A_64 = arith.constant 5 : i32
      %scan3A_65 = arith.addi %scan3A_30, %scan3A_64 : i32
      %mul3A_66 = arith.constant 16 : i32
      %mul3A_67 = arith.muli %scan3A_65, %mul3A_66 : i32
      %swap3A_68 = arith.index_cast %mul3A_67 : i32 to index
      %swap3A_69 = tpu.vector_load %arg5[%swap3A_68] {strides = array<i32>} : memref<10240xf32, #tpu.memory_space<vmem>>, vector<16xf32>,
      tpu.vector_store %arg5[%swap3A_68], %broadcast_in_dim3A_3 {strides = array<i32>} : memref<10240xf32, #tpu.memory_space<vmem>>, vector<16xf32>,
      %scan3A_70 = arith.constant 0 : i32
      %scan3A_71 = arith.constant 6 : i32
      %scan3A_72 = arith.addi %scan3A_30, %scan3A_71 : i32
      %mul3A_73 = arith.constant 16 : i32
      %mul3A_74 = arith.muli %scan3A_72, %mul3A_73 : i32
      %swap3A_75 = arith.index_cast %mul3A_74 : i32 to index
      %swap3A_76 = tpu.vector_load %arg5[%swap3A_75] {strides = array<i32>} : memref<10240xf32, #tpu.memory_space<vmem>>, vector<16xf32>,
      tpu.vector_store %arg5[%swap3A_75], %broadcast_in_dim3A_3 {strides = array<i32>} : memref<10240xf32, #tpu.memory_space<vmem>>, vector<16xf32>,
      %scan3A_77 = arith.constant 0 : i32
      %scan3A_78 = arith.constant 7 : i32
      %scan3A_79 = arith.addi %scan3A_30, %scan3A_78 : i32
      %mul3A_80 = arith.constant 16 : i32
      %mul3A_81 = arith.muli %scan3A_79, %mul3A_80 : i32
      %swap3A_82 = arith.index_cast %mul3A_81 : i32 to index
      %swap3A_83 = tpu.vector_load %arg5[%swap3A_82] {strides = array<i32>} : memref<10240xf32, #tpu.memory_space<vmem>>, vector<16xf32>,
      tpu.vector_store %arg5[%swap3A_82], %broadcast_in_dim3A_3 {strides = array<i32>} : memref<10240xf32, #tpu.memory_space<vmem>>, vector<16xf32>,
      %scan3A_84 = arith.constant 0 : i32
      scf.yield %scan3A_84 : i32
    }
    %scan3A_9 = arith.constant 640 : i32
    %broadcast_in_dim3A_10 = arith.constant 1.000000e+00 : f32
    %broadcast_in_dim3A_11 = vector.broadcast %broadcast_in_dim3A_10 : f32 to vector<16xf32>
    %iota3A = tpu.iota {dimensions = array<i32: 0>} : vector<16xi32>
    %scan3A_12 = arith.constant 0 : i32
    %scan3A_13 = arith.constant 0 : i32
    %scan3A_14 = arith.constant 313 : i32
    %scan3A_15 = arith.addi %scan3A_13, %scan3A_14 : i32
    %scan3A_16 = arith.constant 1 : i32
    %scan3A_17 = scf.for %scan3A_30 = %scan3A_13 to %scan3A_15 step %scan3A_16 iter_args(%scan3A_31 = %scan3A_12) -> (i32)  : i32 {
      %mul3A_32 = arith.constant 16 : i32
      %mul3A_33 = arith.muli %scan3A_30, %mul3A_32 : i32
      %get3A = arith.index_cast %mul3A_33 : i32 to index
      %get3A_34 = tpu.vector_load %arg4[%get3A] {strides = array<i32>} : memref<5008xi32, #tpu.memory_space<vmem>>, vector<16xi32>,
      %lt3A = arith.constant 312 : i32
      %lt3A_35 = arith.cmpi slt, %scan3A_30, %lt3A : i32
      %jit3A = arith.constant 16 : i32
      %jit3A_36 = arith.constant 8 : i32
      %select_n3A = arith.select %lt3A_35, %jit3A, %jit3A_36 : i32
      %lt3A_37 = vector.broadcast %select_n3A : i32 to vector<16xi32>
      %lt3A_38 = arith.cmpi slt, %iota3A, %lt3A_37 : vector<16xi32>
      tpu.vector_store_idx %arg5[%get3A_34], %broadcast_in_dim3A_11 masked %lt3A_38 {add = true} : memref<10240xf32, #tpu.memory_space<vmem>>[vector<16xi32>], vector<16xf32>, vector<16xi1>
      %scan3A_39 = arith.constant 0 : i32
      scf.yield %scan3A_39 : i32
    }
    %scan3A_18 = arith.constant 313 : i32
    "tpu.region"() ({
      %run_scoped3A_30 = tpu.sem_alloc : memref<!tpu.dma_semaphore, #tpu.memory_space<semaphore_mem>>
      %dma_start3A = arith.constant 0 : i32
      %dma_start3A_31 = tpu.memref_slice %arg7[%arg1, %dma_start3A] : memref<16x10240xf32, #tpu.memory_space<vmem_shared>> -> memref<1x10240xf32, #tpu.memory_space<vmem_shared>>
      %dma_start3A_32 = tpu.memref_squeeze %dma_start3A_31 : memref<1x10240xf32, #tpu.memory_space<vmem_shared>> -> memref<10240xf32, #tpu.memory_space<vmem_shared>>
      %dma_start3A_33 = arith.constant 0 : i32
      %dma_start3A_34 = tpu.memref_slice %arg7[%arg1, %dma_start3A_33] : memref<16x10240xf32, #tpu.memory_space<vmem_shared>> -> memref<1x10240xf32, #tpu.memory_space<vmem_shared>>
      %dma_start3A_35 = tpu.memref_squeeze %dma_start3A_34 : memref<1x10240xf32, #tpu.memory_space<vmem_shared>> -> memref<10240xf32, #tpu.memory_space<vmem_shared>>
      tpu.enqueue_dma source(%arg5 : memref<10240xf32, #tpu.memory_space<vmem>>) target(%dma_start3A_35 : memref<10240xf32, #tpu.memory_space<vmem_shared>>) target_semaphore(%run_scoped3A_30 : memref<!tpu.dma_semaphore, #tpu.memory_space<semaphore_mem>>)
      %dma_wait3A = arith.constant 0 : i32
      %dma_wait3A_36 = tpu.memref_slice %arg7[%arg1, %dma_wait3A] : memref<16x10240xf32, #tpu.memory_space<vmem_shared>> -> memref<1x10240xf32, #tpu.memory_space<vmem_shared>>
      %dma_wait3A_37 = tpu.memref_squeeze %dma_wait3A_36 : memref<1x10240xf32, #tpu.memory_space<vmem_shared>> -> memref<10240xf32, #tpu.memory_space<vmem_shared>>
      %dma_wait3A_38 = arith.constant 0 : i32
      %dma_wait3A_39 = tpu.memref_slice %arg7[%arg1, %dma_wait3A_38] : memref<16x10240xf32, #tpu.memory_space<vmem_shared>> -> memref<1x10240xf32, #tpu.memory_space<vmem_shared>>
      %dma_wait3A_40 = tpu.memref_squeeze %dma_wait3A_39 : memref<1x10240xf32, #tpu.memory_space<vmem_shared>> -> memref<10240xf32, #tpu.memory_space<vmem_shared>>
      tpu.wait_dma2 semaphore(%run_scoped3A_30 : memref<!tpu.dma_semaphore, #tpu.memory_space<semaphore_mem>>) src(%arg5 : memref<10240xf32, #tpu.memory_space<vmem>>) dst(%dma_wait3A_40 : memref<10240xf32, #tpu.memory_space<vmem_shared>>)
      tpu.yield
    }) : () -> ()
    %barrier3A = arith.constant 0 : index
    tpu.barrier barrier_id(%barrier3A)
    %mul3A_19 = arith.constant 640 : i32
    %mul3A_20 = arith.muli %arg1, %mul3A_19 : i32
    "tpu.region"() ({
      %run_scoped3A_30 = tpu.sem_alloc : memref<!tpu.dma_semaphore, #tpu.memory_space<semaphore_mem>>
      %dma_start3A = arith.constant 0 : i32
      %dma_start3A_31 = tpu.memref_slice %arg7[%dma_start3A, %mul3A_20] : memref<16x10240xf32, #tpu.memory_space<vmem_shared>> -> memref<16x640xf32, #tpu.memory_space<vmem_shared>>
      %dma_start3A_32 = arith.constant 0 : i32
      %dma_start3A_33 = tpu.memref_slice %arg7[%dma_start3A_32, %mul3A_20] : memref<16x10240xf32, #tpu.memory_space<vmem_shared>> -> memref<16x640xf32, #tpu.memory_space<vmem_shared>>
      tpu.enqueue_dma source(%dma_start3A_33 : memref<16x640xf32, #tpu.memory_space<vmem_shared>>) target(%arg6 : memref<16x640xf32, #tpu.memory_space<vmem>>) target_semaphore(%run_scoped3A_30 : memref<!tpu.dma_semaphore, #tpu.memory_space<semaphore_mem>>)
      %dma_wait3A = arith.constant 0 : i32
      %dma_wait3A_34 = tpu.memref_slice %arg7[%dma_wait3A, %mul3A_20] : memref<16x10240xf32, #tpu.memory_space<vmem_shared>> -> memref<16x640xf32, #tpu.memory_space<vmem_shared>>
      %dma_wait3A_35 = arith.constant 0 : i32
      %dma_wait3A_36 = tpu.memref_slice %arg7[%dma_wait3A_35, %mul3A_20] : memref<16x10240xf32, #tpu.memory_space<vmem_shared>> -> memref<16x640xf32, #tpu.memory_space<vmem_shared>>
      tpu.wait_dma2 semaphore(%run_scoped3A_30 : memref<!tpu.dma_semaphore, #tpu.memory_space<semaphore_mem>>) src(%dma_wait3A_36 : memref<16x640xf32, #tpu.memory_space<vmem_shared>>) dst(%arg6 : memref<16x640xf32, #tpu.memory_space<vmem>>)
      tpu.yield
    }) : () -> ()
    %scan3A_21 = arith.constant 0 : i32
    %scan3A_22 = arith.constant 0 : i32
    %scan3A_23 = arith.constant 40 : i32
    %scan3A_24 = arith.addi %scan3A_22, %scan3A_23 : i32
    %scan3A_25 = arith.constant 1 : i32
    %scan3A_26 = scf.for %scan3A_30 = %scan3A_22 to %scan3A_24 step %scan3A_25 iter_args(%scan3A_31 = %scan3A_21) -> (i32)  : i32 {
      %mul3A_32 = arith.constant 16 : i32
      %mul3A_33 = arith.muli %scan3A_30, %mul3A_32 : i32
      %get3A = arith.constant 0 : i32
      %get3A_34 = arith.index_cast %get3A : i32 to index
      %get3A_35 = arith.index_cast %mul3A_33 : i32 to index
      %get3A_36 = tpu.vector_load %arg6[%get3A_34, %get3A_35] {strides = array<i32>} : memref<16x640xf32, #tpu.memory_space<vmem>>, vector<16xf32>,
      %mul3A_37 = arith.constant 16 : i32
      %mul3A_38 = arith.muli %scan3A_30, %mul3A_37 : i32
      %get3A_39 = arith.constant 1 : i32
      %get3A_40 = arith.index_cast %get3A_39 : i32 to index
      %get3A_41 = arith.index_cast %mul3A_38 : i32 to index
      %get3A_42 = tpu.vector_load %arg6[%get3A_40, %get3A_41] {strides = array<i32>} : memref<16x640xf32, #tpu.memory_space<vmem>>, vector<16xf32>,
      %add3A_43 = arith.addf %get3A_36, %get3A_42 : vector<16xf32>
      %mul3A_44 = arith.constant 16 : i32
      %mul3A_45 = arith.muli %scan3A_30, %mul3A_44 : i32
      %get3A_46 = arith.constant 2 : i32
      %get3A_47 = arith.index_cast %get3A_46 : i32 to index
      %get3A_48 = arith.index_cast %mul3A_45 : i32 to index
      %get3A_49 = tpu.vector_load %arg6[%get3A_47, %get3A_48] {strides = array<i32>} : memref<16x640xf32, #tpu.memory_space<vmem>>, vector<16xf32>,
      %add3A_50 = arith.addf %add3A_43, %get3A_49 : vector<16xf32>
      %mul3A_51 = arith.constant 16 : i32
      %mul3A_52 = arith.muli %scan3A_30, %mul3A_51 : i32
      %get3A_53 = arith.constant 3 : i32
      %get3A_54 = arith.index_cast %get3A_53 : i32 to index
      %get3A_55 = arith.index_cast %mul3A_52 : i32 to index
      %get3A_56 = tpu.vector_load %arg6[%get3A_54, %get3A_55] {strides = array<i32>} : memref<16x640xf32, #tpu.memory_space<vmem>>, vector<16xf32>,
      %add3A_57 = arith.addf %add3A_50, %get3A_56 : vector<16xf32>
      %mul3A_58 = arith.constant 16 : i32
      %mul3A_59 = arith.muli %scan3A_30, %mul3A_58 : i32
      %get3A_60 = arith.constant 4 : i32
      %get3A_61 = arith.index_cast %get3A_60 : i32 to index
      %get3A_62 = arith.index_cast %mul3A_59 : i32 to index
      %get3A_63 = tpu.vector_load %arg6[%get3A_61, %get3A_62] {strides = array<i32>} : memref<16x640xf32, #tpu.memory_space<vmem>>, vector<16xf32>,
      %add3A_64 = arith.addf %add3A_57, %get3A_63 : vector<16xf32>
      %mul3A_65 = arith.constant 16 : i32
      %mul3A_66 = arith.muli %scan3A_30, %mul3A_65 : i32
      %get3A_67 = arith.constant 5 : i32
      %get3A_68 = arith.index_cast %get3A_67 : i32 to index
      %get3A_69 = arith.index_cast %mul3A_66 : i32 to index
      %get3A_70 = tpu.vector_load %arg6[%get3A_68, %get3A_69] {strides = array<i32>} : memref<16x640xf32, #tpu.memory_space<vmem>>, vector<16xf32>,
      %add3A_71 = arith.addf %add3A_64, %get3A_70 : vector<16xf32>
      %mul3A_72 = arith.constant 16 : i32
      %mul3A_73 = arith.muli %scan3A_30, %mul3A_72 : i32
      %get3A_74 = arith.constant 6 : i32
      %get3A_75 = arith.index_cast %get3A_74 : i32 to index
      %get3A_76 = arith.index_cast %mul3A_73 : i32 to index
      %get3A_77 = tpu.vector_load %arg6[%get3A_75, %get3A_76] {strides = array<i32>} : memref<16x640xf32, #tpu.memory_space<vmem>>, vector<16xf32>,
      %add3A_78 = arith.addf %add3A_71, %get3A_77 : vector<16xf32>
      %mul3A_79 = arith.constant 16 : i32
      %mul3A_80 = arith.muli %scan3A_30, %mul3A_79 : i32
      %get3A_81 = arith.constant 7 : i32
      %get3A_82 = arith.index_cast %get3A_81 : i32 to index
      %get3A_83 = arith.index_cast %mul3A_80 : i32 to index
      %get3A_84 = tpu.vector_load %arg6[%get3A_82, %get3A_83] {strides = array<i32>} : memref<16x640xf32, #tpu.memory_space<vmem>>, vector<16xf32>,
      %add3A_85 = arith.addf %add3A_78, %get3A_84 : vector<16xf32>
      %mul3A_86 = arith.constant 16 : i32
      %mul3A_87 = arith.muli %scan3A_30, %mul3A_86 : i32
      %get3A_88 = arith.constant 8 : i32
      %get3A_89 = arith.index_cast %get3A_88 : i32 to index
      %get3A_90 = arith.index_cast %mul3A_87 : i32 to index
      %get3A_91 = tpu.vector_load %arg6[%get3A_89, %get3A_90] {strides = array<i32>} : memref<16x640xf32, #tpu.memory_space<vmem>>, vector<16xf32>,
      %add3A_92 = arith.addf %add3A_85, %get3A_91 : vector<16xf32>
      %mul3A_93 = arith.constant 16 : i32
      %mul3A_94 = arith.muli %scan3A_30, %mul3A_93 : i32
      %get3A_95 = arith.constant 9 : i32
      %get3A_96 = arith.index_cast %get3A_95 : i32 to index
      %get3A_97 = arith.index_cast %mul3A_94 : i32 to index
      %get3A_98 = tpu.vector_load %arg6[%get3A_96, %get3A_97] {strides = array<i32>} : memref<16x640xf32, #tpu.memory_space<vmem>>, vector<16xf32>,
      %add3A_99 = arith.addf %add3A_92, %get3A_98 : vector<16xf32>
      %mul3A_100 = arith.constant 16 : i32
      %mul3A_101 = arith.muli %scan3A_30, %mul3A_100 : i32
      %get3A_102 = arith.constant 10 : i32
      %get3A_103 = arith.index_cast %get3A_102 : i32 to index
      %get3A_104 = arith.index_cast %mul3A_101 : i32 to index
      %get3A_105 = tpu.vector_load %arg6[%get3A_103, %get3A_104] {strides = array<i32>} : memref<16x640xf32, #tpu.memory_space<vmem>>, vector<16xf32>,
      %add3A_106 = arith.addf %add3A_99, %get3A_105 : vector<16xf32>
      %mul3A_107 = arith.constant 16 : i32
      %mul3A_108 = arith.muli %scan3A_30, %mul3A_107 : i32
      %get3A_109 = arith.constant 11 : i32
      %get3A_110 = arith.index_cast %get3A_109 : i32 to index
      %get3A_111 = arith.index_cast %mul3A_108 : i32 to index
      %get3A_112 = tpu.vector_load %arg6[%get3A_110, %get3A_111] {strides = array<i32>} : memref<16x640xf32, #tpu.memory_space<vmem>>, vector<16xf32>,
      %add3A_113 = arith.addf %add3A_106, %get3A_112 : vector<16xf32>
      %mul3A_114 = arith.constant 16 : i32
      %mul3A_115 = arith.muli %scan3A_30, %mul3A_114 : i32
      %get3A_116 = arith.constant 12 : i32
      %get3A_117 = arith.index_cast %get3A_116 : i32 to index
      %get3A_118 = arith.index_cast %mul3A_115 : i32 to index
      %get3A_119 = tpu.vector_load %arg6[%get3A_117, %get3A_118] {strides = array<i32>} : memref<16x640xf32, #tpu.memory_space<vmem>>, vector<16xf32>,
      %add3A_120 = arith.addf %add3A_113, %get3A_119 : vector<16xf32>
      %mul3A_121 = arith.constant 16 : i32
      %mul3A_122 = arith.muli %scan3A_30, %mul3A_121 : i32
      %get3A_123 = arith.constant 13 : i32
      %get3A_124 = arith.index_cast %get3A_123 : i32 to index
      %get3A_125 = arith.index_cast %mul3A_122 : i32 to index
      %get3A_126 = tpu.vector_load %arg6[%get3A_124, %get3A_125] {strides = array<i32>} : memref<16x640xf32, #tpu.memory_space<vmem>>, vector<16xf32>,
      %add3A_127 = arith.addf %add3A_120, %get3A_126 : vector<16xf32>
      %mul3A_128 = arith.constant 16 : i32
      %mul3A_129 = arith.muli %scan3A_30, %mul3A_128 : i32
      %get3A_130 = arith.constant 14 : i32
      %get3A_131 = arith.index_cast %get3A_130 : i32 to index
      %get3A_132 = arith.index_cast %mul3A_129 : i32 to index
      %get3A_133 = tpu.vector_load %arg6[%get3A_131, %get3A_132] {strides = array<i32>} : memref<16x640xf32, #tpu.memory_space<vmem>>, vector<16xf32>,
      %add3A_134 = arith.addf %add3A_127, %get3A_133 : vector<16xf32>
      %mul3A_135 = arith.constant 16 : i32
      %mul3A_136 = arith.muli %scan3A_30, %mul3A_135 : i32
      %get3A_137 = arith.constant 15 : i32
      %get3A_138 = arith.index_cast %get3A_137 : i32 to index
      %get3A_139 = arith.index_cast %mul3A_136 : i32 to index
      %get3A_140 = tpu.vector_load %arg6[%get3A_138, %get3A_139] {strides = array<i32>} : memref<16x640xf32, #tpu.memory_space<vmem>>, vector<16xf32>,
      %add3A_141 = arith.addf %add3A_134, %get3A_140 : vector<16xf32>
      %mul3A_142 = arith.constant 16 : i32
      %mul3A_143 = arith.muli %scan3A_30, %mul3A_142 : i32
      %swap3A = arith.constant 0 : i32
      %swap3A_144 = arith.index_cast %swap3A : i32 to index
      %swap3A_145 = arith.index_cast %mul3A_143 : i32 to index
      %swap3A_146 = tpu.vector_load %arg6[%swap3A_144, %swap3A_145] {strides = array<i32>} : memref<16x640xf32, #tpu.memory_space<vmem>>, vector<16xf32>,
      tpu.vector_store %arg6[%swap3A_144, %swap3A_145], %add3A_141 {strides = array<i32>} : memref<16x640xf32, #tpu.memory_space<vmem>>, vector<16xf32>,
      %scan3A_147 = arith.constant 0 : i32
      scf.yield %scan3A_147 : i32
    }
    %scan3A_27 = arith.constant 40 : i32
    %mul3A_28 = arith.constant 640 : i32
    %mul3A_29 = arith.muli %arg1, %mul3A_28 : i32
    %run_scoped3A = arith.constant 0 : i32
    "tpu.region"() ({
      %run_scoped3A_30 = tpu.sem_alloc : memref<!tpu.dma_semaphore, #tpu.memory_space<semaphore_mem>>
      %dma_start3A = arith.constant 0 : i32
      %dma_start3A_31 = tpu.memref_slice %arg6[%run_scoped3A, %dma_start3A] : memref<16x640xf32, #tpu.memory_space<vmem>> -> memref<1x640xf32, #tpu.memory_space<vmem>>
      %dma_start3A_32 = tpu.memref_squeeze %dma_start3A_31 : memref<1x640xf32, #tpu.memory_space<vmem>> -> memref<640xf32, #tpu.memory_space<vmem>>
      %dma_start3A_33 = tpu.memref_slice %arg3[%arg0, %mul3A_29] : memref<2x10240xf32, #tpu.memory_space<hbm>> -> memref<1x640xf32, #tpu.memory_space<hbm>>
      %dma_start3A_34 = tpu.memref_squeeze %dma_start3A_33 : memref<1x640xf32, #tpu.memory_space<hbm>> -> memref<640xf32, #tpu.memory_space<hbm>>
      %dma_start3A_35 = tpu.memref_slice %arg3[%arg0, %mul3A_29] : memref<2x10240xf32, #tpu.memory_space<hbm>> -> memref<1x640xf32, #tpu.memory_space<hbm>>
      %dma_start3A_36 = tpu.memref_squeeze %dma_start3A_35 : memref<1x640xf32, #tpu.memory_space<hbm>> -> memref<640xf32, #tpu.memory_space<hbm>>
      %dma_start3A_37 = arith.constant 0 : i32
      %dma_start3A_38 = tpu.memref_slice %arg6[%run_scoped3A, %dma_start3A_37] : memref<16x640xf32, #tpu.memory_space<vmem>> -> memref<1x640xf32, #tpu.memory_space<vmem>>
      %dma_start3A_39 = tpu.memref_squeeze %dma_start3A_38 : memref<1x640xf32, #tpu.memory_space<vmem>> -> memref<640xf32, #tpu.memory_space<vmem>>
      tpu.enqueue_dma source(%dma_start3A_39 : memref<640xf32, #tpu.memory_space<vmem>>) target(%dma_start3A_36 : memref<640xf32, #tpu.memory_space<hbm>>) target_semaphore(%run_scoped3A_30 : memref<!tpu.dma_semaphore, #tpu.memory_space<semaphore_mem>>)
      %dma_wait3A = arith.constant 0 : i32
      %dma_wait3A_40 = tpu.memref_slice %arg6[%run_scoped3A, %dma_wait3A] : memref<16x640xf32, #tpu.memory_space<vmem>> -> memref<1x640xf32, #tpu.memory_space<vmem>>
      %dma_wait3A_41 = tpu.memref_squeeze %dma_wait3A_40 : memref<1x640xf32, #tpu.memory_space<vmem>> -> memref<640xf32, #tpu.memory_space<vmem>>
      %dma_wait3A_42 = tpu.memref_slice %arg3[%arg0, %mul3A_29] : memref<2x10240xf32, #tpu.memory_space<hbm>> -> memref<1x640xf32, #tpu.memory_space<hbm>>
      %dma_wait3A_43 = tpu.memref_squeeze %dma_wait3A_42 : memref<1x640xf32, #tpu.memory_space<hbm>> -> memref<640xf32, #tpu.memory_space<hbm>>
      %dma_wait3A_44 = tpu.memref_slice %arg3[%arg0, %mul3A_29] : memref<2x10240xf32, #tpu.memory_space<hbm>> -> memref<1x640xf32, #tpu.memory_space<hbm>>
      %dma_wait3A_45 = tpu.memref_squeeze %dma_wait3A_44 : memref<1x640xf32, #tpu.memory_space<hbm>> -> memref<640xf32, #tpu.memory_space<hbm>>
      %dma_wait3A_46 = arith.constant 0 : i32
      %dma_wait3A_47 = tpu.memref_slice %arg6[%run_scoped3A, %dma_wait3A_46] : memref<16x640xf32, #tpu.memory_space<vmem>> -> memref<1x640xf32, #tpu.memory_space<vmem>>
      %dma_wait3A_48 = tpu.memref_squeeze %dma_wait3A_47 : memref<1x640xf32, #tpu.memory_space<vmem>> -> memref<640xf32, #tpu.memory_space<vmem>>
      tpu.wait_dma2 semaphore(%run_scoped3A_30 : memref<!tpu.dma_semaphore, #tpu.memory_space<semaphore_mem>>) src(%dma_wait3A_48 : memref<640xf32, #tpu.memory_space<vmem>>) dst(%dma_wait3A_45 : memref<640xf32, #tpu.memory_space<hbm>>)
      tpu.yield
    }) : () -> ()
    return
  }
}

module attributes {stable_mosaic.version = 14 : i64} {
  func.func @body(%arg0: memref<10000x256xf32, #tpu.memory_space<vmem>>, %arg1: memref<256x256xf32, #tpu.memory_space<vmem>>, %arg2: memref<1x256xf32, #tpu.memory_space<vmem>>, %arg3: memref<1x256xf32, #tpu.memory_space<vmem>>, %arg4: memref<1x256xf32, #tpu.memory_space<vmem>>, %arg5: memref<10240x2xf32, #tpu.memory_space<vmem>>, %arg6: memref<20480x128xf32, #tpu.memory_space<vmem>>) attributes {dimension_semantics = [], scalar_prefetch = 0 : i64, scratch_operands = 0 : i64, tpu.core_type = #tpu.core_type<tc>} {
    %get3A = arith.constant 0 : index
    %get3A_0 = arith.constant 0 : index
    %get3A_1 = vector.load %arg0[%get3A, %get3A_0] : memref<10000x256xf32, #tpu.memory_space<vmem>>, vector<10000x256xf32>
    %get3A_2 = arith.constant 0 : index
    %get3A_3 = arith.constant 0 : index
    %get3A_4 = vector.load %arg1[%get3A_2, %get3A_3] : memref<256x256xf32, #tpu.memory_space<vmem>>, vector<256x256xf32>
    %dot_general3A = arith.constant dense<0.000000e+00> : vector<10000x256xf32>
    %dot_general3A_5 = tpu.matmul %get3A_1, %get3A_4, %dot_general3A {dimension_numbers = #tpu.dot_dimension_numbers<[1], [1], [0], [0], [0, 0, 1, 0], [], []>, transpose_lhs_hint = false} : vector<10000x256xf32>, vector<256x256xf32>, vector<10000x256xf32> -> vector<10000x256xf32>
    %get3A_6 = arith.constant 0 : index
    %get3A_7 = arith.constant 0 : index
    %get3A_8 = vector.load %arg2[%get3A_6, %get3A_7] : memref<1x256xf32, #tpu.memory_space<vmem>>, vector<1x256xf32>
    %add3A = vector.broadcast %get3A_8 : vector<1x256xf32> to vector<10000x256xf32>
    %add3A_9 = arith.addf %dot_general3A_5, %add3A : vector<10000x256xf32>
    %reduce_sum3A = arith.constant dense<0.000000e+00> : vector<256xf32>
    %reduce_sum3A_10 = vector.multi_reduction <add>, %add3A_9, %reduce_sum3A [0] : vector<10000x256xf32> to vector<256xf32>
    %broadcast_in_dim3A = vector.shape_cast %reduce_sum3A_10 : vector<256xf32> to vector<1x256xf32>
    %div3A = arith.constant 1.000000e+04 : f32
    %div3A_11 = vector.broadcast %div3A : f32 to vector<1x256xf32>
    %div3A_12 = arith.divf %broadcast_in_dim3A, %div3A_11 : vector<1x256xf32>
    %mul3A = arith.mulf %add3A_9, %add3A_9 : vector<10000x256xf32>
    %reduce_sum3A_13 = arith.constant dense<0.000000e+00> : vector<256xf32>
    %reduce_sum3A_14 = vector.multi_reduction <add>, %mul3A, %reduce_sum3A_13 [0] : vector<10000x256xf32> to vector<256xf32>
    %broadcast_in_dim3A_15 = vector.shape_cast %reduce_sum3A_14 : vector<256xf32> to vector<1x256xf32>
    %div3A_16 = arith.constant 1.000000e+04 : f32
    %div3A_17 = vector.broadcast %div3A_16 : f32 to vector<1x256xf32>
    %div3A_18 = arith.divf %broadcast_in_dim3A_15, %div3A_17 : vector<1x256xf32>
    %mul3A_19 = arith.mulf %div3A_12, %div3A_12 : vector<1x256xf32>
    %sub3A = arith.subf %div3A_18, %mul3A_19 : vector<1x256xf32>
    %get3A_20 = arith.constant 0 : index
    %get3A_21 = arith.constant 0 : index
    %get3A_22 = vector.load %arg3[%get3A_20, %get3A_21] : memref<1x256xf32, #tpu.memory_space<vmem>>, vector<1x256xf32>
    %sub3A_23 = vector.broadcast %div3A_12 : vector<1x256xf32> to vector<10000x256xf32>
    %sub3A_24 = arith.subf %add3A_9, %sub3A_23 : vector<10000x256xf32>
    %mul3A_25 = vector.broadcast %get3A_22 : vector<1x256xf32> to vector<10000x256xf32>
    %mul3A_26 = arith.mulf %mul3A_25, %sub3A_24 : vector<10000x256xf32>
    %add3A_27 = arith.constant 9.99999974E-6 : f32
    %add3A_28 = vector.broadcast %add3A_27 : f32 to vector<1x256xf32>
    %add3A_29 = arith.addf %sub3A, %add3A_28 : vector<1x256xf32>
    %rsqrt3A = math.rsqrt %add3A_29 : vector<1x256xf32>
    %mul3A_30 = vector.broadcast %rsqrt3A : vector<1x256xf32> to vector<10000x256xf32>
    %mul3A_31 = arith.mulf %mul3A_26, %mul3A_30 : vector<10000x256xf32>
    %get3A_32 = arith.constant 0 : index
    %get3A_33 = arith.constant 0 : index
    %get3A_34 = vector.load %arg4[%get3A_32, %get3A_33] : memref<1x256xf32, #tpu.memory_space<vmem>>, vector<1x256xf32>
    %add3A_35 = vector.broadcast %get3A_34 : vector<1x256xf32> to vector<10000x256xf32>
    %add3A_36 = arith.addf %mul3A_31, %add3A_35 : vector<10000x256xf32>
    %get3A_37 = arith.constant 0 : index
    %get3A_38 = arith.constant 0 : index
    %get3A_39 = vector.load %arg5[%get3A_37, %get3A_38] : memref<10240x2xf32, #tpu.memory_space<vmem>>, vector<10000x1xf32>
    %get3A_40 = arith.constant 0 : index
    %get3A_41 = arith.constant 1 : index
    %get3A_42 = vector.load %arg5[%get3A_40, %get3A_41] : memref<10240x2xf32, #tpu.memory_space<vmem>>, vector<10000x1xf32>
    %add3A_43 = arith.addf %get3A_39, %get3A_42 : vector<10000x1xf32>
    %add3A_44 = arith.constant 1.000000e+00 : f32
    %add3A_45 = vector.broadcast %add3A_44 : f32 to vector<10000x1xf32>
    %add3A_46 = arith.addf %add3A_43, %add3A_45 : vector<10000x1xf32>
    %rsqrt3A_47 = math.rsqrt %add3A_46 : vector<10000x1xf32>
    %mul3A_48 = vector.broadcast %rsqrt3A_47 : vector<10000x1xf32> to vector<10000x256xf32>
    %mul3A_49 = arith.mulf %add3A_36, %mul3A_48 : vector<10000x256xf32>
    %slice3A = vector.extract_strided_slice %mul3A_49 {offsets = [0, 0], sizes = [10000, 128], strides = [1, 1]} : vector<10000x256xf32> to vector<10000x128xf32>
    %swap3A = arith.constant 0 : index
    %swap3A_50 = arith.constant 0 : index
    %swap3A_51 = vector.load %arg6[%swap3A, %swap3A_50] : memref<20480x128xf32, #tpu.memory_space<vmem>>, vector<10000x128xf32>
    tpu.vector_store %arg6[%swap3A, %swap3A_50], %slice3A {strides = array<i32>} : memref<20480x128xf32, #tpu.memory_space<vmem>>, vector<10000x128xf32>,
    %slice3A_52 = vector.extract_strided_slice %mul3A_49 {offsets = [0, 128], sizes = [10000, 128], strides = [1, 1]} : vector<10000x256xf32> to vector<10000x128xf32>
    %swap3A_53 = arith.constant 10240 : index
    %swap3A_54 = arith.constant 0 : index
    %swap3A_55 = vector.load %arg6[%swap3A_53, %swap3A_54] : memref<20480x128xf32, #tpu.memory_space<vmem>>, vector<10000x128xf32>
    tpu.vector_store %arg6[%swap3A_53, %swap3A_54], %slice3A_52 {strides = array<i32>} : memref<20480x128xf32, #tpu.memory_space<vmem>>, vector<10000x128xf32>,
    return
  }
}

module attributes {stable_mosaic.version = 14 : i64} {
  func.func @body(%arg0: i32, %arg1: memref<2x2000x128xf32, #tpu.memory_space<vmem>>, %arg2: memref<2000x2xf32, #tpu.memory_space<vmem>>, %arg3: memref<2000x256xf32, #tpu.memory_space<vmem>>) attributes {dimension_semantics = [#tpu.dimension_semantics<arbitrary>], iteration_bounds = array<i64: 5>, scalar_prefetch = 0 : i64, scratch_operands = 0 : i64, tpu.core_type = #tpu.core_type<tc>, window_params = [{transform_indices = @transform_0, window_bounds = array<i64: 2, 2000, 128>}, {transform_indices = @transform_1, window_bounds = array<i64: 2000, 2>}, {transform_indices = @transform_2, window_bounds = array<i64: 2000, 256>}]} {
    %get3A = arith.constant 0 : index
    %get3A_0 = arith.constant 0 : index
    %get3A_1 = vector.load %arg2[%get3A, %get3A_0] : memref<2000x2xf32, #tpu.memory_space<vmem>>, vector<2000x1xf32>
    %get3A_2 = arith.constant 0 : index
    %get3A_3 = arith.constant 1 : index
    %get3A_4 = vector.load %arg2[%get3A_2, %get3A_3] : memref<2000x2xf32, #tpu.memory_space<vmem>>, vector<2000x1xf32>
    %add3A = arith.addf %get3A_1, %get3A_4 : vector<2000x1xf32>
    %add3A_5 = arith.constant 1.000000e+00 : f32
    %add3A_6 = vector.broadcast %add3A_5 : f32 to vector<2000x1xf32>
    %add3A_7 = arith.addf %add3A, %add3A_6 : vector<2000x1xf32>
    %rsqrt3A = math.rsqrt %add3A_7 : vector<2000x1xf32>
    %get3A_8 = arith.constant 0 : index
    %get3A_9 = arith.constant 0 : index
    %get3A_10 = arith.constant 0 : index
    %get3A_11 = vector.load %arg1[%get3A_8, %get3A_9, %get3A_10] : memref<2x2000x128xf32, #tpu.memory_space<vmem>>, vector<1x2000x128xf32>
    %get3A_12 = vector.shape_cast %get3A_11 : vector<1x2000x128xf32> to vector<2000x128xf32>
    %mul3A = vector.broadcast %rsqrt3A : vector<2000x1xf32> to vector<2000x128xf32>
    %mul3A_13 = arith.mulf %get3A_12, %mul3A : vector<2000x128xf32>
    %max3A = arith.constant 0.000000e+00 : f32
    %max3A_14 = vector.broadcast %max3A : f32 to vector<2000x128xf32>
    %max3A_15 = arith.maximumf %mul3A_13, %max3A_14 : vector<2000x128xf32>
    %swap3A = arith.constant 0 : index
    %swap3A_16 = arith.constant 0 : index
    %swap3A_17 = vector.load %arg3[%swap3A, %swap3A_16] : memref<2000x256xf32, #tpu.memory_space<vmem>>, vector<2000x128xf32>
    tpu.vector_store %arg3[%swap3A, %swap3A_16], %max3A_15 {strides = array<i32>} : memref<2000x256xf32, #tpu.memory_space<vmem>>, vector<2000x128xf32>,
    %get3A_18 = arith.constant 1 : index
    %get3A_19 = arith.constant 0 : index
    %get3A_20 = arith.constant 0 : index
    %get3A_21 = vector.load %arg1[%get3A_18, %get3A_19, %get3A_20] : memref<2x2000x128xf32, #tpu.memory_space<vmem>>, vector<1x2000x128xf32>
    %get3A_22 = vector.shape_cast %get3A_21 : vector<1x2000x128xf32> to vector<2000x128xf32>
    %mul3A_23 = vector.broadcast %rsqrt3A : vector<2000x1xf32> to vector<2000x128xf32>
    %mul3A_24 = arith.mulf %get3A_22, %mul3A_23 : vector<2000x128xf32>
    %max3A_25 = arith.constant 0.000000e+00 : f32
    %max3A_26 = vector.broadcast %max3A_25 : f32 to vector<2000x128xf32>
    %max3A_27 = arith.maximumf %mul3A_24, %max3A_26 : vector<2000x128xf32>
    %swap3A_28 = arith.constant 0 : index
    %swap3A_29 = arith.constant 128 : index
    %swap3A_30 = vector.load %arg3[%swap3A_28, %swap3A_29] : memref<2000x256xf32, #tpu.memory_space<vmem>>, vector<2000x128xf32>
    tpu.vector_store %arg3[%swap3A_28, %swap3A_29], %max3A_27 {strides = array<i32>} : memref<2000x256xf32, #tpu.memory_space<vmem>>, vector<2000x128xf32>,
    return
  }
  func.func @transform_0(%arg0: i32) -> (i32, i32, i32) {
    %c0_i32 = arith.constant 0 : i32
    %c0_i32_0 = arith.constant 0 : i32
    %c0_i32_1 = arith.constant 0 : i32
    return %c0_i32, %arg0, %c0_i32_0 : i32, i32, i32
  }
  func.func @transform_1(%arg0: i32) -> (i32, i32) {
    %c0_i32 = arith.constant 0 : i32
    %c0_i32_0 = arith.constant 0 : i32
    return %arg0, %c0_i32 : i32, i32
  }
  func.func @transform_2(%arg0: i32) -> (i32, i32) {
    %c0_i32 = arith.constant 0 : i32
    %c0_i32_0 = arith.constant 0 : i32
    return %arg0, %c0_i32 : i32, i32
  }
}

</mosaic_0001>

<sc_bundles>
// kernel: kernel.6.cloned.1.call-start
scs
__scs_entry_jumppad:
0x0: {  	(pc) =	sbr.rel $0x88, $3  }
0x1: {  	(tag) =	ssettag $0x0;
	lr =	simm.s32 $0x1  }
0x2: {  	[smem:$0x3F9B] =	sst lr;
	_ =	strace $0xD0000000  }
0x3: {  	_ = 	snop  }
0x4: {  	_ = 	snop  }
0x5: {  	_ = 	snop  }
0x6: {  	_ = 	snop  }
0x7: {  	_ = 	snop  }
__scs_overlays_trampoline_lowered:
0x8: {  	[smem:$0x3FAA] =	sst s0  }
0x9: {  	[smem:$0x3FAB] =	sst s1  }
0xa: {  	[smem:$0x3FAC] =	sst s2  }
0xb: {  	[smem:$0x3FAD] =	sst s3  }
0xc: {  	[smem:$0x3FAE] =	sst s4  }
0xd: {  	[smem:$0x3FAF] =	sst s5  }
0xe: {  	[smem:$0x3FB0] =	sst s6  }
0xf: {  	[smem:$0x3FB1] =	sst s7  }
0x10: {  	[smem:$0x3FB2] =	sst s8  }
0x11: {  	[smem:$0x3FB3] =	sst s9;
	s0 =	simm.s32 @!p0 $0x0  }
0x12: {  	s1 =	sld [smem:$0x3F99];
	s0 =	simm.s32 @p0 $0x1  }
0x13: {  	[smem:$0x3FB4] =	sst s0;
	s0 =	simm.s32 @!p1 $0x0  }
0x14: {  	s2 =	sld [smem:$0x3F98];
	s0 =	simm.s32 @p1 $0x1  }
0x15: {  	[smem:$0x3FB5] =	sst s0;
	s0 =	simm.s32 @!p2 $0x0  }
0x16: {  	s3 =	sld [smem:$0x3FDB];
	s0 =	simm.s32 @p2 $0x1  }
0x17: {  	s4 =	simm.s32 $0x1BF5;
	[smem:$0x3FB7] =	sst s0  }
0x18: {  	s0 =	sld [smem:$0x3F9A];
	_ =	swait.ge [sflag:s4], $0x0  }
0x19: {  	s7 =	sld [smem:$0x3F9B]  }
0x1a: {  	s8 =	sadd.s32 $0xFFFFE003, lr  }
0x1b: {  	s9 =	sadd.s32 $0xFFFFFEF7, lr;
	s5 =	simm.s32 $0xFFFFFFFF;
	p2 =	slt.u32 s8, $0xFFFFF086  }
0x1c: {  	p1 =	slt.u32 s9, $0xF7A;
	s5 =	simm.s32 @!p2 $0x0  }
0x1d: {  	s5 =	simm.s32 @p1 $0x1;
	p0 =	seq.s32 s7, s2  }
0x1e: {  	s7 =	smul.u32 @!p0 $0xF7A, s2;
	p2 =	seq.s32 @!p0 s5, $0x0  }
0x1f: {  	s9 =	smul.u32 $0xF7A, s1;
	s8 =	simm.s32 @!p0 $0x1BF5;
	p2 =	por !p2, p0  }
0x20: {  	[sflag:s8] =	ssyncset.s32 @!p0 $0xFFFFF086;
	s6 =	sadd.s32 @!p0 s3, s7;
	s7 =	simm.s32 @!p0 $0x108  }
0x21: {  	s3 =	sadd.s32 s3, s9;
	s6 =	sadd.s32 @!p0 $0x88, s6;
	s7 =	simm.s32 @p2 $0x1082  }
0x22: {  	[simem:s7], [sflag:s8] =	dma.local @!p0 [hbm:s6], $0xF7A  }
0x23: {  	s9 =	sor.u32 $0xD0000000, s2;
	s6 =	simm.s32 $0x108;
	_ =	swait.ge @!p0 [sflag:s8], $0x0  }
0x24: {  	s3 =	sadd.s32 $0x88, s3;
	s6 =	simm.s32 @!p1 $0x1082;
	[sflag:s4] =	ssyncset.s32 $0xFFFFF086  }
0x25: {  	[simem:s6], [sflag:s4] =	dma.local [hbm:s3], $0xF7A  }
0x26: {  	[smem:$0x3F9B] =	sst s1;
	(tag) =	ssettag s2;
	_ =	strace s9  }
0x27: {  	s1 =	sld [smem:$0x3FAB]  }
0x28: {  	s2 =	sld [smem:$0x3FAC]  }
0x29: {  	s4 =	sld [smem:$0x3FAE]  }
0x2a: {  	p0 =	seq.s32 s5, $0x0;
	s5 =	sld [smem:$0x3FAF]  }
0x2b: {  	s6 =	sld [smem:$0x3FB0]  }
0x2c: {  	s7 =	sld [smem:$0x3FB1]  }
0x2d: {  	s3 =	simm.s32 $0x108;
	s8 =	sld [smem:$0x3FB2]  }
0x2e: {  	s3 =	simm.s32 @!p0 $0x1082;
	s9 =	sld [smem:$0x3FB3]  }
0x2f: {  	lr =	sadd.s32 s0, s3;
	s0 =	sld [smem:$0x3FAA]  }
0x30: {  	s3 =	sld [smem:$0x3FAD]  }
0x31: {  	[smem:$0x3FB6] =	sst s10  }
0x32: {  	s10 =	sld [smem:$0x3FB4];
	_ =	sdelay $0x3  }
0x33: {  	p0 =	seq.s32 s10, $0x1;
	s10 =	sld [smem:$0x3FB6];
	_ =	sdelay $0x3  }
0x34: {  	[smem:$0x3FB6] =	sst s10  }
0x35: {  	s10 =	sld [smem:$0x3FB5];
	_ =	sdelay $0x3  }
0x36: {  	p1 =	seq.s32 s10, $0x1;
	s10 =	sld [smem:$0x3FB6];
	_ =	sdelay $0x3  }
0x37: {  	[smem:$0x3FB6] =	sst s10  }
0x38: {  	s10 =	sld [smem:$0x3FB7]  }
0x39: {  	_ = 	snop;
	(pc) =	sbr.ind lr, $3  }
0x3a: {  	_ = 	snop  }
0x3b: {  	_ = 	snop  }
0x3c: {  	p2 =	seq.s32 s10, $0x1;
	s10 =	sld [smem:$0x3FB6]  }
0x3d: {  	_ =	shalt  }
0x3e: {  	_ =	shalt  }
0x3f: {  	_ =	shalt  }
0x40: {  	_ =	shalt  }
0x41: {  	_ =	shalt  }
0x42: {  	_ =	shalt  }
0x43: {  	_ =	shalt  }
0x44: {  	_ =	shalt  }
0x45: {  	_ =	shalt  }
0x46: {  	_ =	shalt  }
0x47: {  	_ =	shalt  }
0x48: {  	_ =	shalt  }
0x49: {  	_ =	shalt  }
0x4a: {  	_ =	shalt  }
0x4b: {  	_ =	shalt  }
0x4c: {  	_ =	shalt  }
0x4d: {  	_ =	shalt  }
0x4e: {  	_ =	shalt  }
0x4f: {  	_ =	shalt  }
0x50: {  	_ =	shalt  }
0x51: {  	_ =	shalt  }
0x52: {  	_ =	shalt  }
0x53: {  	_ =	shalt  }
0x54: {  	_ =	shalt  }
0x55: {  	_ =	shalt  }
0x56: {  	_ =	shalt  }
0x57: {  	_ =	shalt  }
0x58: {  	_ =	shalt  }
0x59: {  	_ =	shalt  }
0x5a: {  	_ =	shalt  }
0x5b: {  	_ =	shalt  }
0x5c: {  	_ =	shalt  }
0x5d: {  	_ =	shalt  }
0x5e: {  	_ =	shalt  }
0x5f: {  	_ =	shalt  }
0x60: {  	_ =	shalt  }
0x61: {  	_ =	shalt  }
0x62: {  	_ =	shalt  }
0x63: {  	_ =	shalt  }
0x64: {  	_ =	shalt  }
0x65: {  	_ =	shalt  }
0x66: {  	_ =	shalt  }
0x67: {  	_ =	shalt  }
0x68: {  	_ =	shalt  }
0x69: {  	_ =	shalt  }
0x6a: {  	_ =	shalt  }
0x6b: {  	_ =	shalt  }
0x6c: {  	_ =	shalt  }
0x6d: {  	_ =	shalt  }
0x6e: {  	_ =	shalt  }
0x6f: {  	_ =	shalt  }
0x70: {  	_ =	shalt  }
0x71: {  	_ =	shalt  }
0x72: {  	_ =	shalt  }
0x73: {  	_ =	shalt  }
0x74: {  	_ =	shalt  }
0x75: {  	_ =	shalt  }
0x76: {  	_ =	shalt  }
0x77: {  	_ =	shalt  }
0x78: {  	_ =	shalt  }
0x79: {  	_ =	shalt  }
0x7a: {  	_ =	shalt  }
0x7b: {  	_ =	shalt  }
0x7c: {  	_ =	shalt  }
0x7d: {  	_ =	shalt  }
0x7e: {  	_ =	shalt  }
0x7f: {  	_ =	shalt  }
0x80: {  	_ =	shalt  }
0x81: {  	_ =	shalt  }
0x82: {  	_ =	shalt  }
0x83: {  	_ =	shalt  }
0x84: {  	_ =	shalt  }
0x85: {  	_ =	shalt  }
0x86: {  	_ =	shalt  }
0x87: {  	_ =	shalt  }
.Lfunc_end0:
.L_simem_size_0:
called_computation_lowered:
.L_overlay_start_0:
0x88: {  	s2 =	sld [smem:$0x3FD9]  }
0x89: {  	s3 =	sld [smem:$0x3FFE];
	_ =	sdelay $0x1  }
0x8a: {  	s1 =	srdreg.scid  }
0x8b: {  	s0 =	sand.u32 $0x1, s1  }
0x8c: {  	s16 =	sshll.u32 s0, $0xA;
	s2 =	sadd.s32 s3, s2  }
0x8d: {  	s2 =	sadd.s32 s2, s16  }
0x8e: {  	[smem:$0x3FC2] =	sst s2  }
0x8f: {  	_ = 	snop  }
0x90: {  	(tm) =	ssettm $0x1  }
0x91: {  	s17 =	sld [smem:$0x3FFB];
	_ =	sdelay $0x3  }
0x92: {  	_ =	strace s17  }
0x93: {  	s2 =	sld [smem:$0x3FFC];
	_ =	sdelay $0x3  }
0x94: {  	_ =	strace s2  }
0x95: {  	s2 =	sld [smem:$0x3FFD];
	_ =	sdelay $0x3  }
0x96: {  	_ =	strace s2  }
0x97: {  	_ =	strace $0x8FFFFFFF  }
0x98: {  	s18 =	sld [smem:$0x3FDB];
	_ =	sdelay $0x1  }
0x99: {  	s19 =	simm.s32 $_scs_section_size  }
0x9a: {  	s4 =	simm.s32 $_size__tile_overlayer_lowered;
	s5 =	simm.s32 $_tile_overlayer_lowered  }
0x9b: {  	s22 =	simm.s32 $0x1BFF;
	s21 =	sshll.u32 s5, $0x1;
	s2 =	sadd.s32 s19, s18  }
0x9c: {  	s6 =	simm.s32 $0x0;
	s20 =	sshll.u32 s4, $0x1;
	s4 =	sadd.s32 s21, s2  }
0x9d: {  	[timem:s6], [sflag:s22] =	dma.local [hbm:s4], s20  }
0x9e: {  	_ =	swait.ge [sflag:s22], s20  }
0x9f: {  	s3 =	ssub.s32 $0x0, s20;
	[sflag:s22] =	ssyncset.done $0x0  }
0xa0: {  	[sflag:s22] =	ssyncadd.s32 s3;
	_ =	sdelay $0x1  }
0xa1: {  	s23 =	simm.s32 $0x1B8B  }
0xa2: {  	_ =	swait.ge [sflag:s23], $0x1  }
0xa3: {  	[sflag:s23] =	ssyncset.done $0x0  }
0xa4: {  	s25 =	simm.s32 $0x1B8E;
	s24 =	sld [smem:$0x3FFE];
	[sflag:s23] =	ssyncadd.s32 $0xFFFFFFFF  }
0xa5: {  	s26 =	simm.s32 $execute0_lowered;
	[smem:$0x3FD2] =	sst s25  }
0xa6: {  	s4 =	sshll.u32 s26, $0x1;
	_ =	strace $0x80000046;
	[dreg:$0x1] =	wrdreg $0xFFFFFFFF  }
0xa7: {  	s28 =	simm.s32 $_size_execute0_lowered;
	s2 =	sadd.s32 s2, s4;
	[dreg:$0x0] =	wrdreg $0x0  }
0xa8: {  	s4 =	sshll.u32 s28, $0x1;
	[dreg:$0x2] =	wrdreg s2  }
0xa9: {  	[dreg:$0x3] =	wrdreg s4  }
0xaa: {  	[dreg:$0x4] =	wrdreg $0xC0  }
0xab: {  	_ =	task [dreg:s6], $0x5FFFF  }
0xac: {  	[dreg:$0x1] =	wrdreg $0xFFFFFFFF  }
0xad: {  	[dreg:$0x0] =	wrdreg $0x60  }
0xae: {  	[dreg:$0x2] =	wrdreg s24  }
0xaf: {  	[dreg:$0x3] =	wrdreg $0x64000  }
0xb0: {  	[dreg:$0x4] =	wrdreg $0x9  }
0xb1: {  	_ =	task.clear_ibuf [dreg:s6], $0x5FFFF;
	_ =	strace $0x90000046  }
0xb2: {  	s29 =	simm.s32 $0x9;
	_ =	strace $0x80000048  }
0xb3: {  	_ =	swait.ge [sflag:s29], $0x1  }
0xb4: {  	[sflag:s29] =	ssyncadd.s32 $0xFFFFFFFF  }
0xb5: {  	_ =	strace $0x90000048  }
0xb6: {  	_ =	sfence  }
0xb7: {  	s30 =	sld [smem:$0x0];
	_ =	sdelay $0x2  }
0xb8: {  	s31 =	sshll.u32 s1, $0xD;
	s1 =	sshrl.u32 s1, $0x2  }
0xb9: {  	s3 =	sand.u32 $0x4000, s31;
	s1 =	sadd.s32 s1, s30  }
0xba: {  	s0 =	sor.u32 s3, s0;
	s1 =	sshll.u32 s1, $0x11  }
0xbb: {  	s0 =	sor.u32 s1, s0  }
0xbc: {  	s0 =	sadd.s32 $0x8F2B, s0  }
0xbd: {  	[sflag:s0] =	ssyncadd.remote.s32 $0x1  }
0xbe: {  	_ =	sfence.sel $0xFFFF  }
0xbf: {  	[dreg:$0x0] =	wrdreg $0xFFFFFFFF;
	(pc) =	sbr.abs _section_cstart, $3  }
0xc0: {  	[dreg:$0x1] =	wrdreg $0xFFFFFFFF  }
0xc1: {  	_ =	task.clear_ibuf [dreg:s6], $0x2FFFF;
	_ =	strace $0x9FFFFFFF  }
0xc2: {  	(tm) =	ssettm $0x7FFFFFFF  }
0xc3: {  	_ =	shalt  }
tec
execute0_lowered:
.L_overlay_start_1:
0x0: {  	(tag) =	ssettag $0x1  }
0x1: {  	s5 =	rddreg [dreg:$0x0]  }
0x2: {  	s7 =	rddreg [dreg:$0x1]  }
0x3: {  	s0 =	srdreg.scid;
	s1 =	rddreg [dreg:$0x2]  }
0x4: {  	s2 =	simm.s32 $0x0;
	s10 =	simm.s32 $0x80;
	s11 =	simm.s32 $0x400  }
0x5: {  	s12 =	simm.s32 $0x14000;
	s13 =	simm.s32 $0x3C00;
	s15 =	simm.s32 $0x4000  }
0x6: {  	s17 =	simm.s32 $0x4400;
	s19 =	simm.s32 $0x4800;
	s3 =	sand.u32 $0x1, s0  }
0x7: {  	s20 =	simm.s32 $0x4C00;
	s0 =	stileid.u32;
	s4 =	smul.u32 $0x13880, s3  }
0x8: {  	s21 =	simm.s32 $0x0;
	[smem:$0x7FF] =	sst s2;
	s6 =	smul.u32 $0x1388, s0  }
0x9: {  	s28 =	smul.u32 $0x500, s0;
	_ =	strace $0x80000047;
	s8 =	sshll.u32 s3, $0x7  }
0xa: {  	s3 =	ssub.s32 $0x2, s3;
	s29 =	sshrl.u32 s0, $0x3;
	s30 =	smul.u32 $0x5000, s0  }
0xb: {  	s31 =	sshll.u32 s0, $0x7;
	s9 =	sshrl.u32 s3, $0x1;
	s4 =	sadd.s32 s6, s4  }
0xc: {  	s6 =	sor.u32 s8, s28;
	s8 =	smul.u32 $0x50000, s29;
	s4 =	sshrl.u32 s4, $0x3  }
0xd: {  	s9 =	ssub.s32 s3, s9;
	s6 =	sshrl.u32 s6, $0x3;
	s4 =	sadd.s32 s4, s5  }
0xe: {  	s6 =	sadd.s32 s6, s5;
	s8 =	sshrl.u32 s8, $0x2;
	s5 =	sshrl.u32 s30, $0x2  }
0xf: {  	s3 =	sadd.s32 $0xC00, s4;
	s4 =	sand.u32 $0x380, s31;
	s8 =	sadd.s32 s8, s7  }
0x10: {  	s5 =	sadd.s32 s5, s7;
	s6 =	sadd.s32 $0x5C00, s6;
	s7 =	smax.u32 s9, $0x1  }
0x11: {  	s9 =	simm.s32 $0x1400;
	s4 =	sadd.s32 s4, s8;
	s8 =	simm.s32 $0x1  }
0x12: {  	v0 =	vimm.f32 $0.0e+00;
	v1 =	vimm.f32 $1.000000000e+00;
	s14 =	sadd.s32 $0x20, s6;
	s16 =	sadd.s32 $0x40, s6;
	s18 =	sadd.s32 $0x60, s6  }
.LBB2_1:
0x13: {  	[tilespmem:s2], [sflag:$0x1] =	stream.linear.gather [hbm4b:s3+s2], $0x1388, $0x38;
	[tilespmem:$0x8C00] =	vst v63  }
0x14: {  	_ =	swait.ge [sflag:s8], $0x1388  }
0x15: {  	[sflag:s8] =	ssyncset.done $0x0  }
0x16: {  	s22 =	simm.s32 $0x1440;
	[sflag:s8] =	ssyncadd.s32 $0xFFFFEC78  }
0x17: {  	[tilespmem:s22+$0xFFFFFFC0] =	vst v0  }
0x18: {  	[tilespmem:s22+$0x30] =	vst v0  }
0x19: {  	[tilespmem:s22+$0x20] =	vst v0  }
0x1a: {  	[tilespmem:s22+$0x10] =	vst v0  }
0x1b: {  	[tilespmem:s22+$0x0] =	vst v0  }
0x1c: {  	[tilespmem:s22+$0xFFFFFFF0] =	vst v0  }
0x1d: {  	s23 =	simm.s32 $0x0;
	[tilespmem:s22+$0xFFFFFFE0] =	vst v0  }
.LBB2_2:
0x1e: {  	s23 =	sadd.s32 $0x8, s23;
	[tilespmem:s22+$0xFFFFFFD0] =	vst v0;
	s22 =	sadd.s32 $0x80, s22  }
0x1f: {  	[tilespmem:s22+$0xFFFFFFC0] =	vst v0;
	p0 =	slt.u32 s23, $0x278  }
0x20: {  	[tilespmem:s22+$0x30] =	vst v0  }
.Ltmp0:
0x21: {  	[tilespmem:s22+$0x20] =	vst v0;
	(pc) =	sbr.rel @p0 .LBB2_2-.Ltmp0, $4  }
0x22: {  	[tilespmem:s22+$0x10] =	vst v0  }
0x23: {  	[tilespmem:s22+$0x0] =	vst v0  }
0x24: {  	[tilespmem:s22+$0xFFFFFFF0] =	vst v0  }
0x25: {  	[tilespmem:s22+$0xFFFFFFE0] =	vst v0  }
0x26: {  	[tilespmem:s22+$0xFFFFFFD0] =	vst v0;
	s23 =	simm.s32 $0x0;
	s22 =	simm.s32 $0x40  }
.LBB2_4:
0x27: {  	p0 =	sne.s32 s22, $0x4DC0;
	v2 =	vld [tilespmem:s23+$0x0];
	_ =	sdelay $0x3  }
.Ltmp1:
0x28: {  	(pc) =	sbr.rel @p0 .LBB2_4-.Ltmp1, $2  }
0x29: {  	_ =	sdelay $0x2  }
0x2a: {  	s23 =	sshra.s32 s22, $0x2;
	s22 =	sadd.s32 $0x40, s22;
	[tilespmem:v2+s9+$0x0] =	vst.idx.add.f32.msk $0xffff, v1  }
0x2b: {  	v2 =	vld [tilespmem:s23+$0x0];
	_ =	sdelay $0x7  }
0x2c: {  	[tilespmem:v2+s9+$0x0] =	vst.idx.add.f32.msk $0xffff, v1  }
0x2d: {  	v2 =	vld [tilespmem:$0x1380];
	_ =	sdelay $0x7  }
0x2e: {  	[tilespmem:v2+s9+$0x0] =	vst.idx.add.f32.msk $0xff, v1  }
0x2f: {  	[spmem:s4] =	stream.strided.scatter [tilespmem:s9], [sflag:$0x1], $0x2800, s11, s10, $0x38;
	[tilespmem:$0x8C00] =	vst v63  }
0x30: {  	_ =	swait.ge [sflag:s8], $0x2800  }
0x31: {  	[sflag:s8] =	ssyncset.done $0x0  }
0x32: {  	[sflag:s8] =	ssyncadd.s32 $0xFFFFD800  }
0x33: {  	[bflag:$0x0] =	sbarrier.arrive $0xFFFF  }
0x34: {  	[tilespmem:s13], [sflag:$0x1] =	stream.strided.gather [spmem:s5], $0x2800, s12, s9, $0x38;
	[tilespmem:$0x8C00] =	vst v63  }
0x35: {  	s31 =	simm.s32 $0x0;
	_ =	swait.ge [sflag:s8], $0x2800  }
0x36: {  	s22 =	sand.u32 $0x70, s31;
	s24 =	sand.u32 $0x1C00, s31;
	[sflag:s8] =	ssyncset.done $0x0  }
0x37: {  	s22 =	sor.u32 s22, s24;
	[sflag:s8] =	ssyncadd.s32 $0xFFFFD800  }
0x38: {  	v2 =	vld [tilespmem:s22+$0x3C80]  }
0x39: {  	v3 =	vld [tilespmem:s22+$0x3C00];
	_ =	sdelay $0x1  }
0x3a: {  	v4 =	vld [tilespmem:s22+$0x3D00];
	_ =	sdelay $0x1  }
0x3b: {  	v5 =	vld [tilespmem:s22+$0x3D80]  }
0x3c: {  	v2 =	vadd.f32 v2, v3  }
0x3d: {  	v3 =	vld [tilespmem:s22+$0x3E00]  }
0x3e: {  	v2 =	vadd.f32 v4, v2  }
0x3f: {  	v56 =	vld [tilespmem:s22+$0x3E80]  }
0x40: {  	v2 =	vadd.f32 v5, v2  }
0x41: {  	s23 =	sor.u32 s31, s31;
	v57 =	vld [tilespmem:s22+$0x3F00]  }
0x42: {  	s23 =	sor.u32 $0x380, s23;
	v2 =	vadd.f32 v3, v2  }
0x43: {  	v3 =	vld [tilespmem:s23+$0x3C00]  }
0x44: {  	v2 =	vadd.f32 v56, v2  }
0x45: {  	v58 =	vld [tilespmem:s22+$0x5000]  }
0x46: {  	v2 =	vadd.f32 v57, v2  }
0x47: {  	v59 =	vld [tilespmem:s22+$0x5080]  }
0x48: {  	v2 =	vadd.f32 v3, v2  }
0x49: {  	v3 =	vld [tilespmem:s22+$0x5100]  }
0x4a: {  	v2 =	vadd.f32 v58, v2  }
0x4b: {  	v60 =	vld [tilespmem:s22+$0x5180]  }
0x4c: {  	v2 =	vadd.f32 v59, v2  }
0x4d: {  	v61 =	vld [tilespmem:s22+$0x5200]  }
0x4e: {  	v2 =	vadd.f32 v3, v2  }
0x4f: {  	v3 =	vld [tilespmem:s22+$0x5280]  }
0x50: {  	v2 =	vadd.f32 v60, v2  }
0x51: {  	v62 =	vld [tilespmem:s22+$0x5300]  }
0x52: {  	v2 =	vadd.f32 v61, v2  }
0x53: {  	v63 =	vld [tilespmem:s22+$0x5380]  }
0x54: {  	v2 =	vadd.f32 v3, v2;
	_ =	sdelay $0x1  }
0x55: {  	v2 =	vadd.f32 v62, v2  }
0x56: {  	s24 =	simm.s32 $0x80;
	s23 =	simm.s32 $0x10  }
0x57: {  	s26 =	sand.u32 $0x1C00, s24;
	s25 =	sand.u32 $0x70, s23;
	v2 =	vadd.f32 v63, v2  }
0x58: {  	s26 =	sor.u32 s25, s26;
	s25 =	simm.s32 $0x20  }
.LBB2_6:
0x59: {  	p0 =	sne.s32 s25, $0x270;
	v3 =	vld [tilespmem:s26+$0x3C80];
	[tilespmem:s22+$0x3C00] =	vst v2;
	s22 =	smov.u32 s26  }
0x5a: {  	v2 =	vld [tilespmem:s22+$0x3C00];
	_ =	sdelay $0x1  }
0x5b: {  	v4 =	vld [tilespmem:s22+$0x3D00];
	_ =	sdelay $0x1  }
0x5c: {  	v5 =	vld [tilespmem:s22+$0x3D80]  }
0x5d: {  	v2 =	vadd.f32 v3, v2  }
0x5e: {  	v3 =	vld [tilespmem:s22+$0x3E00]  }
0x5f: {  	v2 =	vadd.f32 v4, v2  }
0x60: {  	v4 =	vld [tilespmem:s22+$0x3E80]  }
0x61: {  	v2 =	vadd.f32 v5, v2  }
0x62: {  	s26 =	sor.u32 s24, s23;
	s23 =	smov.u32 s25;
	v5 =	vld [tilespmem:s22+$0x3F00]  }
0x63: {  	s26 =	sor.u32 $0x380, s26;
	v2 =	vadd.f32 v3, v2  }
0x64: {  	v3 =	vld [tilespmem:s26+$0x3C00]  }
0x65: {  	v2 =	vadd.f32 v4, v2  }
0x66: {  	v4 =	vld [tilespmem:s22+$0x5000]  }
0x67: {  	v2 =	vadd.f32 v5, v2  }
0x68: {  	v5 =	vld [tilespmem:s22+$0x5080]  }
0x69: {  	v2 =	vadd.f32 v3, v2  }
0x6a: {  	v3 =	vld [tilespmem:s22+$0x5100]  }
0x6b: {  	v2 =	vadd.f32 v4, v2  }
0x6c: {  	v4 =	vld [tilespmem:s22+$0x5180]  }
0x6d: {  	v2 =	vadd.f32 v5, v2  }
0x6e: {  	v5 =	vld [tilespmem:s22+$0x5200]  }
0x6f: {  	v2 =	vadd.f32 v3, v2  }
0x70: {  	v3 =	vld [tilespmem:s22+$0x5280]  }
0x71: {  	v2 =	vadd.f32 v4, v2  }
0x72: {  	v4 =	vld [tilespmem:s22+$0x5300]  }
0x73: {  	v2 =	vadd.f32 v5, v2  }
0x74: {  	v5 =	vld [tilespmem:s22+$0x5380]  }
0x75: {  	v2 =	vadd.f32 v3, v2  }
.Ltmp2:
0x76: {  	(pc) =	sbr.rel @p0 .LBB2_6-.Ltmp2, $4  }
0x77: {  	v2 =	vadd.f32 v4, v2  }
0x78: {  	s24 =	sadd.s32 $0x80, s24  }
0x79: {  	s28 =	sand.u32 $0x1C00, s24;
	s26 =	sand.u32 $0x70, s25;
	v2 =	vadd.f32 v5, v2  }
0x7a: {  	s25 =	sadd.s32 $0x10, s25;
	s26 =	sor.u32 s26, s28  }
0x7b: {  	v3 =	vld [tilespmem:s26+$0x3C80];
	[tilespmem:s22+$0x3C00] =	vst v2  }
0x7c: {  	v2 =	vld [tilespmem:s26+$0x3C00];
	_ =	sdelay $0x1  }
0x7d: {  	v4 =	vld [tilespmem:s26+$0x3D00];
	_ =	sdelay $0x1  }
0x7e: {  	v5 =	vld [tilespmem:s26+$0x3D80]  }
0x7f: {  	v2 =	vadd.f32 v3, v2  }
0x80: {  	v3 =	vld [tilespmem:s26+$0x3E00]  }
0x81: {  	v2 =	vadd.f32 v4, v2  }
0x82: {  	v56 =	vld [tilespmem:s26+$0x3E80]  }
0x83: {  	v2 =	vadd.f32 v5, v2  }
0x84: {  	v57 =	vld [tilespmem:s26+$0x3F00];
	s30 =	sor.u32 s24, s23  }
0x85: {  	s22 =	sor.u32 $0x380, s30;
	v2 =	vadd.f32 v3, v2  }
0x86: {  	v3 =	vld [tilespmem:s22+$0x3C00]  }
0x87: {  	v2 =	vadd.f32 v56, v2  }
0x88: {  	v58 =	vld [tilespmem:s26+$0x5000]  }
0x89: {  	v2 =	vadd.f32 v57, v2  }
0x8a: {  	v59 =	vld [tilespmem:s26+$0x5080]  }
0x8b: {  	v2 =	vadd.f32 v3, v2  }
0x8c: {  	v3 =	vld [tilespmem:s26+$0x5100]  }
0x8d: {  	v2 =	vadd.f32 v58, v2  }
0x8e: {  	v60 =	vld [tilespmem:s26+$0x5180]  }
0x8f: {  	v2 =	vadd.f32 v59, v2  }
0x90: {  	v61 =	vld [tilespmem:s26+$0x5200]  }
0x91: {  	v2 =	vadd.f32 v3, v2  }
0x92: {  	v3 =	vld [tilespmem:s26+$0x5280]  }
0x93: {  	v2 =	vadd.f32 v60, v2  }
0x94: {  	v62 =	vld [tilespmem:s26+$0x5300]  }
0x95: {  	v2 =	vadd.f32 v61, v2  }
0x96: {  	v63 =	vld [tilespmem:s26+$0x5380]  }
0x97: {  	v2 =	vadd.f32 v3, v2;
	_ =	sdelay $0x1  }
0x98: {  	v2 =	vadd.f32 v62, v2;
	_ =	sdelay $0x1  }
0x99: {  	v2 =	vadd.f32 v63, v2;
	_ =	sdelay $0x1  }
0x9a: {  	[tilespmem:s26+$0x3C00] =	vst v2  }
0x9b: {  	[hbm4b:s6+s2] =	stream.linear.scatter [tilespmem:s13], [sflag:$0x1], $0x80, $0x38;
	[tilespmem:$0x8C00] =	vst v63  }
0x9c: {  	_ = 	snop  }
0x9d: {  	[hbm4b:s14+s2] =	stream.linear.scatter [tilespmem:s15], [sflag:$0x1], $0x80, $0x38;
	[tilespmem:$0x8C00] =	vst v63  }
0x9e: {  	s21 =	sadd.s32 $0x1, s21  }
0x9f: {  	[hbm4b:s16+s2] =	stream.linear.scatter [tilespmem:s17], [sflag:$0x1], $0x80, $0x38;
	[tilespmem:$0x8C00] =	vst v63  }
0xa0: {  	p0 =	sne.s32 s21, s7  }
0xa1: {  	[hbm4b:s18+s2] =	stream.linear.scatter [tilespmem:s19], [sflag:$0x1], $0x80, $0x38;
	[tilespmem:$0x8C00] =	vst v63  }
.Ltmp3:
0xa2: {  	s31 =	sadd.s32 $0x80, s6;
	(pc) =	sbr.rel @p0 .LBB2_1-.Ltmp3, $4  }
0xa3: {  	[hbm4b:s31+s2] =	stream.linear.scatter [tilespmem:s20], [sflag:$0x1], $0x80, $0x38;
	[tilespmem:$0x8C00] =	vst v63  }
0xa4: {  	_ =	swait.ge [sflag:s8], $0x280  }
0xa5: {  	[sflag:s8] =	ssyncset.done $0x0  }
0xa6: {  	[sflag:s8] =	ssyncadd.s32 $0xFFFFFD80  }
0xa7: {  	_ =	sfence.sel $0x180000  }
0xa8: {  	[bflag:$0x0] =	sbarrier.arrive $0xFFFF  }
0xa9: {  	p0 =	sne.s32 s0, $0x0;
	_ =	strace $0x90000047  }
0xaa: {  	s0 =	sadd.s32 @!p0 $0x100000, s1;
	[bflag:$0x2] =	sbarrier.arrive $0xFFFF  }
0xab: {  	[sflag:s0] =	ssyncadd.tile.s32 @!p0 $0x1;
	_ =	shalt  }
.Lfunc_end2:
_tile_overlayer_lowered:
.L_overlay_start_2:
0xac: {  	(tag) =	ssettag $0x2  }
0xad: {  	s0 =	rddreg [dreg:$0x0];
	s2 =	stileid.u32  }
0xae: {  	s1 =	rddreg [dreg:$0x1];
	p0 =	sne.s32 s2, $0x0  }
0xaf: {  	s3 =	rddreg [dreg:$0x2];
	[bflag:$0x3] =	sbarrier.arrive $0xFFFF;
	s2 =	simm.s32 @!p0 $0x1C01  }
0xb0: {  	[timem:s3], [sflag:s2] =	dma.local @!p0 [hbm:s0], s1  }
0xb1: {  	s0 =	simm.s32 @!p0 $0x1  }
0xb2: {  	_ =	swait.ge @!p0 [sflag:s0], s1  }
0xb3: {  	s1 =	ssub.s32 @!p0 $0x0, s1;
	[sflag:s0] =	ssyncset.done @!p0 $0x0  }
0xb4: {  	[sflag:s0] =	ssyncadd.s32 @!p0 s1  }
0xb5: {  	[bflag:$0x3] =	sbarrier.arrive $0xFFFF  }
0xb6: {  	_ =	shalt  }

// kernel: kernel.9.cloned.1.call-start
scs
__scs_entry_jumppad:
0x0: {  	(pc) =	sbr.rel $0x88, $3  }
0x1: {  	(tag) =	ssettag $0x0;
	lr =	simm.s32 $0x1  }
0x2: {  	[smem:$0x3F9B] =	sst lr;
	_ =	strace $0xD0000000  }
0x3: {  	_ = 	snop  }
0x4: {  	_ = 	snop  }
0x5: {  	_ = 	snop  }
0x6: {  	_ = 	snop  }
0x7: {  	_ = 	snop  }
__scs_overlays_trampoline_lowered:
0x8: {  	[smem:$0x3FAA] =	sst s0  }
0x9: {  	[smem:$0x3FAB] =	sst s1  }
0xa: {  	[smem:$0x3FAC] =	sst s2  }
0xb: {  	[smem:$0x3FAD] =	sst s3  }
0xc: {  	[smem:$0x3FAE] =	sst s4  }
0xd: {  	[smem:$0x3FAF] =	sst s5  }
0xe: {  	[smem:$0x3FB0] =	sst s6  }
0xf: {  	[smem:$0x3FB1] =	sst s7  }
0x10: {  	[smem:$0x3FB2] =	sst s8  }
0x11: {  	[smem:$0x3FB3] =	sst s9;
	s0 =	simm.s32 @!p0 $0x0  }
0x12: {  	s1 =	sld [smem:$0x3F99];
	s0 =	simm.s32 @p0 $0x1  }
0x13: {  	[smem:$0x3FB4] =	sst s0;
	s0 =	simm.s32 @!p1 $0x0  }
0x14: {  	s2 =	sld [smem:$0x3F98];
	s0 =	simm.s32 @p1 $0x1  }
0x15: {  	[smem:$0x3FB5] =	sst s0;
	s0 =	simm.s32 @!p2 $0x0  }
0x16: {  	s3 =	sld [smem:$0x3FDB];
	s0 =	simm.s32 @p2 $0x1  }
0x17: {  	s4 =	simm.s32 $0x1BF5;
	[smem:$0x3FB7] =	sst s0  }
0x18: {  	s0 =	sld [smem:$0x3F9A];
	_ =	swait.ge [sflag:s4], $0x0  }
0x19: {  	s7 =	sld [smem:$0x3F9B]  }
0x1a: {  	s8 =	sadd.s32 $0xFFFFE003, lr  }
0x1b: {  	s9 =	sadd.s32 $0xFFFFFEF7, lr;
	s5 =	simm.s32 $0xFFFFFFFF;
	p2 =	slt.u32 s8, $0xFFFFF086  }
0x1c: {  	p1 =	slt.u32 s9, $0xF7A;
	s5 =	simm.s32 @!p2 $0x0  }
0x1d: {  	s5 =	simm.s32 @p1 $0x1;
	p0 =	seq.s32 s7, s2  }
0x1e: {  	s7 =	smul.u32 @!p0 $0xF7A, s2;
	p2 =	seq.s32 @!p0 s5, $0x0  }
0x1f: {  	s9 =	smul.u32 $0xF7A, s1;
	s8 =	simm.s32 @!p0 $0x1BF5;
	p2 =	por !p2, p0  }
0x20: {  	[sflag:s8] =	ssyncset.s32 @!p0 $0xFFFFF086;
	s6 =	sadd.s32 @!p0 s3, s7;
	s7 =	simm.s32 @!p0 $0x108  }
0x21: {  	s3 =	sadd.s32 s3, s9;
	s6 =	sadd.s32 @!p0 $0x88, s6;
	s7 =	simm.s32 @p2 $0x1082  }
0x22: {  	[simem:s7], [sflag:s8] =	dma.local @!p0 [hbm:s6], $0xF7A  }
0x23: {  	s9 =	sor.u32 $0xD0000000, s2;
	s6 =	simm.s32 $0x108;
	_ =	swait.ge @!p0 [sflag:s8], $0x0  }
0x24: {  	s3 =	sadd.s32 $0x88, s3;
	s6 =	simm.s32 @!p1 $0x1082;
	[sflag:s4] =	ssyncset.s32 $0xFFFFF086  }
0x25: {  	[simem:s6], [sflag:s4] =	dma.local [hbm:s3], $0xF7A  }
0x26: {  	[smem:$0x3F9B] =	sst s1;
	(tag) =	ssettag s2;
	_ =	strace s9  }
0x27: {  	s1 =	sld [smem:$0x3FAB]  }
0x28: {  	s2 =	sld [smem:$0x3FAC]  }
0x29: {  	s4 =	sld [smem:$0x3FAE]  }
0x2a: {  	p0 =	seq.s32 s5, $0x0;
	s5 =	sld [smem:$0x3FAF]  }
0x2b: {  	s6 =	sld [smem:$0x3FB0]  }
0x2c: {  	s7 =	sld [smem:$0x3FB1]  }
0x2d: {  	s3 =	simm.s32 $0x108;
	s8 =	sld [smem:$0x3FB2]  }
0x2e: {  	s3 =	simm.s32 @!p0 $0x1082;
	s9 =	sld [smem:$0x3FB3]  }
0x2f: {  	lr =	sadd.s32 s0, s3;
	s0 =	sld [smem:$0x3FAA]  }
0x30: {  	s3 =	sld [smem:$0x3FAD]  }
0x31: {  	[smem:$0x3FB6] =	sst s10  }
0x32: {  	s10 =	sld [smem:$0x3FB4];
	_ =	sdelay $0x3  }
0x33: {  	p0 =	seq.s32 s10, $0x1;
	s10 =	sld [smem:$0x3FB6];
	_ =	sdelay $0x3  }
0x34: {  	[smem:$0x3FB6] =	sst s10  }
0x35: {  	s10 =	sld [smem:$0x3FB5];
	_ =	sdelay $0x3  }
0x36: {  	p1 =	seq.s32 s10, $0x1;
	s10 =	sld [smem:$0x3FB6];
	_ =	sdelay $0x3  }
0x37: {  	[smem:$0x3FB6] =	sst s10  }
0x38: {  	s10 =	sld [smem:$0x3FB7]  }
0x39: {  	_ = 	snop;
	(pc) =	sbr.ind lr, $3  }
0x3a: {  	_ = 	snop  }
0x3b: {  	_ = 	snop  }
0x3c: {  	p2 =	seq.s32 s10, $0x1;
	s10 =	sld [smem:$0x3FB6]  }
0x3d: {  	_ =	shalt  }
0x3e: {  	_ =	shalt  }
0x3f: {  	_ =	shalt  }
0x40: {  	_ =	shalt  }
0x41: {  	_ =	shalt  }
0x42: {  	_ =	shalt  }
0x43: {  	_ =	shalt  }
0x44: {  	_ =	shalt  }
0x45: {  	_ =	shalt  }
0x46: {  	_ =	shalt  }
0x47: {  	_ =	shalt  }
0x48: {  	_ =	shalt  }
0x49: {  	_ =	shalt  }
0x4a: {  	_ =	shalt  }
0x4b: {  	_ =	shalt  }
0x4c: {  	_ =	shalt  }
0x4d: {  	_ =	shalt  }
0x4e: {  	_ =	shalt  }
0x4f: {  	_ =	shalt  }
0x50: {  	_ =	shalt  }
0x51: {  	_ =	shalt  }
0x52: {  	_ =	shalt  }
0x53: {  	_ =	shalt  }
0x54: {  	_ =	shalt  }
0x55: {  	_ =	shalt  }
0x56: {  	_ =	shalt  }
0x57: {  	_ =	shalt  }
0x58: {  	_ =	shalt  }
0x59: {  	_ =	shalt  }
0x5a: {  	_ =	shalt  }
0x5b: {  	_ =	shalt  }
0x5c: {  	_ =	shalt  }
0x5d: {  	_ =	shalt  }
0x5e: {  	_ =	shalt  }
0x5f: {  	_ =	shalt  }
0x60: {  	_ =	shalt  }
0x61: {  	_ =	shalt  }
0x62: {  	_ =	shalt  }
0x63: {  	_ =	shalt  }
0x64: {  	_ =	shalt  }
0x65: {  	_ =	shalt  }
0x66: {  	_ =	shalt  }
0x67: {  	_ =	shalt  }
0x68: {  	_ =	shalt  }
0x69: {  	_ =	shalt  }
0x6a: {  	_ =	shalt  }
0x6b: {  	_ =	shalt  }
0x6c: {  	_ =	shalt  }
0x6d: {  	_ =	shalt  }
0x6e: {  	_ =	shalt  }
0x6f: {  	_ =	shalt  }
0x70: {  	_ =	shalt  }
0x71: {  	_ =	shalt  }
0x72: {  	_ =	shalt  }
0x73: {  	_ =	shalt  }
0x74: {  	_ =	shalt  }
0x75: {  	_ =	shalt  }
0x76: {  	_ =	shalt  }
0x77: {  	_ =	shalt  }
0x78: {  	_ =	shalt  }
0x79: {  	_ =	shalt  }
0x7a: {  	_ =	shalt  }
0x7b: {  	_ =	shalt  }
0x7c: {  	_ =	shalt  }
0x7d: {  	_ =	shalt  }
0x7e: {  	_ =	shalt  }
0x7f: {  	_ =	shalt  }
0x80: {  	_ =	shalt  }
0x81: {  	_ =	shalt  }
0x82: {  	_ =	shalt  }
0x83: {  	_ =	shalt  }
0x84: {  	_ =	shalt  }
0x85: {  	_ =	shalt  }
0x86: {  	_ =	shalt  }
0x87: {  	_ =	shalt  }
.Lfunc_end0:
.L_simem_size_0:
called_computation.1_lowered:
.L_overlay_start_0:
0x88: {  	s2 =	sld [smem:$0x3FD9]  }
0x89: {  	s3 =	sld [smem:$0x3FFE];
	_ =	sdelay $0x1  }
0x8a: {  	s1 =	srdreg.scid  }
0x8b: {  	s0 =	sand.u32 $0x1, s1  }
0x8c: {  	s17 =	sshll.u32 s0, $0xA;
	s2 =	sadd.s32 s3, s2  }
0x8d: {  	s2 =	sadd.s32 s2, s17  }
0x8e: {  	[smem:$0x3FC2] =	sst s2  }
0x8f: {  	_ = 	snop  }
0x90: {  	s2 =	sld [smem:$0x3FD0];
	(tm) =	ssettm $0x1  }
0x91: {  	s18 =	sld [smem:$0x3FFB];
	_ =	sdelay $0x3  }
0x92: {  	_ =	strace s18  }
0x93: {  	s3 =	sld [smem:$0x3FFC];
	_ =	sdelay $0x3  }
0x94: {  	_ =	strace s3  }
0x95: {  	s3 =	sld [smem:$0x3FFD];
	_ =	sdelay $0x3  }
0x96: {  	_ =	strace s3  }
0x97: {  	_ =	strace $0x8FFFFFFF  }
0x98: {  	s19 =	sld [smem:$0x3FDB];
	_ =	sdelay $0x1  }
0x99: {  	s4 =	simm.s32 $_scs_section_size  }
0x9a: {  	s5 =	simm.s32 $_size__tile_overlayer_lowered;
	s6 =	simm.s32 $_tile_overlayer_lowered  }
0x9b: {  	s22 =	simm.s32 $0x1BFF;
	s21 =	sshll.u32 s6, $0x1;
	s3 =	sadd.s32 s4, s19  }
0x9c: {  	s7 =	simm.s32 $0x0;
	s20 =	sshll.u32 s5, $0x1;
	s5 =	sadd.s32 s21, s3  }
0x9d: {  	[timem:s7], [sflag:s22] =	dma.local [hbm:s5], s20  }
0x9e: {  	_ =	swait.ge [sflag:s22], s20  }
0x9f: {  	s4 =	ssub.s32 $0x0, s20;
	[sflag:s22] =	ssyncset.done $0x0  }
0xa0: {  	[sflag:s22] =	ssyncadd.s32 s4;
	_ =	sdelay $0x1  }
0xa1: {  	s23 =	simm.s32 $0x1B8B  }
0xa2: {  	_ =	swait.ge [sflag:s23], $0x1  }
0xa3: {  	[sflag:s23] =	ssyncset.done $0x0  }
0xa4: {  	s25 =	simm.s32 $0x1B8E;
	s24 =	sld [smem:$0x3FFE];
	[sflag:s23] =	ssyncadd.s32 $0xFFFFFFFF  }
0xa5: {  	s26 =	simm.s32 $execute0_lowered;
	[smem:$0x3FD2] =	sst s25  }
0xa6: {  	s5 =	sshll.u32 s26, $0x1;
	_ =	strace $0x80000049;
	[dreg:$0x1] =	wrdreg $0xFFFFFFFF  }
0xa7: {  	s28 =	simm.s32 $_size_execute0_lowered;
	s3 =	sadd.s32 s3, s5;
	[dreg:$0x0] =	wrdreg $0x0  }
0xa8: {  	s5 =	sshll.u32 s28, $0x1;
	[dreg:$0x2] =	wrdreg s3  }
0xa9: {  	[dreg:$0x3] =	wrdreg s5  }
0xaa: {  	[dreg:$0x4] =	wrdreg $0xC0  }
0xab: {  	_ =	task [dreg:s7], $0x5FFFF  }
0xac: {  	[dreg:$0x1] =	wrdreg $0xFFFFFFFF  }
0xad: {  	[dreg:$0x0] =	wrdreg $0x60  }
0xae: {  	[dreg:$0x2] =	wrdreg s2  }
0xaf: {  	[dreg:$0x3] =	wrdreg s24  }
0xb0: {  	[dreg:$0x4] =	wrdreg $0x84000  }
0xb1: {  	[dreg:$0x5] =	wrdreg $0x9  }
0xb2: {  	_ =	task.clear_ibuf [dreg:s7], $0x6FFFF;
	_ =	strace $0x90000049  }
0xb3: {  	s29 =	simm.s32 $0x9;
	_ =	strace $0x8000004B  }
0xb4: {  	_ =	swait.ge [sflag:s29], $0x1  }
0xb5: {  	[sflag:s29] =	ssyncadd.s32 $0xFFFFFFFF  }
0xb6: {  	_ =	strace $0x9000004B  }
0xb7: {  	_ =	sfence  }
0xb8: {  	s30 =	sld [smem:$0x0];
	_ =	sdelay $0x2  }
0xb9: {  	s31 =	sshll.u32 s1, $0xD;
	s1 =	sshrl.u32 s1, $0x2  }
0xba: {  	s3 =	sand.u32 $0x4000, s31;
	s1 =	sadd.s32 s1, s30  }
0xbb: {  	s0 =	sor.u32 s3, s0;
	s1 =	sshll.u32 s1, $0x11  }
0xbc: {  	s0 =	sor.u32 s1, s0  }
0xbd: {  	s0 =	sadd.s32 $0x8F2B, s0  }
0xbe: {  	[sflag:s0] =	ssyncadd.remote.s32 $0x1  }
0xbf: {  	_ =	sfence.sel $0xFFFF  }
0xc0: {  	[dreg:$0x0] =	wrdreg $0xFFFFFFFF;
	(pc) =	sbr.abs _section_cstart, $3  }
0xc1: {  	[dreg:$0x1] =	wrdreg $0xFFFFFFFF  }
0xc2: {  	_ =	task.clear_ibuf [dreg:s7], $0x2FFFF;
	_ =	strace $0x9FFFFFFF  }
0xc3: {  	(tm) =	ssettm $0x7FFFFFFF  }
tec
execute0_lowered:
.L_overlay_start_1:
0x0: {  	(tag) =	ssettag $0x1  }
0x1: {  	s21 =	stileid.u32  }
0x2: {  	s0 =	srdreg.scid;
	s4 =	smul.u32 $0x14000, s21  }
0x3: {  	s3 =	rddreg [dreg:$0x1];
	s20 =	simm.s32 $0x0;
	s6 =	smul.u32 $0x2710, s21  }
0x4: {  	s28 =	simm.s32 $0x800;
	s2 =	sand.u32 $0x1, s0;
	s25 =	smul.u32 $0x2800, s21  }
0x5: {  	s29 =	simm.s32 $0x880;
	s30 =	simm.s32 $0x900;
	s0 =	smul.u32 $0x140000, s2  }
0x6: {  	s31 =	simm.s32 $0x10;
	[smem:$0x7FF] =	sst s20;
	s9 =	smul.u32 $0x28000, s2  }
0x7: {  	s7 =	sadd.s32 $0xC00, s3;
	s5 =	ssub.s32 $0x2, s2;
	s26 =	smul.u32 $0x27100, s2  }
0x8: {  	s8 =	sshrl.u32 s5, $0x1;
	s1 =	sshrl.u32 s6, $0x3;
	s10 =	sadd.s32 $0x28, s6  }
0x9: {  	s12 =	sadd.s32 $0x50, s6;
	s15 =	sadd.s32 $0xC8, s6;
	s18 =	sadd.s32 $0x140, s6  }
0xa: {  	s19 =	sadd.s32 $0x168, s6;
	s4 =	sadd.s32 s4, s0;
	s0 =	ssub.s32 s5, s8  }
0xb: {  	s5 =	sadd.s32 s25, s9;
	s2 =	sadd.s32 s7, s1;
	s11 =	sshrl.u32 s10, $0x3  }
0xc: {  	s9 =	sadd.s32 s26, s10;
	s10 =	sadd.s32 s26, s12;
	s22 =	sshrl.u32 s19, $0x3  }
0xd: {  	s19 =	sadd.s32 s26, s19;
	s25 =	smul.u32 $0x4E2, s21;
	[dreg:$0x4] =	wrdreg s2  }
0xe: {  	s2 =	sadd.s32 s7, s11;
	s11 =	sadd.s32 $0x78, s6;
	s4 =	sshrl.u32 s4, $0x3  }
0xf: {  	s0 =	smax.u32 s0, $0x1;
	[dreg:$0x5] =	wrdreg s2;
	s2 =	sshrl.u32 s12, $0x3  }
0x10: {  	s13 =	sshrl.u32 s11, $0x3;
	s12 =	sadd.s32 $0xA0, s6;
	s11 =	sadd.s32 s26, s11  }
0x11: {  	s4 =	sadd.s32 s4, s3;
	s2 =	sadd.s32 s7, s2;
	s14 =	sshrl.u32 s12, $0x3  }
0x12: {  	s23 =	sadd.s32 s26, s12;
	s12 =	rddreg [dreg:$0x2];
	s4 =	sadd.s32 $0x55C00, s4  }
0x13: {  	[dreg:$0x6] =	wrdreg s2;
	s2 =	sadd.s32 s7, s13;
	s13 =	sadd.s32 s26, s15  }
0x14: {  	[dreg:$0x7] =	wrdreg s2;
	s2 =	sadd.s32 s7, s14;
	s14 =	sadd.s32 $0xF0, s6  }
0x15: {  	[dreg:$0x8] =	wrdreg s2;
	s2 =	sshrl.u32 s15, $0x3;
	s16 =	sshrl.u32 s14, $0x3  }
0x16: {  	s15 =	sadd.s32 $0x118, s6;
	s14 =	sadd.s32 s26, s14;
	s2 =	sadd.s32 s7, s2  }
0x17: {  	s17 =	sshrl.u32 s15, $0x3;
	[dreg:$0x9] =	wrdreg s2;
	s2 =	sadd.s32 s7, s16  }
0x18: {  	[dreg:$0xa] =	wrdreg s2;
	s2 =	sadd.s32 s7, s17;
	s17 =	sadd.s32 s26, s18  }
0x19: {  	[dreg:$0xb] =	wrdreg s2;
	s2 =	sshrl.u32 s18, $0x3;
	s18 =	sadd.s32 $0x190, s6  }
0x1a: {  	s16 =	sadd.s32 s26, s15;
	s2 =	sadd.s32 s7, s2;
	s1 =	sadd.s32 s26, s18  }
0x1b: {  	s24 =	sshrl.u32 s18, $0x3;
	s18 =	sadd.s32 $0x5C00, s3;
	[dreg:$0xc] =	wrdreg s2  }
0x1c: {  	s2 =	sadd.s32 s7, s22;
	s15 =	sadd.s32 s7, s24;
	s22 =	rddreg [dreg:$0x0]  }
0x1d: {  	s24 =	sshll.u32 s21, $0x6;
	[dreg:$0xd] =	wrdreg s2;
	s2 =	sadd.s32 s6, s26  }
0x1e: {  	s6 =	sadd.s32 $0x1B8, s6;
	[dreg:$0xe] =	wrdreg s15;
	s15 =	sadd.s32 s18, s5  }
0x1f: {  	s24 =	sor.u32 $0x1C19, s24;
	s8 =	sadd.s32 s26, s6;
	s6 =	sshrl.u32 s6, $0x3  }
0x20: {  	s26 =	smul.u32 $0x50000, s21;
	s6 =	sadd.s32 s7, s6;
	s7 =	sadd.s32 s25, s7  }
0x21: {  	s25 =	sshrl.u32 s9, $0x3;
	s9 =	sshrl.u32 s23, $0x3;
	[dreg:$0xf] =	wrdreg s6  }
0x22: {  	s23 =	sshrl.u32 s8, $0x3;
	s8 =	sadd.s32 $0x2F8, s2;
	[dreg:$0x10] =	wrdreg s7  }
0x23: {  	s7 =	sshrl.u32 s26, $0x2;
	s26 =	sshrl.u32 s2, $0x3;
	s6 =	sshrl.u32 s10, $0x3  }
0x24: {  	s10 =	sadd.s32 s22, s9;
	_ =	strace $0x8000004A;
	[dreg:$0x12] =	wrdreg s15  }
0x25: {  	s3 =	sadd.s32 s7, s12;
	s5 =	sadd.s32 s22, s26;
	[dreg:$0x18] =	wrdreg s10  }
0x26: {  	s7 =	sshrl.u32 s11, $0x3;
	s11 =	sshrl.u32 s13, $0x3;
	[smem:$0x7F0] =	sst s4  }
0x27: {  	s13 =	sshrl.u32 s14, $0x3;
	s14 =	sshrl.u32 s16, $0x3;
	[smem:$0x7F1] =	sst s0  }
0x28: {  	s16 =	sshrl.u32 s17, $0x3;
	s17 =	sshrl.u32 s19, $0x3;
	[dreg:$0x13] =	wrdreg s24  }
0x29: {  	s19 =	sshrl.u32 s1, $0x3;
	s26 =	sadd.s32 $0x370, s2;
	[dreg:$0x11] =	wrdreg s3  }
0x2a: {  	s4 =	sshrl.u32 s8, $0x3;
	[dreg:$0x14] =	wrdreg s5;
	s3 =	sadd.s32 s22, s25  }
0x2b: {  	s15 =	sadd.s32 s22, s14;
	s21 =	sadd.s32 s22, s19;
	s25 =	sadd.s32 $0x398, s2  }
0x2c: {  	s1 =	sshrl.u32 s26, $0x3;
	s10 =	sadd.s32 s4, s22;
	[dreg:$0x15] =	wrdreg s3  }
0x2d: {  	s14 =	sadd.s32 $0x280, s2;
	s19 =	sadd.s32 $0x230, s2;
	[dreg:$0x1b] =	wrdreg s15  }
0x2e: {  	s26 =	sadd.s32 $0x1E0, s2;
	s3 =	sadd.s32 s22, s6;
	[dreg:$0x1e] =	wrdreg s21  }
0x2f: {  	s5 =	sadd.s32 s1, s22;
	s6 =	sadd.s32 $0x348, s2;
	[smem:$0x7F6] =	sst s10  }
0x30: {  	s4 =	sshrl.u32 s14, $0x3;
	s21 =	sadd.s32 $0x208, s2;
	[smem:$0x7FD] =	sst s26  }
0x31: {  	s1 =	simm.s32 $0x700;
	s26 =	simm.s32 $0x780;
	[dreg:$0x16] =	wrdreg s3  }
0x32: {  	s10 =	simm.s32 $0x300;
	s3 =	sadd.s32 s22, s7;
	[smem:$0x7F3] =	sst s5  }
0x33: {  	s0 =	sshrl.u32 s6, $0x3;
	[dreg:$0x17] =	wrdreg s3;
	s3 =	sadd.s32 s22, s11  }
0x34: {  	s7 =	sadd.s32 $0x320, s2;
	s0 =	sadd.s32 s0, s22;
	[dreg:$0x19] =	wrdreg s3  }
0x35: {  	s11 =	sadd.s32 $0x2D0, s2;
	s3 =	sadd.s32 s22, s13;
	[smem:$0x7F4] =	sst s0  }
0x36: {  	s0 =	sshrl.u32 s11, $0x3;
	[dreg:$0x1a] =	wrdreg s3;
	s3 =	sadd.s32 s22, s16  }
0x37: {  	s6 =	simm.s32 $0x480;
	s0 =	sadd.s32 s0, s22;
	[dreg:$0x1c] =	wrdreg s3  }
0x38: {  	s13 =	sadd.s32 $0x2A8, s2;
	s16 =	sadd.s32 s4, s22;
	[smem:$0x7F7] =	sst s0  }
0x39: {  	s3 =	sadd.s32 s22, s17;
	[smem:$0x7F9] =	sst s16;
	s17 =	sadd.s32 $0x258, s2  }
0x3a: {  	[dreg:$0x1d] =	wrdreg s3;
	s3 =	sadd.s32 s22, s23;
	s0 =	sshrl.u32 s17, $0x3  }
0x3b: {  	s4 =	sshrl.u32 s21, $0x3;
	[dreg:$0x1f] =	wrdreg s3;
	s0 =	sadd.s32 s0, s22  }
0x3c: {  	s3 =	sshrl.u32 s25, $0x3;
	s25 =	sadd.s32 s4, s22;
	[smem:$0x7FA] =	sst s0  }
0x3d: {  	s11 =	simm.s32 $0x19;
	s3 =	sadd.s32 s3, s22;
	[smem:$0x7FC] =	sst s25  }
0x3e: {  	s2 =	simm.s32 $0x380;
	[smem:$0x7F2] =	sst s3;
	s3 =	sshrl.u32 s7, $0x3  }
.Ltmp0:
0x3f: {  	s0 =	simm.s32 $0x0;
	s9 =	sadd.s32 s3, s22;
	(pc) =	sbr.rel .LBB2_1-.Ltmp0, $4  }
0x40: {  	s25 =	simm.s32 $0x11;
	s3 =	sshrl.u32 s13, $0x3;
	[smem:$0x7F5] =	sst s9  }
0x41: {  	s15 =	sadd.s32 s3, s22;
	s3 =	sshrl.u32 s19, $0x3;
	s19 =	simm.s32 $0x680  }
0x42: {  	s9 =	simm.s32 $0x28;
	[smem:$0x7F8] =	sst s15;
	s23 =	sadd.s32 s3, s22  }
0x43: {  	s3 =	simm.s32 $0x400;
	s15 =	simm.s32 $0xC00;
	[smem:$0x7FB] =	sst s23  }
.LBB2_4:
0x44: {  	s14 =	simm.s32 $0xE  }
0x45: {  	_ =	swait.ge [sflag:s14], $0x1400  }
0x46: {  	s19 =	simm.s32 $0x680;
	[sflag:s14] =	ssyncset.done $0x0  }
0x47: {  	s4 =	simm.s32 $0x2000;
	s5 =	simm.s32 $0x13;
	[sflag:s14] =	ssyncadd.s32 $0xFFFFEC00  }
0x48: {  	[spmem:s12] =	stream.indirect.scatter.add.f32 [tilespmem:s4], [sflag:$0x14], $0x80, s19, s9, $0xb8;
	[tilespmem:$0x1C400] =	vst v63  }
0x49: {  	_ =	swait.ge [sflag:s5], $0x1400  }
0x4a: {  	[sflag:s5] =	ssyncset.done $0x0  }
0x4b: {  	s0 =	simm.s32 $0x7;
	[sflag:s5] =	ssyncadd.s32 $0xFFFFEC00  }
0x4c: {  	_ =	swait.ge [sflag:s0], $0x28  }
0x4d: {  	[sflag:s0] =	ssyncset.done $0x0  }
0x4e: {  	[sflag:s0] =	ssyncadd.s32 $0xFFFFFFD8  }
0x4f: {  	_ =	swait.ge [sflag:s0], $0x28  }
0x50: {  	[sflag:s0] =	ssyncset.done $0x0  }
0x51: {  	s17 =	simm.s32 $0xF;
	[sflag:s0] =	ssyncadd.s32 $0xFFFFFFD8  }
0x52: {  	[tilespmem:s11], [sflag:$0xD] =	stream.indirect.gather [hbm4b:s18+s9], $0x80, s10, s9, $0xb8;
	[tilespmem:$0x1C400] =	vst v63  }
0x53: {  	_ =	swait.ge [sflag:s17], $0x1400  }
0x54: {  	s1 =	simm.s32 $0x700;
	[sflag:s17] =	ssyncset.done $0x0  }
0x55: {  	s8 =	simm.s32 $0x3400;
	s7 =	simm.s32 $0x14;
	[sflag:s17] =	ssyncadd.s32 $0xFFFFEC00  }
0x56: {  	[spmem:s12] =	stream.indirect.scatter.add.f32 [tilespmem:s8], [sflag:$0x15], $0x80, s1, s9, $0xb8;
	[tilespmem:$0x1C400] =	vst v63  }
0x57: {  	_ =	swait.ge [sflag:s7], $0x1400  }
0x58: {  	[sflag:s7] =	ssyncset.done $0x0  }
0x59: {  	s22 =	simm.s32 $0x8;
	[sflag:s7] =	ssyncadd.s32 $0xFFFFEC00  }
0x5a: {  	_ =	swait.ge [sflag:s22], $0x28  }
0x5b: {  	[sflag:s22] =	ssyncset.done $0x0  }
0x5c: {  	[sflag:s22] =	ssyncadd.s32 $0xFFFFFFD8  }
0x5d: {  	_ =	swait.ge [sflag:s22], $0x28  }
0x5e: {  	[sflag:s22] =	ssyncset.done $0x0  }
0x5f: {  	s21 =	simm.s32 $0x10;
	[sflag:s22] =	ssyncadd.s32 $0xFFFFFFD8  }
0x60: {  	[tilespmem:s4], [sflag:$0xE] =	stream.indirect.gather [hbm4b:s18+s9], $0x80, s2, s9, $0xb8;
	[tilespmem:$0x1C400] =	vst v63  }
0x61: {  	_ =	swait.ge [sflag:s21], $0x1400  }
0x62: {  	s26 =	simm.s32 $0x780;
	[sflag:s21] =	ssyncset.done $0x0  }
0x63: {  	s11 =	simm.s32 $0x4800;
	s22 =	simm.s32 $0x15;
	[sflag:s21] =	ssyncadd.s32 $0xFFFFEC00  }
0x64: {  	[spmem:s12] =	stream.indirect.scatter.add.f32 [tilespmem:s11], [sflag:$0x16], $0x80, s26, s9, $0xb8;
	[tilespmem:$0x1C400] =	vst v63  }
0x65: {  	_ =	swait.ge [sflag:s22], $0x1400  }
0x66: {  	[sflag:s22] =	ssyncset.done $0x0  }
0x67: {  	s23 =	simm.s32 $0x9;
	[sflag:s22] =	ssyncadd.s32 $0xFFFFEC00  }
0x68: {  	_ =	swait.ge [sflag:s23], $0x28  }
0x69: {  	[sflag:s23] =	ssyncset.done $0x0  }
0x6a: {  	[sflag:s23] =	ssyncadd.s32 $0xFFFFFFD8  }
0x6b: {  	_ =	swait.ge [sflag:s23], $0x28  }
0x6c: {  	[sflag:s23] =	ssyncset.done $0x0  }
0x6d: {  	s24 =	simm.s32 $0x11;
	[sflag:s23] =	ssyncadd.s32 $0xFFFFFFD8  }
0x6e: {  	[tilespmem:s8], [sflag:$0xF] =	stream.indirect.gather [hbm4b:s18+s9], $0x80, s3, s9, $0xb8;
	[tilespmem:$0x1C400] =	vst v63  }
0x6f: {  	_ =	swait.ge [sflag:s24], $0x1400  }
0x70: {  	[sflag:s24] =	ssyncset.done $0x0  }
0x71: {  	s28 =	simm.s32 $0x800;
	s23 =	simm.s32 $0x5C00;
	[sflag:s24] =	ssyncadd.s32 $0xFFFFEC00  }
0x72: {  	[spmem:s12] =	stream.indirect.scatter.add.f32 [tilespmem:s23], [sflag:$0x17], $0x80, s28, s9, $0xb8;
	[tilespmem:$0x1C400] =	vst v63  }
0x73: {  	s23 =	simm.s32 $0x16  }
0x74: {  	_ =	swait.ge [sflag:s23], $0x1400  }
0x75: {  	[sflag:s23] =	ssyncset.done $0x0  }
0x76: {  	s24 =	simm.s32 $0xA;
	[sflag:s23] =	ssyncadd.s32 $0xFFFFEC00  }
0x77: {  	_ =	swait.ge [sflag:s24], $0x28  }
0x78: {  	[sflag:s24] =	ssyncset.done $0x0  }
0x79: {  	[sflag:s24] =	ssyncadd.s32 $0xFFFFFFD8  }
0x7a: {  	_ =	swait.ge [sflag:s24], $0x28  }
0x7b: {  	[sflag:s24] =	ssyncset.done $0x0  }
0x7c: {  	[sflag:s24] =	ssyncadd.s32 $0xFFFFFFD8;
	s24 =	simm.s32 $0x12  }
0x7d: {  	[tilespmem:s11], [sflag:$0x10] =	stream.indirect.gather [hbm4b:s18+s9], $0x80, s6, s9, $0xb8;
	[tilespmem:$0x1C400] =	vst v63  }
0x7e: {  	_ =	swait.ge [sflag:s24], $0x1400  }
0x7f: {  	[sflag:s24] =	ssyncset.done $0x0  }
0x80: {  	s29 =	simm.s32 $0x880;
	[sflag:s24] =	ssyncadd.s32 $0xFFFFEC00  }
0x81: {  	[spmem:s12] =	stream.indirect.scatter.add.f32 [tilespmem:s16], [sflag:$0x18], $0x80, s29, s9, $0xb8;
	[tilespmem:$0x1C400] =	vst v63  }
0x82: {  	_ =	swait.ge [sflag:s13], $0x1400  }
0x83: {  	[sflag:s13] =	ssyncset.done $0x0  }
0x84: {  	s15 =	simm.s32 $0xC00;
	s30 =	simm.s32 $0x900;
	[sflag:s13] =	ssyncadd.s32 $0xFFFFEC00  }
0x85: {  	[spmem:s12] =	stream.indirect.scatter.add.f32 [tilespmem:s15], [sflag:$0x13], $0x80, s30, s9, $0xb8;
	[tilespmem:$0x1C400] =	vst v63  }
0x86: {  	_ =	swait.ge [sflag:s14], $0x1400  }
0x87: {  	[sflag:s14] =	ssyncset.done $0x0  }
0x88: {  	s24 =	simm.s32 $0x980;
	[sflag:s14] =	ssyncadd.s32 $0xFFFFEC00  }
0x89: {  	[spmem:s12] =	stream.indirect.scatter.add.f32 [tilespmem:s4], [sflag:$0x14], $0x80, s24, s9, $0xb8;
	[tilespmem:$0x1C400] =	vst v63  }
0x8a: {  	_ =	swait.ge [sflag:s17], $0x1400  }
0x8b: {  	[sflag:s17] =	ssyncset.done $0x0  }
0x8c: {  	s4 =	simm.s32 $0xA00;
	[sflag:s17] =	ssyncadd.s32 $0xFFFFEC00  }
0x8d: {  	[spmem:s12] =	stream.indirect.scatter.add.f32 [tilespmem:s8], [sflag:$0x15], $0x80, s4, s9, $0xb8;
	[tilespmem:$0x1C400] =	vst v63  }
0x8e: {  	_ =	swait.ge [sflag:s21], $0x1400  }
0x8f: {  	[sflag:s21] =	ssyncset.done $0x0  }
0x90: {  	s13 =	simm.s32 $0xA80;
	s14 =	simm.s32 $0x17;
	[sflag:s21] =	ssyncadd.s32 $0xFFFFEC00  }
0x91: {  	[spmem:s12] =	stream.indirect.scatter.add.f32 [tilespmem:s11], [sflag:$0x16], $0x80, s13, s9, $0xb8;
	[tilespmem:$0x1C400] =	vst v63  }
0x92: {  	_ =	swait.ge [sflag:s14], $0x1400  }
0x93: {  	[sflag:s14] =	ssyncset.done $0x0  }
0x94: {  	s16 =	simm.s32 $0x18;
	[sflag:s14] =	ssyncadd.s32 $0xFFFFEC00  }
0x95: {  	_ =	swait.ge [sflag:s16], $0x1400  }
0x96: {  	[sflag:s16] =	ssyncset.done $0x0  }
0x97: {  	[sflag:s16] =	ssyncadd.s32 $0xFFFFEC00  }
0x98: {  	_ =	swait.ge [sflag:s5], $0x1400  }
0x99: {  	[sflag:s5] =	ssyncset.done $0x0  }
0x9a: {  	[sflag:s5] =	ssyncadd.s32 $0xFFFFEC00  }
0x9b: {  	_ =	swait.ge [sflag:s7], $0x1400  }
0x9c: {  	[sflag:s7] =	ssyncset.done $0x0  }
0x9d: {  	[sflag:s7] =	ssyncadd.s32 $0xFFFFEC00  }
0x9e: {  	_ =	swait.ge [sflag:s22], $0x1400  }
0x9f: {  	[sflag:s22] =	ssyncset.done $0x0  }
0xa0: {  	[sflag:s22] =	ssyncadd.s32 $0xFFFFEC00  }
0xa1: {  	_ =	swait.ge [sflag:s23], $0x1400  }
0xa2: {  	[sflag:s23] =	ssyncset.done $0x0  }
0xa3: {  	[sflag:s23] =	ssyncadd.s32 $0xFFFFEC00  }
0xa4: {  	[bflag:$0x0] =	sbarrier.arrive $0xFFFF  }
0xa5: {  	s17 =	sld [smem:$0x7F0]  }
0xa6: {  	s21 =	sld [smem:$0x7EF];
	_ =	sdelay $0x1  }
0xa7: {  	s11 =	simm.s32 $0x19;
	s24 =	rddreg [dreg:$0x13]  }
0xa8: {  	[hbm:s17], [sflag:s24] =	dma.local [spmem:s21], $0x2800  }
0xa9: {  	_ =	swait.ge [sflag:s11], $0x2800  }
0xaa: {  	s22 =	sld [smem:$0x7EE]  }
0xab: {  	s23 =	sld [smem:$0x7F1];
	_ =	sdelay $0x1  }
0xac: {  	s0 =	sadd.s32 $0x1, s22  }
0xad: {  	p0 =	sne.s32 s0, s23  }
.Ltmp1:
0xae: {  	_ = 	snop;
	(pc) =	sbr.rel @!p0 .LBB2_5-.Ltmp1, $3  }
0xaf: {  	_ =	sdelay $0x1  }
0xb0: {  	[sflag:s11] =	ssyncset.done $0x0  }
0xb1: {  	[sflag:s11] =	ssyncadd.s32 $0xFFFFD800  }
.LBB2_1:
0xb2: {  	[smem:$0x7EE] =	sst s0  }
0xb3: {  	s8 =	rddreg [dreg:$0x11]  }
0xb4: {  	s21 =	rddreg [dreg:$0x12];
	s17 =	sshrl.u32 s8, $0x3  }
0xb5: {  	[smem:$0x7EF] =	sst s17  }
0xb6: {  	[spmem:s17], [sflag:s24] =	dma.local [hbm:s21], $0x2800  }
0xb7: {  	_ =	swait.ge [sflag:s11], $0x2800  }
0xb8: {  	[sflag:s11] =	ssyncset.done $0x0  }
0xb9: {  	[sflag:s11] =	ssyncadd.s32 $0xFFFFD800  }
0xba: {  	[bflag:$0x0] =	sbarrier.arrive $0xFFFF  }
0xbb: {  	s22 =	rddreg [dreg:$0x14]  }
0xbc: {  	[tilespmem:s20], [sflag:$0x1] =	stream.linear.gather [hbm4b:s22+s20], $0x28, $0x38;
	[tilespmem:$0x1C400] =	vst v63  }
0xbd: {  	s14 =	simm.s32 $0x600;
	s23 =	rddreg [dreg:$0x4]  }
0xbe: {  	[tilespmem:s14], [sflag:$0x1] =	stream.linear.gather [hbm4b:s23+s20], $0x28, $0x38;
	[tilespmem:$0x1C400] =	vst v63  }
0xbf: {  	s16 =	simm.s32 $0x80;
	s24 =	rddreg [dreg:$0x15]  }
0xc0: {  	[tilespmem:s16], [sflag:$0x2] =	stream.linear.gather [hbm4b:s24+s20], $0x28, $0x38;
	[tilespmem:$0x1C400] =	vst v63  }
0xc1: {  	s0 =	rddreg [dreg:$0x5]  }
0xc2: {  	[tilespmem:s19], [sflag:$0x2] =	stream.linear.gather [hbm4b:s0+s20], $0x28, $0x38;
	[tilespmem:$0x1C400] =	vst v63  }
0xc3: {  	s5 =	rddreg [dreg:$0x16];
	s19 =	simm.s32 $0x100  }
0xc4: {  	[tilespmem:s19], [sflag:$0x3] =	stream.linear.gather [hbm4b:s5+s20], $0x28, $0x38;
	[tilespmem:$0x1C400] =	vst v63  }
0xc5: {  	s11 =	rddreg [dreg:$0x6]  }
0xc6: {  	[tilespmem:s1], [sflag:$0x3] =	stream.linear.gather [hbm4b:s11+s20], $0x28, $0x38;
	[tilespmem:$0x1C400] =	vst v63  }
0xc7: {  	s24 =	rddreg [dreg:$0x17];
	s1 =	simm.s32 $0x180  }
0xc8: {  	[tilespmem:s1], [sflag:$0x4] =	stream.linear.gather [hbm4b:s24+s20], $0x28, $0x38;
	[tilespmem:$0x1C400] =	vst v63  }
0xc9: {  	s0 =	rddreg [dreg:$0x7]  }
0xca: {  	[tilespmem:s26], [sflag:$0x4] =	stream.linear.gather [hbm4b:s0+s20], $0x28, $0x38;
	[tilespmem:$0x1C400] =	vst v63  }
0xcb: {  	s5 =	rddreg [dreg:$0x18];
	s24 =	simm.s32 $0x200  }
0xcc: {  	[tilespmem:s24], [sflag:$0x5] =	stream.linear.gather [hbm4b:s5+s20], $0x28, $0x38;
	[tilespmem:$0x1C400] =	vst v63  }
0xcd: {  	s11 =	rddreg [dreg:$0x8]  }
0xce: {  	[tilespmem:s28], [sflag:$0x5] =	stream.linear.gather [hbm4b:s11+s20], $0x28, $0x38;
	[tilespmem:$0x1C400] =	vst v63  }
0xcf: {  	s26 =	rddreg [dreg:$0x19];
	s11 =	simm.s32 $0x280  }
0xd0: {  	[tilespmem:s11], [sflag:$0x6] =	stream.linear.gather [hbm4b:s26+s20], $0x28, $0x38;
	[tilespmem:$0x1C400] =	vst v63  }
0xd1: {  	s26 =	rddreg [dreg:$0x9]  }
0xd2: {  	[tilespmem:s29], [sflag:$0x6] =	stream.linear.gather [hbm4b:s26+s20], $0x28, $0x38;
	[tilespmem:$0x1C400] =	vst v63  }
0xd3: {  	s29 =	rddreg [dreg:$0x1a]  }
0xd4: {  	[tilespmem:s10], [sflag:$0x7] =	stream.linear.gather [hbm4b:s29+s20], $0x28, $0x38;
	[tilespmem:$0x1C400] =	vst v63  }
0xd5: {  	s26 =	rddreg [dreg:$0xa]  }
0xd6: {  	[tilespmem:s30], [sflag:$0x7] =	stream.linear.gather [hbm4b:s26+s20], $0x28, $0x38;
	[tilespmem:$0x1C400] =	vst v63  }
0xd7: {  	s29 =	rddreg [dreg:$0x1b]  }
0xd8: {  	[tilespmem:s2], [sflag:$0x8] =	stream.linear.gather [hbm4b:s29+s20], $0x28, $0x38;
	[tilespmem:$0x1C400] =	vst v63  }
0xd9: {  	s5 =	simm.s32 $0x980;
	s30 =	rddreg [dreg:$0xb]  }
0xda: {  	[tilespmem:s5], [sflag:$0x8] =	stream.linear.gather [hbm4b:s30+s20], $0x28, $0x38;
	[tilespmem:$0x1C400] =	vst v63  }
0xdb: {  	s26 =	rddreg [dreg:$0x1c]  }
0xdc: {  	[tilespmem:s3], [sflag:$0x9] =	stream.linear.gather [hbm4b:s26+s20], $0x28, $0x38;
	[tilespmem:$0x1C400] =	vst v63  }
0xdd: {  	s28 =	simm.s32 $0xA00;
	s29 =	rddreg [dreg:$0xc]  }
0xde: {  	[tilespmem:s28], [sflag:$0x9] =	stream.linear.gather [hbm4b:s29+s20], $0x28, $0x38;
	[tilespmem:$0x1C400] =	vst v63  }
0xdf: {  	s30 =	rddreg [dreg:$0x1d]  }
0xe0: {  	[tilespmem:s6], [sflag:$0xA] =	stream.linear.gather [hbm4b:s30+s20], $0x28, $0x38;
	[tilespmem:$0x1C400] =	vst v63  }
0xe1: {  	s0 =	simm.s32 $0xA80;
	s5 =	rddreg [dreg:$0xd]  }
0xe2: {  	[tilespmem:s0], [sflag:$0xA] =	stream.linear.gather [hbm4b:s5+s20], $0x28, $0x38;
	[tilespmem:$0x1C400] =	vst v63  }
0xe3: {  	s26 =	rddreg [dreg:$0x1e];
	s28 =	simm.s32 $0x500  }
0xe4: {  	[tilespmem:s28], [sflag:$0xB] =	stream.linear.gather [hbm4b:s26+s20], $0x28, $0x38;
	[tilespmem:$0x1C400] =	vst v63  }
0xe5: {  	s29 =	rddreg [dreg:$0xe];
	s30 =	simm.s32 $0xB00;
	s5 =	simm.s32 $0x1  }
0xe6: {  	[tilespmem:s30], [sflag:$0xB] =	stream.linear.gather [hbm4b:s29+s20], $0x28, $0x38;
	[tilespmem:$0x1C400] =	vst v63  }
0xe7: {  	_ =	swait.ge [sflag:s5], $0x28  }
0xe8: {  	[sflag:s5] =	ssyncset.done $0x0  }
0xe9: {  	[sflag:s5] =	ssyncadd.s32 $0xFFFFFFD8  }
0xea: {  	_ =	swait.ge [sflag:s5], $0x28  }
0xeb: {  	[sflag:s5] =	ssyncset.done $0x0  }
0xec: {  	s8 =	simm.s32 $0x2;
	[sflag:s5] =	ssyncadd.s32 $0xFFFFFFD8  }
0xed: {  	[tilespmem:s15], [sflag:$0xD] =	stream.indirect.gather [hbm4b:s18+s9], $0x80, s20, s9, $0xb8;
	[tilespmem:$0x1C400] =	vst v63  }
0xee: {  	_ =	swait.ge [sflag:s8], $0x28  }
0xef: {  	[sflag:s8] =	ssyncset.done $0x0  }
0xf0: {  	[sflag:s8] =	ssyncadd.s32 $0xFFFFFFD8  }
0xf1: {  	_ =	swait.ge [sflag:s8], $0x28  }
0xf2: {  	[sflag:s8] =	ssyncset.done $0x0  }
0xf3: {  	s13 =	simm.s32 $0x2000;
	[sflag:s8] =	ssyncadd.s32 $0xFFFFFFD8  }
0xf4: {  	[tilespmem:s13], [sflag:$0xE] =	stream.indirect.gather [hbm4b:s18+s9], $0x80, s16, s9, $0xb8;
	[tilespmem:$0x1C400] =	vst v63  }
0xf5: {  	s16 =	simm.s32 $0x3  }
0xf6: {  	_ =	swait.ge [sflag:s16], $0x28  }
0xf7: {  	[sflag:s16] =	ssyncset.done $0x0  }
0xf8: {  	[sflag:s16] =	ssyncadd.s32 $0xFFFFFFD8  }
0xf9: {  	_ =	swait.ge [sflag:s16], $0x28  }
0xfa: {  	[sflag:s16] =	ssyncset.done $0x0  }
0xfb: {  	s22 =	simm.s32 $0x3400;
	[sflag:s16] =	ssyncadd.s32 $0xFFFFFFD8  }
0xfc: {  	[tilespmem:s22], [sflag:$0xF] =	stream.indirect.gather [hbm4b:s18+s9], $0x80, s19, s9, $0xb8;
	[tilespmem:$0x1C400] =	vst v63  }
0xfd: {  	s19 =	simm.s32 $0x4  }
0xfe: {  	_ =	swait.ge [sflag:s19], $0x28  }
0xff: {  	[sflag:s19] =	ssyncset.done $0x0  }
0x100: {  	[sflag:s19] =	ssyncadd.s32 $0xFFFFFFD8  }
0x101: {  	_ =	swait.ge [sflag:s19], $0x28  }
0x102: {  	[sflag:s19] =	ssyncset.done $0x0  }
0x103: {  	s21 =	simm.s32 $0x4800;
	s22 =	simm.s32 $0x5;
	[sflag:s19] =	ssyncadd.s32 $0xFFFFFFD8  }
0x104: {  	[tilespmem:s21], [sflag:$0x10] =	stream.indirect.gather [hbm4b:s18+s9], $0x80, s1, s9, $0xb8;
	[tilespmem:$0x1C400] =	vst v63  }
0x105: {  	_ =	swait.ge [sflag:s22], $0x28  }
0x106: {  	[sflag:s22] =	ssyncset.done $0x0  }
0x107: {  	[sflag:s22] =	ssyncadd.s32 $0xFFFFFFD8  }
0x108: {  	_ =	swait.ge [sflag:s22], $0x28  }
0x109: {  	[sflag:s22] =	ssyncset.done $0x0  }
0x10a: {  	s4 =	simm.s32 $0xD;
	s17 =	simm.s32 $0x5C00;
	[sflag:s22] =	ssyncadd.s32 $0xFFFFFFD8  }
0x10b: {  	[tilespmem:s17], [sflag:$0x11] =	stream.indirect.gather [hbm4b:s18+s9], $0x80, s24, s9, $0xb8;
	[tilespmem:$0x1C400] =	vst v63  }
0x10c: {  	_ =	swait.ge [sflag:s4], $0x1400  }
0x10d: {  	[sflag:s4] =	ssyncset.done $0x0  }
0x10e: {  	s26 =	simm.s32 $0x6;
	[sflag:s4] =	ssyncadd.s32 $0xFFFFEC00  }
0x10f: {  	[spmem:s12] =	stream.indirect.scatter.add.f32 [tilespmem:s15], [sflag:$0x13], $0x80, s14, s9, $0xb8;
	[tilespmem:$0x1C400] =	vst v63  }
0x110: {  	_ =	swait.ge [sflag:s26], $0x28  }
0x111: {  	[sflag:s26] =	ssyncset.done $0x0  }
0x112: {  	[sflag:s26] =	ssyncadd.s32 $0xFFFFFFD8  }
0x113: {  	_ =	swait.ge [sflag:s26], $0x28  }
0x114: {  	[sflag:s26] =	ssyncset.done $0x0  }
0x115: {  	s23 =	simm.s32 $0x7000;
	s28 =	rddreg [dreg:$0x1f];
	[sflag:s26] =	ssyncadd.s32 $0xFFFFFFD8  }
0x116: {  	[tilespmem:s23], [sflag:$0x12] =	stream.indirect.gather [hbm4b:s18+s9], $0x80, s11, s9, $0xb8;
	[tilespmem:$0x1C400] =	vst v63  }
0x117: {  	s7 =	simm.s32 $0xB80;
	s29 =	simm.s32 $0x580;
	s30 =	rddreg [dreg:$0xf]  }
0x118: {  	[tilespmem:s29], [sflag:$0xC] =	stream.linear.gather [hbm4b:s28+s20], $0x28, $0x38;
	[tilespmem:$0x1C400] =	vst v63  }
0x119: {  	s19 =	simm.s32 $0x0;
	s1 =	sld [smem:$0x7FD];
	s11 =	simm.s32 $0xC00  }
0x11a: {  	[tilespmem:s7], [sflag:$0xC] =	stream.linear.gather [hbm4b:s30+s20], $0x28, $0x38;
	[tilespmem:$0x1C400] =	vst v63  }
.LBB2_2:
0x11b: {  	s14 =	simm.s32 $0xE  }
0x11c: {  	_ =	swait.ge [sflag:s14], $0x1400  }
0x11d: {  	s16 =	simm.s32 $0x680;
	[sflag:s14] =	ssyncset.done $0x0  }
0x11e: {  	s4 =	simm.s32 $0x2000;
	s5 =	simm.s32 $0x13;
	[sflag:s14] =	ssyncadd.s32 $0xFFFFEC00  }
0x11f: {  	[spmem:s12] =	stream.indirect.scatter.add.f32 [tilespmem:s4], [sflag:$0x14], $0x80, s16, s9, $0xb8;
	[tilespmem:$0x1C400] =	vst v63  }
0x120: {  	_ =	swait.ge [sflag:s5], $0x1400  }
0x121: {  	[sflag:s5] =	ssyncset.done $0x0  }
0x122: {  	s0 =	simm.s32 $0x7;
	[sflag:s5] =	ssyncadd.s32 $0xFFFFEC00  }
0x123: {  	_ =	swait.ge [sflag:s0], $0x28  }
0x124: {  	[sflag:s0] =	ssyncset.done $0x0  }
0x125: {  	[sflag:s0] =	ssyncadd.s32 $0xFFFFFFD8  }
0x126: {  	_ =	swait.ge [sflag:s0], $0x28  }
0x127: {  	[sflag:s0] =	ssyncset.done $0x0  }
0x128: {  	[sflag:s0] =	ssyncadd.s32 $0xFFFFFFD8  }
0x129: {  	[tilespmem:s11], [sflag:$0xD] =	stream.indirect.gather [hbm4b:s18+s9], $0x80, s10, s9, $0xb8;
	[tilespmem:$0x1C400] =	vst v63  }
0x12a: {  	s24 =	sshrl.u32 s1, $0x3;
	s8 =	rddreg [dreg:$0x0]  }
0x12b: {  	s30 =	rddreg [dreg:$0x10];
	s24 =	sadd.s32 s8, s24  }
0x12c: {  	[tilespmem:s20], [sflag:$0x1] =	stream.linear.gather [hbm4b:s24+s20], $0x28, $0x38;
	[tilespmem:$0x1C400] =	vst v63  }
0x12d: {  	s7 =	simm.s32 $0x600;
	s24 =	sadd.s32 s19, s30  }
0x12e: {  	s26 =	simm.s32 $0xF;
	s23 =	smov.u32 s1;
	s1 =	sadd.s32 $0x3C, s24  }
0x12f: {  	[tilespmem:s7], [sflag:$0x1] =	stream.linear.gather [hbm4b:s1+s20], $0x28, $0x38;
	[tilespmem:$0x1C400] =	vst v63  }
0x130: {  	_ =	swait.ge [sflag:s26], $0x1400  }
0x131: {  	s28 =	simm.s32 $0x700;
	[sflag:s26] =	ssyncset.done $0x0  }
0x132: {  	s22 =	simm.s32 $0x3400;
	s7 =	simm.s32 $0x14;
	[sflag:s26] =	ssyncadd.s32 $0xFFFFEC00  }
0x133: {  	[spmem:s12] =	stream.indirect.scatter.add.f32 [tilespmem:s22], [sflag:$0x15], $0x80, s28, s9, $0xb8;
	[tilespmem:$0x1C400] =	vst v63  }
0x134: {  	_ =	swait.ge [sflag:s7], $0x1400  }
0x135: {  	[sflag:s7] =	ssyncset.done $0x0  }
0x136: {  	s10 =	simm.s32 $0x8;
	[sflag:s7] =	ssyncadd.s32 $0xFFFFEC00  }
0x137: {  	_ =	swait.ge [sflag:s10], $0x28  }
0x138: {  	[sflag:s10] =	ssyncset.done $0x0  }
0x139: {  	[sflag:s10] =	ssyncadd.s32 $0xFFFFFFD8  }
0x13a: {  	_ =	swait.ge [sflag:s10], $0x28  }
0x13b: {  	[sflag:s10] =	ssyncset.done $0x0;
	s11 =	sld [smem:$0x7FC]  }
0x13c: {  	[sflag:s10] =	ssyncadd.s32 $0xFFFFFFD8  }
0x13d: {  	[tilespmem:s4], [sflag:$0xE] =	stream.indirect.gather [hbm4b:s18+s9], $0x80, s2, s9, $0xb8;
	[tilespmem:$0x1C400] =	vst v63  }
0x13e: {  	s8 =	sadd.s32 s19, s11;
	s11 =	simm.s32 $0x80  }
0x13f: {  	[tilespmem:s11], [sflag:$0x2] =	stream.linear.gather [hbm4b:s8+s20], $0x28, $0x38;
	[tilespmem:$0x1C400] =	vst v63  }
0x140: {  	s13 =	sadd.s32 $0x41, s24  }
0x141: {  	[tilespmem:s16], [sflag:$0x2] =	stream.linear.gather [hbm4b:s13+s20], $0x28, $0x38;
	[tilespmem:$0x1C400] =	vst v63  }
0x142: {  	_ =	swait.ge [sflag:s31], $0x1400  }
0x143: {  	s29 =	simm.s32 $0x780;
	[sflag:s31] =	ssyncset.done $0x0  }
0x144: {  	s21 =	simm.s32 $0x4800;
	s17 =	simm.s32 $0x15;
	[sflag:s31] =	ssyncadd.s32 $0xFFFFEC00  }
0x145: {  	[spmem:s12] =	stream.indirect.scatter.add.f32 [tilespmem:s21], [sflag:$0x16], $0x80, s29, s9, $0xb8;
	[tilespmem:$0x1C400] =	vst v63  }
0x146: {  	_ =	swait.ge [sflag:s17], $0x1400  }
0x147: {  	[sflag:s17] =	ssyncset.done $0x0  }
0x148: {  	s15 =	simm.s32 $0x9;
	[sflag:s17] =	ssyncadd.s32 $0xFFFFEC00  }
0x149: {  	_ =	swait.ge [sflag:s15], $0x28  }
0x14a: {  	[sflag:s15] =	ssyncset.done $0x0  }
0x14b: {  	[sflag:s15] =	ssyncadd.s32 $0xFFFFFFD8  }
0x14c: {  	_ =	swait.ge [sflag:s15], $0x28  }
0x14d: {  	[sflag:s15] =	ssyncset.done $0x0;
	s16 =	sld [smem:$0x7FB]  }
0x14e: {  	[sflag:s15] =	ssyncadd.s32 $0xFFFFFFD8  }
0x14f: {  	[tilespmem:s22], [sflag:$0xF] =	stream.indirect.gather [hbm4b:s18+s9], $0x80, s3, s9, $0xb8;
	[tilespmem:$0x1C400] =	vst v63  }
0x150: {  	s30 =	simm.s32 $0x100;
	s8 =	sadd.s32 s19, s16  }
0x151: {  	[tilespmem:s30], [sflag:$0x3] =	stream.linear.gather [hbm4b:s8+s20], $0x28, $0x38;
	[tilespmem:$0x1C400] =	vst v63  }
0x152: {  	s0 =	sadd.s32 $0x46, s24  }
0x153: {  	[tilespmem:s28], [sflag:$0x3] =	stream.linear.gather [hbm4b:s0+s20], $0x28, $0x38;
	[tilespmem:$0x1C400] =	vst v63  }
0x154: {  	_ =	swait.ge [sflag:s25], $0x1400  }
0x155: {  	s13 =	simm.s32 $0x5C00;
	[sflag:s25] =	ssyncset.done $0x0  }
0x156: {  	s15 =	simm.s32 $0x16;
	s0 =	simm.s32 $0x800;
	[sflag:s25] =	ssyncadd.s32 $0xFFFFEC00  }
0x157: {  	[spmem:s12] =	stream.indirect.scatter.add.f32 [tilespmem:s13], [sflag:$0x17], $0x80, s0, s9, $0xb8;
	[tilespmem:$0x1C400] =	vst v63  }
0x158: {  	_ =	swait.ge [sflag:s15], $0x1400  }
0x159: {  	[sflag:s15] =	ssyncset.done $0x0  }
0x15a: {  	s1 =	simm.s32 $0xA;
	[sflag:s15] =	ssyncadd.s32 $0xFFFFEC00  }
0x15b: {  	_ =	swait.ge [sflag:s1], $0x28  }
0x15c: {  	[sflag:s1] =	ssyncset.done $0x0  }
0x15d: {  	[sflag:s1] =	ssyncadd.s32 $0xFFFFFFD8  }
0x15e: {  	_ =	swait.ge [sflag:s1], $0x28  }
0x15f: {  	[sflag:s1] =	ssyncset.done $0x0;
	s3 =	sld [smem:$0x7FA]  }
0x160: {  	[sflag:s1] =	ssyncadd.s32 $0xFFFFFFD8  }
0x161: {  	[tilespmem:s21], [sflag:$0x10] =	stream.indirect.gather [hbm4b:s18+s9], $0x80, s6, s9, $0xb8;
	[tilespmem:$0x1C400] =	vst v63  }
0x162: {  	s28 =	simm.s32 $0x180;
	s8 =	sadd.s32 s19, s3  }
0x163: {  	[tilespmem:s28], [sflag:$0x4] =	stream.linear.gather [hbm4b:s8+s20], $0x28, $0x38;
	[tilespmem:$0x1C400] =	vst v63  }
0x164: {  	s30 =	simm.s32 $0x12;
	s6 =	sadd.s32 $0x4B, s24  }
0x165: {  	[tilespmem:s29], [sflag:$0x4] =	stream.linear.gather [hbm4b:s6+s20], $0x28, $0x38;
	[tilespmem:$0x1C400] =	vst v63  }
0x166: {  	_ =	swait.ge [sflag:s30], $0x1400  }
0x167: {  	s10 =	simm.s32 $0x880;
	[sflag:s30] =	ssyncset.done $0x0  }
0x168: {  	s16 =	simm.s32 $0x7000;
	s1 =	simm.s32 $0x17;
	[sflag:s30] =	ssyncadd.s32 $0xFFFFEC00  }
0x169: {  	[spmem:s12] =	stream.indirect.scatter.add.f32 [tilespmem:s16], [sflag:$0x18], $0x80, s10, s9, $0xb8;
	[tilespmem:$0x1C400] =	vst v63  }
0x16a: {  	_ =	swait.ge [sflag:s1], $0x1400  }
0x16b: {  	[sflag:s1] =	ssyncset.done $0x0  }
0x16c: {  	s8 =	simm.s32 $0xB;
	[sflag:s1] =	ssyncadd.s32 $0xFFFFEC00  }
0x16d: {  	_ =	swait.ge [sflag:s8], $0x28  }
0x16e: {  	[sflag:s8] =	ssyncset.done $0x0  }
0x16f: {  	[sflag:s8] =	ssyncadd.s32 $0xFFFFFFD8  }
0x170: {  	_ =	swait.ge [sflag:s8], $0x28  }
0x171: {  	[sflag:s8] =	ssyncset.done $0x0;
	s3 =	sld [smem:$0x7F9]  }
0x172: {  	s29 =	simm.s32 $0x500;
	[sflag:s8] =	ssyncadd.s32 $0xFFFFFFD8  }
0x173: {  	[tilespmem:s13], [sflag:$0x11] =	stream.indirect.gather [hbm4b:s18+s9], $0x80, s29, s9, $0xb8;
	[tilespmem:$0x1C400] =	vst v63  }
0x174: {  	s29 =	simm.s32 $0x200;
	s8 =	sadd.s32 s19, s3  }
0x175: {  	[tilespmem:s29], [sflag:$0x5] =	stream.linear.gather [hbm4b:s8+s20], $0x28, $0x38;
	[tilespmem:$0x1C400] =	vst v63  }
0x176: {  	s2 =	simm.s32 $0xD;
	s6 =	sadd.s32 $0x50, s24  }
0x177: {  	[tilespmem:s0], [sflag:$0x5] =	stream.linear.gather [hbm4b:s6+s20], $0x28, $0x38;
	[tilespmem:$0x1C400] =	vst v63  }
0x178: {  	_ =	swait.ge [sflag:s2], $0x1400  }
0x179: {  	s3 =	simm.s32 $0xC00;
	[sflag:s2] =	ssyncset.done $0x0  }
0x17a: {  	s0 =	simm.s32 $0x18;
	[sflag:s2] =	ssyncadd.s32 $0xFFFFEC00;
	s2 =	simm.s32 $0x900  }
0x17b: {  	[spmem:s12] =	stream.indirect.scatter.add.f32 [tilespmem:s3], [sflag:$0x13], $0x80, s2, s9, $0xb8;
	[tilespmem:$0x1C400] =	vst v63  }
0x17c: {  	_ =	swait.ge [sflag:s0], $0x1400  }
0x17d: {  	[sflag:s0] =	ssyncset.done $0x0  }
0x17e: {  	s6 =	simm.s32 $0xC;
	[sflag:s0] =	ssyncadd.s32 $0xFFFFEC00  }
0x17f: {  	_ =	swait.ge [sflag:s6], $0x28  }
0x180: {  	[sflag:s6] =	ssyncset.done $0x0  }
0x181: {  	[sflag:s6] =	ssyncadd.s32 $0xFFFFFFD8  }
0x182: {  	_ =	swait.ge [sflag:s6], $0x28  }
0x183: {  	[sflag:s6] =	ssyncset.done $0x0;
	s3 =	sld [smem:$0x7F8]  }
0x184: {  	s8 =	simm.s32 $0x580;
	[sflag:s6] =	ssyncadd.s32 $0xFFFFFFD8  }
0x185: {  	[tilespmem:s16], [sflag:$0x12] =	stream.indirect.gather [hbm4b:s18+s9], $0x80, s8, s9, $0xb8;
	[tilespmem:$0x1C400] =	vst v63  }
0x186: {  	s6 =	simm.s32 $0x280;
	s8 =	sadd.s32 s19, s3  }
0x187: {  	[tilespmem:s6], [sflag:$0x6] =	stream.linear.gather [hbm4b:s8+s20], $0x28, $0x38;
	[tilespmem:$0x1C400] =	vst v63  }
0x188: {  	s6 =	sadd.s32 $0x55, s24  }
0x189: {  	[tilespmem:s10], [sflag:$0x6] =	stream.linear.gather [hbm4b:s6+s20], $0x28, $0x38;
	[tilespmem:$0x1C400] =	vst v63  }
0x18a: {  	_ =	swait.ge [sflag:s14], $0x1400  }
0x18b: {  	[sflag:s14] =	ssyncset.done $0x0  }
0x18c: {  	s3 =	simm.s32 $0x980;
	[sflag:s14] =	ssyncadd.s32 $0xFFFFEC00  }
0x18d: {  	[spmem:s12] =	stream.indirect.scatter.add.f32 [tilespmem:s4], [sflag:$0x14], $0x80, s3, s9, $0xb8;
	[tilespmem:$0x1C400] =	vst v63  }
0x18e: {  	_ =	swait.ge [sflag:s5], $0x1400  }
0x18f: {  	[sflag:s5] =	ssyncset.done $0x0  }
0x190: {  	s8 =	simm.s32 $0x1;
	[sflag:s5] =	ssyncadd.s32 $0xFFFFEC00  }
0x191: {  	_ =	swait.ge [sflag:s8], $0x28  }
0x192: {  	[sflag:s8] =	ssyncset.done $0x0  }
0x193: {  	[sflag:s8] =	ssyncadd.s32 $0xFFFFFFD8  }
0x194: {  	_ =	swait.ge [sflag:s8], $0x28  }
0x195: {  	[sflag:s8] =	ssyncset.done $0x0;
	s5 =	sld [smem:$0x7F7]  }
0x196: {  	s14 =	simm.s32 $0xC00;
	[sflag:s8] =	ssyncadd.s32 $0xFFFFFFD8  }
0x197: {  	[tilespmem:s14], [sflag:$0xD] =	stream.indirect.gather [hbm4b:s18+s9], $0x80, s20, s9, $0xb8;
	[tilespmem:$0x1C400] =	vst v63  }
0x198: {  	s10 =	simm.s32 $0x300;
	s8 =	sadd.s32 s19, s5  }
0x199: {  	[tilespmem:s10], [sflag:$0x7] =	stream.linear.gather [hbm4b:s8+s20], $0x28, $0x38;
	[tilespmem:$0x1C400] =	vst v63  }
0x19a: {  	s6 =	sadd.s32 $0x5A, s24  }
0x19b: {  	[tilespmem:s2], [sflag:$0x7] =	stream.linear.gather [hbm4b:s6+s20], $0x28, $0x38;
	[tilespmem:$0x1C400] =	vst v63  }
0x19c: {  	_ =	swait.ge [sflag:s26], $0x1400  }
0x19d: {  	[sflag:s26] =	ssyncset.done $0x0  }
0x19e: {  	s6 =	simm.s32 $0xA00;
	[sflag:s26] =	ssyncadd.s32 $0xFFFFEC00  }
0x19f: {  	[spmem:s12] =	stream.indirect.scatter.add.f32 [tilespmem:s22], [sflag:$0x15], $0x80, s6, s9, $0xb8;
	[tilespmem:$0x1C400] =	vst v63  }
0x1a0: {  	_ =	swait.ge [sflag:s7], $0x1400  }
0x1a1: {  	[sflag:s7] =	ssyncset.done $0x0  }
0x1a2: {  	[sflag:s7] =	ssyncadd.s32 $0xFFFFEC00;
	s7 =	simm.s32 $0x2  }
0x1a3: {  	_ =	swait.ge [sflag:s7], $0x28  }
0x1a4: {  	[sflag:s7] =	ssyncset.done $0x0  }
0x1a5: {  	[sflag:s7] =	ssyncadd.s32 $0xFFFFFFD8  }
0x1a6: {  	_ =	swait.ge [sflag:s7], $0x28  }
0x1a7: {  	[sflag:s7] =	ssyncset.done $0x0  }
0x1a8: {  	[sflag:s7] =	ssyncadd.s32 $0xFFFFFFD8  }
0x1a9: {  	[tilespmem:s4], [sflag:$0xE] =	stream.indirect.gather [hbm4b:s18+s9], $0x80, s11, s9, $0xb8;
	[tilespmem:$0x1C400] =	vst v63  }
0x1aa: {  	s11 =	sld [smem:$0x7F6];
	_ =	sdelay $0x2  }
0x1ab: {  	s2 =	simm.s32 $0x380;
	s8 =	sadd.s32 s19, s11  }
0x1ac: {  	[tilespmem:s2], [sflag:$0x8] =	stream.linear.gather [hbm4b:s8+s20], $0x28, $0x38;
	[tilespmem:$0x1C400] =	vst v63  }
0x1ad: {  	s14 =	sadd.s32 $0x5F, s24  }
0x1ae: {  	[tilespmem:s3], [sflag:$0x8] =	stream.linear.gather [hbm4b:s14+s20], $0x28, $0x38;
	[tilespmem:$0x1C400] =	vst v63  }
0x1af: {  	_ =	swait.ge [sflag:s31], $0x1400  }
0x1b0: {  	[sflag:s31] =	ssyncset.done $0x0  }
0x1b1: {  	s11 =	simm.s32 $0xA80;
	[sflag:s31] =	ssyncadd.s32 $0xFFFFEC00  }
0x1b2: {  	[spmem:s12] =	stream.indirect.scatter.add.f32 [tilespmem:s21], [sflag:$0x16], $0x80, s11, s9, $0xb8;
	[tilespmem:$0x1C400] =	vst v63  }
0x1b3: {  	_ =	swait.ge [sflag:s17], $0x1400  }
0x1b4: {  	[sflag:s17] =	ssyncset.done $0x0  }
0x1b5: {  	[sflag:s17] =	ssyncadd.s32 $0xFFFFEC00;
	s17 =	simm.s32 $0x3  }
0x1b6: {  	_ =	swait.ge [sflag:s17], $0x28  }
0x1b7: {  	[sflag:s17] =	ssyncset.done $0x0  }
0x1b8: {  	[sflag:s17] =	ssyncadd.s32 $0xFFFFFFD8  }
0x1b9: {  	_ =	swait.ge [sflag:s17], $0x28  }
0x1ba: {  	[sflag:s17] =	ssyncset.done $0x0;
	s4 =	sld [smem:$0x7F5]  }
0x1bb: {  	s26 =	simm.s32 $0x100;
	[sflag:s17] =	ssyncadd.s32 $0xFFFFFFD8  }
0x1bc: {  	[tilespmem:s22], [sflag:$0xF] =	stream.indirect.gather [hbm4b:s18+s9], $0x80, s26, s9, $0xb8;
	[tilespmem:$0x1C400] =	vst v63  }
0x1bd: {  	s3 =	simm.s32 $0x400;
	s8 =	sadd.s32 s19, s4  }
0x1be: {  	[tilespmem:s3], [sflag:$0x9] =	stream.linear.gather [hbm4b:s8+s20], $0x28, $0x38;
	[tilespmem:$0x1C400] =	vst v63  }
0x1bf: {  	s5 =	sadd.s32 $0x64, s24  }
0x1c0: {  	[tilespmem:s6], [sflag:$0x9] =	stream.linear.gather [hbm4b:s5+s20], $0x28, $0x38;
	[tilespmem:$0x1C400] =	vst v63  }
0x1c1: {  	_ =	swait.ge [sflag:s25], $0x1400  }
0x1c2: {  	[sflag:s25] =	ssyncset.done $0x0  }
0x1c3: {  	s7 =	simm.s32 $0xB00;
	[sflag:s25] =	ssyncadd.s32 $0xFFFFEC00  }
0x1c4: {  	[spmem:s12] =	stream.indirect.scatter.add.f32 [tilespmem:s13], [sflag:$0x17], $0x80, s7, s9, $0xb8;
	[tilespmem:$0x1C400] =	vst v63  }
0x1c5: {  	_ =	swait.ge [sflag:s15], $0x1400  }
0x1c6: {  	[sflag:s15] =	ssyncset.done $0x0  }
0x1c7: {  	s14 =	simm.s32 $0x4;
	[sflag:s15] =	ssyncadd.s32 $0xFFFFEC00  }
0x1c8: {  	_ =	swait.ge [sflag:s14], $0x28  }
0x1c9: {  	[sflag:s14] =	ssyncset.done $0x0  }
0x1ca: {  	[sflag:s14] =	ssyncadd.s32 $0xFFFFFFD8  }
0x1cb: {  	_ =	swait.ge [sflag:s14], $0x28  }
0x1cc: {  	[sflag:s14] =	ssyncset.done $0x0;
	s15 =	sld [smem:$0x7F4]  }
0x1cd: {  	[sflag:s14] =	ssyncadd.s32 $0xFFFFFFD8  }
0x1ce: {  	[tilespmem:s21], [sflag:$0x10] =	stream.indirect.gather [hbm4b:s18+s9], $0x80, s28, s9, $0xb8;
	[tilespmem:$0x1C400] =	vst v63  }
0x1cf: {  	s6 =	simm.s32 $0x480;
	s8 =	sadd.s32 s19, s15  }
0x1d0: {  	[tilespmem:s6], [sflag:$0xA] =	stream.linear.gather [hbm4b:s8+s20], $0x28, $0x38;
	[tilespmem:$0x1C400] =	vst v63  }
0x1d1: {  	s17 =	sadd.s32 $0x69, s24  }
0x1d2: {  	[tilespmem:s11], [sflag:$0xA] =	stream.linear.gather [hbm4b:s17+s20], $0x28, $0x38;
	[tilespmem:$0x1C400] =	vst v63  }
0x1d3: {  	_ =	swait.ge [sflag:s30], $0x1400  }
0x1d4: {  	[sflag:s30] =	ssyncset.done $0x0  }
0x1d5: {  	s21 =	simm.s32 $0xB80;
	[sflag:s30] =	ssyncadd.s32 $0xFFFFEC00  }
0x1d6: {  	[spmem:s12] =	stream.indirect.scatter.add.f32 [tilespmem:s16], [sflag:$0x18], $0x80, s21, s9, $0xb8;
	[tilespmem:$0x1C400] =	vst v63  }
0x1d7: {  	_ =	swait.ge [sflag:s1], $0x1400  }
0x1d8: {  	[sflag:s1] =	ssyncset.done $0x0  }
0x1d9: {  	s22 =	simm.s32 $0x5;
	[sflag:s1] =	ssyncadd.s32 $0xFFFFEC00  }
0x1da: {  	_ =	swait.ge [sflag:s22], $0x28  }
0x1db: {  	[sflag:s22] =	ssyncset.done $0x0  }
0x1dc: {  	[sflag:s22] =	ssyncadd.s32 $0xFFFFFFD8  }
0x1dd: {  	_ =	swait.ge [sflag:s22], $0x28  }
0x1de: {  	p0 =	seq.s32 s19, $0x474;
	[sflag:s22] =	ssyncset.done $0x0;
	s8 =	sld [smem:$0x7F3]  }
0x1df: {  	s11 =	simm.s32 @!p0 $0x0;
	[sflag:s22] =	ssyncadd.s32 $0xFFFFFFD8  }
0x1e0: {  	[tilespmem:s13], [sflag:$0x11] =	stream.indirect.gather [hbm4b:s18+s9], $0x80, s29, s9, $0xb8;
	[tilespmem:$0x1C400] =	vst v63  }
0x1e1: {  	s16 =	simm.s32 @!p0 $0x500;
	s1 =	rddreg [dreg:$0x10];
	s8 =	sadd.s32 @!p0 s19, s8  }
0x1e2: {  	[tilespmem:s16], [sflag:$0xB] =	stream.linear.gather @!p0 [hbm4b:s8+s11], $0x28, $0x38;
	[tilespmem:$0x1C400] =	vst v63  }
0x1e3: {  	s8 =	sadd.s32 @!p0 s19, s1  }
0x1e4: {  	s13 =	simm.s32 $0xD;
	s16 =	simm.s32 @!p0 $0xB00;
	s8 =	sadd.s32 @!p0 $0x6E, s8  }
0x1e5: {  	[tilespmem:s16], [sflag:$0xB] =	stream.linear.gather @!p0 [hbm4b:s8+s11], $0x28, $0x38;
	[tilespmem:$0x1C400] =	vst v63  }
0x1e6: {  	_ =	swait.ge [sflag:s13], $0x1400  }
0x1e7: {  	[sflag:s13] =	ssyncset.done $0x0  }
0x1e8: {  	s26 =	simm.s32 $0xC00;
	s28 =	simm.s32 $0x600;
	[sflag:s13] =	ssyncadd.s32 $0xFFFFEC00  }
0x1e9: {  	[spmem:s12] =	stream.indirect.scatter.add.f32 [tilespmem:s26], [sflag:$0x13], $0x80, s28, s9, $0xb8;
	[tilespmem:$0x1C400] =	vst v63  }
0x1ea: {  	_ =	swait.ge [sflag:s0], $0x1400  }
0x1eb: {  	[sflag:s0] =	ssyncset.done $0x0  }
0x1ec: {  	s29 =	simm.s32 $0x6;
	[sflag:s0] =	ssyncadd.s32 $0xFFFFEC00  }
0x1ed: {  	_ =	swait.ge [sflag:s29], $0x28  }
0x1ee: {  	[sflag:s29] =	ssyncset.done $0x0  }
.Ltmp2:
0x1ef: {  	[sflag:s29] =	ssyncadd.s32 $0xFFFFFFD8;
	(pc) =	sbr.rel @p0 .LBB2_4-.Ltmp2, $4  }
0x1f0: {  	_ =	swait.ge [sflag:s29], $0x28  }
0x1f1: {  	s30 =	simm.s32 $0x280;
	s16 =	simm.s32 $0x7000;
	[sflag:s29] =	ssyncset.done $0x0  }
0x1f2: {  	s11 =	simm.s32 $0xC00;
	s0 =	simm.s32 $0xB80;
	[sflag:s29] =	ssyncadd.s32 $0xFFFFFFD8  }
0x1f3: {  	[tilespmem:s16], [sflag:$0x12] =	stream.indirect.gather [hbm4b:s18+s9], $0x80, s30, s9, $0xb8;
	[tilespmem:$0x1C400] =	vst v63  }
0x1f4: {  	s8 =	sld [smem:$0x7F2];
	_ =	sdelay $0x1  }
.Ltmp3:
0x1f5: {  	_ = 	snop;
	(pc) =	sbr.rel .LBB2_2-.Ltmp3, $4  }
0x1f6: {  	s1 =	simm.s32 $0x580;
	s8 =	sadd.s32 s19, s8  }
0x1f7: {  	[tilespmem:s1], [sflag:$0xC] =	stream.linear.gather [hbm4b:s8+s20], $0x28, $0x38;
	[tilespmem:$0x1C400] =	vst v63  }
0x1f8: {  	s30 =	sadd.s32 $0x73, s24;
	s19 =	sadd.s32 $0x3C, s19;
	s1 =	sadd.s32 $0x1E0, s23  }
0x1f9: {  	[tilespmem:s0], [sflag:$0xC] =	stream.linear.gather [hbm4b:s30+s20], $0x28, $0x38;
	[tilespmem:$0x1C400] =	vst v63  }
.LBB2_5:
0x1fa: {  	_ =	sfence.sel $0x180000  }
0x1fb: {  	[bflag:$0x0] =	sbarrier.arrive $0xFFFF  }
0x1fc: {  	_ =	strace $0x9000004A  }
0x1fd: {  	s0 =	stileid.u32;
	[bflag:$0x2] =	sbarrier.arrive $0xFFFF  }
0x1fe: {  	p0 =	sne.s32 s0, $0x0;
	s0 =	rddreg [dreg:$0x3]  }
0x1ff: {  	s0 =	sadd.s32 @!p0 $0x100000, s0  }
0x200: {  	[sflag:s0] =	ssyncadd.tile.s32 @!p0 $0x1;
	_ =	shalt  }
.Lfunc_end2:
_tile_overlayer_lowered:
.L_overlay_start_2:
0x201: {  	(tag) =	ssettag $0x2  }
0x202: {  	s0 =	rddreg [dreg:$0x0];
	s2 =	stileid.u32  }
0x203: {  	s1 =	rddreg [dreg:$0x1];
	p0 =	sne.s32 s2, $0x0  }
0x204: {  	s3 =	rddreg [dreg:$0x2];
	[bflag:$0x3] =	sbarrier.arrive $0xFFFF;
	s2 =	simm.s32 @!p0 $0x1C19  }
0x205: {  	[timem:s3], [sflag:s2] =	dma.local @!p0 [hbm:s0], s1  }
0x206: {  	s0 =	simm.s32 @!p0 $0x19  }
0x207: {  	_ =	swait.ge @!p0 [sflag:s0], s1  }
0x208: {  	s1 =	ssub.s32 @!p0 $0x0, s1;
	[sflag:s0] =	ssyncset.done @!p0 $0x0  }
0x209: {  	[sflag:s0] =	ssyncadd.s32 @!p0 s1  }
0x20a: {  	[bflag:$0x3] =	sbarrier.arrive $0xFFFF  }
0x20b: {  	_ =	shalt  }

</sc_bundles>
